<compile_context>
chip_gen: v7x
topology: tpu7x:2x2x1
jax: 0.10.2.dev20260603
libtpu: 0.0.44.dev20260713+nightly
codegen_flags: <defaults>
</compile_context>

<pallas_src>
import functools

import jax
import jax.numpy as jnp
from jax import lax
from jax.experimental import pallas as pl
from jax.experimental.pallas import tpu as pltpu
from jax.experimental.pallas import tpu_sc as plsc

N_NODES = 10000
N_EDGES = 320000
IN_FEATS = 128
N_HIDDEN = 32
DIM_Z = 16

NUM_CORES = 2
NUM_SUBCORES = 16
NUM_TILES = NUM_CORES * NUM_SUBCORES
E_PER_TILE = N_EDGES // NUM_TILES
CHUNK = 80
NCHUNKS = E_PER_TILE // CHUNK
ROWS_PER_SUBCORE = N_NODES // NUM_SUBCORES
D = 32

_MESH = plsc.VectorSubcoreMesh(core_axis_name="c", subcore_axis_name="s")


def _seg_gather_sum(src2, dst2, h, zeros_stripe):

  def body(src2_hbm, dst2_hbm, h_hbm, zeros_hbm, out_hbm, sidx, didx,
           rows0, rows1, rows2, rows3, acc, hsh,
           gsem0, gsem1, gsem2, gsem3, ssem0, ssem1, ssem2, ssem3):
    cid = lax.axis_index("c")
    sid = lax.axis_index("s")
    wid = cid * NUM_SUBCORES + sid
    r0 = sid * ROWS_PER_SUBCORE
    pltpu.sync_copy(zeros_hbm, acc.at[pl.ds(r0, ROWS_PER_SUBCORE)])
    pltpu.sync_copy(h_hbm.at[sid], hsh.at[pl.ds(r0, ROWS_PER_SUBCORE)])
    pltpu.sync_copy(src2_hbm.at[wid], sidx)
    pltpu.sync_copy(dst2_hbm.at[wid], didx)
    plsc.subcore_barrier()

    rows = (rows0, rows1, rows2, rows3)
    gsem = (gsem0, gsem1, gsem2, gsem3)
    ssem = (ssem0, ssem1, ssem2, ssem3)

    def wait_gather(i, b):
      pltpu.make_async_copy(hsh.at[sidx.at[i]], rows[b], gsem[b]).wait()

    def issue_gather(i, b):
      pltpu.async_copy(hsh.at[sidx.at[i]], rows[b], gsem[b])

    def issue_scatter(i, b):
      pltpu.async_copy(rows[b], acc.at[didx.at[i]], ssem[b], add=True)

    def wait_scatter(i, b):
      pltpu.make_async_copy(rows[b], acc.at[didx.at[i]], ssem[b]).wait()

    for b in (0, 1, 2):
      issue_gather(b, b)
    wait_gather(0, 0)
    issue_scatter(0, 0)
    issue_gather(3, 3)

    def group(g, carry):
      for k in range(4):
        i = 4 * g + 1 + k
        b = (1 + k) % 4
        wait_gather(i, b)
        issue_scatter(i, b)
        wait_scatter(i - 1, (b + 3) % 4)
        issue_gather(i + 3, (b + 3) % 4)
      return carry

    lax.fori_loop(0, 30, group, 0)
    i = 121
    wait_gather(i, 1)
    issue_scatter(i, 1)
    wait_scatter(i - 1, 0)
    issue_gather(i + 3, 0)
    for i, b in ((122, 2), (123, 3), (124, 0)):
      wait_gather(i, b)
      issue_scatter(i, b)
      wait_scatter(i - 1, (b + 3) % 4)
    wait_scatter(NCHUNKS - 1, 0)

    plsc.subcore_barrier()
    pltpu.sync_copy(acc.at[pl.ds(r0, ROWS_PER_SUBCORE)], out_hbm.at[cid, sid])

  k = pl.kernel(
      body,
      out_type=jax.ShapeDtypeStruct(
          (NUM_CORES, NUM_SUBCORES, ROWS_PER_SUBCORE, D), jnp.float32),
      mesh=_MESH,
      scratch_types=[
          pltpu.VMEM((NCHUNKS, CHUNK), jnp.int32),
          pltpu.VMEM((NCHUNKS, CHUNK), jnp.int32),
          pltpu.VMEM((CHUNK, D), jnp.float32),
          pltpu.VMEM((CHUNK, D), jnp.float32),
          pltpu.VMEM((CHUNK, D), jnp.float32),
          pltpu.VMEM((CHUNK, D), jnp.float32),
          pltpu.VMEM_SHARED((N_NODES, D), jnp.float32),
          pltpu.VMEM_SHARED((N_NODES, D), jnp.float32),
          pltpu.SemaphoreType.DMA,
          pltpu.SemaphoreType.DMA,
          pltpu.SemaphoreType.DMA,
          pltpu.SemaphoreType.DMA,
          pltpu.SemaphoreType.DMA,
          pltpu.SemaphoreType.DMA,
          pltpu.SemaphoreType.DMA,
          pltpu.SemaphoreType.DMA,
      ],
      compiler_params=pltpu.CompilerParams(use_tc_tiling_on_sc=False),
  )
  h3 = h.reshape(NUM_SUBCORES, ROWS_PER_SUBCORE, D)
  return k(src2, dst2, h3, zeros_stripe).reshape(NUM_CORES, N_NODES, D)


D_DEG = 16


def _seg_degree(dst2, zeros_stripe16):

  def body(dst2_hbm, zeros_hbm, out_hbm, didx, rows, acc,
           ssem0, ssem1, ssem2, ssem3):
    cid = lax.axis_index("c")
    sid = lax.axis_index("s")
    wid = cid * NUM_SUBCORES + sid
    r0 = sid * ROWS_PER_SUBCORE
    pltpu.sync_copy(zeros_hbm, acc.at[pl.ds(r0, ROWS_PER_SUBCORE)])
    pltpu.sync_copy(dst2_hbm.at[wid], didx)

    def fill(i, carry):
      rows[i, pl.ds(0, 16)] = jnp.ones((16,), jnp.float32)
      return carry

    lax.fori_loop(0, CHUNK, fill, 0)
    plsc.subcore_barrier()

    ssem = (ssem0, ssem1, ssem2, ssem3)

    def issue(i, b):
      pltpu.async_copy(rows, acc.at[didx.at[i]], ssem[b], add=True)

    def wait(i, b):
      pltpu.make_async_copy(rows, acc.at[didx.at[i]], ssem[b]).wait()

    for b in range(4):
      issue(b, b)

    def group(g, carry):
      for k in range(4):
        i = 4 * g + k
        wait(i - 4, k)
        issue(i, k)
      return carry

    lax.fori_loop(1, 31, group, 0)
    wait(120, 0)
    issue(124, 0)
    for i, b in ((121, 1), (122, 2), (123, 3), (124, 0)):
      wait(i, b)
    plsc.subcore_barrier()
    pltpu.sync_copy(acc.at[pl.ds(r0, ROWS_PER_SUBCORE)], out_hbm.at[cid, sid])

  k = pl.kernel(
      body,
      out_type=jax.ShapeDtypeStruct(
          (NUM_CORES, NUM_SUBCORES, ROWS_PER_SUBCORE, D_DEG), jnp.float32),
      mesh=_MESH,
      scratch_types=[
          pltpu.VMEM((NCHUNKS, CHUNK), jnp.int32),
          pltpu.VMEM((CHUNK, D_DEG), jnp.float32),
          pltpu.VMEM_SHARED((N_NODES, D_DEG), jnp.float32),
          pltpu.SemaphoreType.DMA,
          pltpu.SemaphoreType.DMA,
          pltpu.SemaphoreType.DMA,
          pltpu.SemaphoreType.DMA,
      ],
      compiler_params=pltpu.CompilerParams(use_tc_tiling_on_sc=False),
  )
  return k(dst2, zeros_stripe16).reshape(NUM_CORES, N_NODES, D_DEG)


BR = 1000


def _norm_block(deg_block):
  deg = deg_block[0, :, 0:1] + deg_block[1, :, 0:1]
  return jnp.where(deg > 0, lax.rsqrt(deg), 0.0)


def _tc1(deg_part, features, W_base):
  def body(deg_ref, x_ref, w_ref, o_ref):
    norm = _norm_block(deg_ref[...])
    o_ref[...] = jnp.dot(x_ref[...], w_ref[...],
                         preferred_element_type=jnp.float32) * norm

  return pl.pallas_call(
      body,
      grid=(N_NODES // BR,),
      in_specs=[
          pl.BlockSpec((NUM_CORES, BR, D_DEG), lambda i: (0, i, 0)),
          pl.BlockSpec((BR, IN_FEATS), lambda i: (i, 0)),
          pl.BlockSpec((IN_FEATS, N_HIDDEN), lambda i: (0, 0)),
      ],
      out_specs=pl.BlockSpec((BR, N_HIDDEN), lambda i: (i, 0)),
      out_shape=jax.ShapeDtypeStruct((N_NODES, N_HIDDEN), jnp.float32),
  )(deg_part, features, W_base)


def _tc2(deg_part, hid_part, W_cat):
  def body(deg_ref, hp_ref, w_ref, o_ref):
    norm = _norm_block(deg_ref[...])
    hidden = (hp_ref[0] + hp_ref[1]) * norm
    o_ref[...] = jnp.dot(hidden, w_ref[...],
                         preferred_element_type=jnp.float32) * norm

  return pl.pallas_call(
      body,
      grid=(N_NODES // BR,),
      in_specs=[
          pl.BlockSpec((NUM_CORES, BR, D_DEG), lambda i: (0, i, 0)),
          pl.BlockSpec((NUM_CORES, BR, D), lambda i: (0, i, 0)),
          pl.BlockSpec((N_HIDDEN, 2 * DIM_Z), lambda i: (0, 0)),
      ],
      out_specs=pl.BlockSpec((BR, 2 * DIM_Z), lambda i: (i, 0)),
      out_shape=jax.ShapeDtypeStruct((N_NODES, 2 * DIM_Z), jnp.float32),
  )(deg_part, hid_part, W_cat)


def _tc3(deg_part, ml_part, noise):
  def body(deg_ref, mp_ref, n_ref, o_ref):
    norm = _norm_block(deg_ref[...])
    h = (mp_ref[0] + mp_ref[1]) * norm
    mean = jnp.maximum(h[:, :DIM_Z], 0.0)
    logstd = jnp.maximum(h[:, DIM_Z:], 0.0)
    o_ref[...] = n_ref[...] * jnp.exp(logstd) + mean

  return pl.pallas_call(
      body,
      grid=(N_NODES // BR,),
      in_specs=[
          pl.BlockSpec((NUM_CORES, BR, D_DEG), lambda i: (0, i, 0)),
          pl.BlockSpec((NUM_CORES, BR, D), lambda i: (0, i, 0)),
          pl.BlockSpec((BR, DIM_Z), lambda i: (i, 0)),
      ],
      out_specs=pl.BlockSpec((BR, DIM_Z), lambda i: (i, 0)),
      out_shape=jax.ShapeDtypeStruct((N_NODES, DIM_Z), jnp.float32),
  )(deg_part, ml_part, noise)


BR4 = 400


def _tc4(Z):
  def body(zi_ref, zj_ref, o_ref):
    o_ref[...] = lax.dot_general(zi_ref[...], zj_ref[...],
                                 (((1,), (1,)), ((), ())),
                                 preferred_element_type=jnp.float32)

  return pl.pallas_call(
      body,
      grid=(N_NODES // BR4,),
      in_specs=[
          pl.BlockSpec((BR4, DIM_Z), lambda i: (i, 0)),
          pl.BlockSpec((N_NODES, DIM_Z), lambda i: (0, 0)),
      ],
      out_specs=pl.BlockSpec((BR4, N_NODES), lambda i: (i, 0)),
      out_shape=jax.ShapeDtypeStruct((N_NODES, N_NODES), jnp.float32),
  )(Z, Z)


def kernel(features, edge_index, W_base, W_mean, W_logstd):
  src2 = edge_index[0].reshape(NUM_TILES, NCHUNKS, CHUNK)
  dst2 = edge_index[1].reshape(NUM_TILES, NCHUNKS, CHUNK)
  zeros_stripe = jnp.zeros((ROWS_PER_SUBCORE, D), jnp.float32)
  zeros_stripe16 = jnp.zeros((ROWS_PER_SUBCORE, D_DEG), jnp.float32)

  deg_part = _seg_degree(dst2, zeros_stripe16)
  h1pre = _tc1(deg_part, features, W_base)
  hid_part = _seg_gather_sum(src2, dst2, h1pre, zeros_stripe)
  W_cat = jnp.concatenate([W_mean, W_logstd], axis=1)
  mlpre = _tc2(deg_part, hid_part, W_cat)
  ml_part = _seg_gather_sum(src2, dst2, mlpre, zeros_stripe)
  noise = jax.random.normal(jax.random.key(42), (N_NODES, DIM_Z), jnp.float32)
  Z = _tc3(deg_part, ml_part, noise)
  return _tc4(Z)

# --- scband reference (transcript-rebuilt; emitter-appended) ---
"""Pipeline reference for scband-vgae-31018253811968 (READ-ONLY COPY).

The authoritative reference and input builder live on the scoring server;
editing this copy changes nothing except your own understanding.
"""

import jax, jax.numpy as jnp
import numpy as np

N_NODES = 10000
N_EDGES = 320000
IN_FEATS = 128
N_HIDDEN = 32
DIM_Z = 16


def _uniform_weight(key, in_f, out_f):
    stdv = 1.0 / np.sqrt(out_f)
    return jax.random.uniform(key, (in_f, out_f), jnp.float32, -stdv, stdv)


def setup_inputs(seed: int = 0) -> dict:
    key = jax.random.key(seed)
    k1, k2, k3, k4, k5 = jax.random.split(key, 5)
    features = jax.random.normal(k1, (N_NODES, IN_FEATS), jnp.float32)
    edge_index = jax.random.randint(k2, (2, N_EDGES), 0, N_NODES, jnp.int32)
    W_base = _uniform_weight(k3, IN_FEATS, N_HIDDEN)
    W_mean = _uniform_weight(k4, N_HIDDEN, DIM_Z)
    W_logstd = _uniform_weight(k5, N_HIDDEN, DIM_Z)
    return {"features": features, "edge_index": edge_index,
            "W_base": W_base, "W_mean": W_mean, "W_logstd": W_logstd}


def reference(features, edge_index, W_base, W_mean, W_logstd):
    src = edge_index[0]
    dst = edge_index[1]
    # symmetric-normalization factor norm = deg^{-1/2} (DGL-style g.ndata['norm'])
    deg = jax.ops.segment_sum(jnp.ones((src.shape[0],), jnp.float32), dst,
                              num_segments=N_NODES)
    norm = jnp.where(deg > 0, deg ** -0.5, 0.0)[:, None]

    def gcn_layer(h, W, act):
        h = h @ W
        h = h * norm
        # message passing: copy_src -> sum at dst
        msgs = jnp.take(h, src, axis=0)
        h = jax.ops.segment_sum(msgs, dst, num_segments=N_NODES)
        h = h * norm
        if act is not None:
            h = act(h)
        return h

    hidden = gcn_layer(features, W_base, None)
    mean = gcn_layer(hidden, W_mean, jax.nn.relu)
    logstd = gcn_layer(hidden, W_logstd, jax.nn.relu)
    # reparameterization: fixed-key gaussian noise (torch.randn_like analogue)
    gaussian_noise = jax.random.normal(jax.random.key(42), mean.shape, mean.dtype)
    Z = gaussian_noise * jnp.exp(logstd) + mean
    adj_logits = Z @ Z.T
    return adj_logits

if __name__ == "__main__":
    import jax
    _d = setup_inputs()
    print(jax.jit(kernel)(*tuple(_d.values())))

</pallas_src>

<mosaic_0001>
#map = affine_map<(d0, d1) -> (0, 0, 0)>
#map1 = affine_map<(d0, d1) -> (0, 0)>
#map2 = affine_map<(d0, d1) -> (0, 0, 0, 0)>
module attributes {stable_mosaic.version = 14 : i64} {
  func.func @body(%arg0: i32, %arg1: i32, %arg2: memref<32x125x80xi32, #tpu.memory_space<hbm>>, %arg3: memref<32x125x80xi32, #tpu.memory_space<hbm>>, %arg4: memref<16x625x32xf32, #tpu.memory_space<hbm>>, %arg5: memref<625x32xf32, #tpu.memory_space<hbm>>, %arg6: memref<2x16x625x32xf32, #tpu.memory_space<hbm>>, %arg7: memref<125x80xi32, #tpu.memory_space<vmem>>, %arg8: memref<125x80xi32, #tpu.memory_space<vmem>>, %arg9: memref<80x32xf32, #tpu.memory_space<vmem>>, %arg10: memref<80x32xf32, #tpu.memory_space<vmem>>, %arg11: memref<80x32xf32, #tpu.memory_space<vmem>>, %arg12: memref<80x32xf32, #tpu.memory_space<vmem>>, %arg13: memref<10000x32xf32, #tpu.memory_space<vmem_shared>>, %arg14: memref<10000x32xf32, #tpu.memory_space<vmem_shared>>, %arg15: memref<!tpu.dma_semaphore, #tpu.memory_space<semaphore_mem>>, %arg16: memref<!tpu.dma_semaphore, #tpu.memory_space<semaphore_mem>>, %arg17: memref<!tpu.dma_semaphore, #tpu.memory_space<semaphore_mem>>, %arg18: memref<!tpu.dma_semaphore, #tpu.memory_space<semaphore_mem>>, %arg19: memref<!tpu.dma_semaphore, #tpu.memory_space<semaphore_mem>>, %arg20: memref<!tpu.dma_semaphore, #tpu.memory_space<semaphore_mem>>, %arg21: memref<!tpu.dma_semaphore, #tpu.memory_space<semaphore_mem>>, %arg22: memref<!tpu.dma_semaphore, #tpu.memory_space<semaphore_mem>>) attributes {dimension_semantics = [#tpu.dimension_semantics<core_parallel>, #tpu.dimension_semantics<subcore_parallel>], iteration_bounds = array<i64: 2, 16>, scalar_prefetch = 0 : i64, scratch_operands = 16 : i64, tpu.core_type = #tpu.core_type<sc_vector_subcore>, window_params = [{transform_indices = #map}, {transform_indices = #map}, {transform_indices = #map}, {transform_indices = #map1}, {transform_indices = #map2}]} {
    %mul3A = arith.constant 16 : i32
    %mul3A_0 = arith.muli %arg0, %mul3A : i32
    %add3A = arith.addi %mul3A_0, %arg1 : i32
    %mul3A_1 = arith.constant 625 : i32
    %mul3A_2 = arith.muli %arg1, %mul3A_1 : i32
    "tpu.region"() ({
      %run_scoped3A = tpu.sem_alloc : memref<!tpu.dma_semaphore, #tpu.memory_space<semaphore_mem>>
      %dma_start3A_147 = arith.constant 0 : i32
      %dma_start3A_148 = tpu.memref_slice %arg13[%mul3A_2, %dma_start3A_147] : memref<10000x32xf32, #tpu.memory_space<vmem_shared>> -> memref<625x32xf32, #tpu.memory_space<vmem_shared>>
      tpu.enqueue_dma source(%arg5 : memref<625x32xf32, #tpu.memory_space<hbm>>) target(%dma_start3A_148 : memref<625x32xf32, #tpu.memory_space<vmem_shared>>) target_semaphore(%run_scoped3A : memref<!tpu.dma_semaphore, #tpu.memory_space<semaphore_mem>>)
      %dma_wait3A_149 = arith.constant 0 : i32
      %dma_wait3A_150 = tpu.memref_slice %arg13[%mul3A_2, %dma_wait3A_149] : memref<10000x32xf32, #tpu.memory_space<vmem_shared>> -> memref<625x32xf32, #tpu.memory_space<vmem_shared>>
      tpu.wait_dma2 semaphore(%run_scoped3A : memref<!tpu.dma_semaphore, #tpu.memory_space<semaphore_mem>>) src(%arg5 : memref<625x32xf32, #tpu.memory_space<hbm>>) dst(%dma_wait3A_150 : memref<625x32xf32, #tpu.memory_space<vmem_shared>>)
      tpu.yield
    }) : () -> ()
    "tpu.region"() ({
      %run_scoped3A = tpu.sem_alloc : memref<!tpu.dma_semaphore, #tpu.memory_space<semaphore_mem>>
      %dma_start3A_147 = arith.constant 0 : i32
      %dma_start3A_148 = tpu.memref_slice %arg14[%mul3A_2, %dma_start3A_147] : memref<10000x32xf32, #tpu.memory_space<vmem_shared>> -> memref<625x32xf32, #tpu.memory_space<vmem_shared>>
      %dma_start3A_149 = arith.constant 0 : i32
      %dma_start3A_150 = arith.constant 0 : i32
      %dma_start3A_151 = tpu.memref_slice %arg4[%arg1, %dma_start3A_149, %dma_start3A_150] : memref<16x625x32xf32, #tpu.memory_space<hbm>> -> memref<1x625x32xf32, #tpu.memory_space<hbm>>
      %dma_start3A_152 = tpu.memref_squeeze %dma_start3A_151 : memref<1x625x32xf32, #tpu.memory_space<hbm>> -> memref<625x32xf32, #tpu.memory_space<hbm>>
      tpu.enqueue_dma source(%dma_start3A_152 : memref<625x32xf32, #tpu.memory_space<hbm>>) target(%dma_start3A_148 : memref<625x32xf32, #tpu.memory_space<vmem_shared>>) target_semaphore(%run_scoped3A : memref<!tpu.dma_semaphore, #tpu.memory_space<semaphore_mem>>)
      %dma_wait3A_153 = arith.constant 0 : i32
      %dma_wait3A_154 = tpu.memref_slice %arg14[%mul3A_2, %dma_wait3A_153] : memref<10000x32xf32, #tpu.memory_space<vmem_shared>> -> memref<625x32xf32, #tpu.memory_space<vmem_shared>>
      %dma_wait3A_155 = arith.constant 0 : i32
      %dma_wait3A_156 = arith.constant 0 : i32
      %dma_wait3A_157 = tpu.memref_slice %arg4[%arg1, %dma_wait3A_155, %dma_wait3A_156] : memref<16x625x32xf32, #tpu.memory_space<hbm>> -> memref<1x625x32xf32, #tpu.memory_space<hbm>>
      %dma_wait3A_158 = tpu.memref_squeeze %dma_wait3A_157 : memref<1x625x32xf32, #tpu.memory_space<hbm>> -> memref<625x32xf32, #tpu.memory_space<hbm>>
      tpu.wait_dma2 semaphore(%run_scoped3A : memref<!tpu.dma_semaphore, #tpu.memory_space<semaphore_mem>>) src(%dma_wait3A_158 : memref<625x32xf32, #tpu.memory_space<hbm>>) dst(%dma_wait3A_154 : memref<625x32xf32, #tpu.memory_space<vmem_shared>>)
      tpu.yield
    }) : () -> ()
    "tpu.region"() ({
      %run_scoped3A = tpu.sem_alloc : memref<!tpu.dma_semaphore, #tpu.memory_space<semaphore_mem>>
      %dma_start3A_147 = arith.constant 0 : i32
      %dma_start3A_148 = arith.constant 0 : i32
      %dma_start3A_149 = tpu.memref_slice %arg2[%add3A, %dma_start3A_147, %dma_start3A_148] : memref<32x125x80xi32, #tpu.memory_space<hbm>> -> memref<1x125x80xi32, #tpu.memory_space<hbm>>
      %dma_start3A_150 = tpu.memref_squeeze %dma_start3A_149 : memref<1x125x80xi32, #tpu.memory_space<hbm>> -> memref<125x80xi32, #tpu.memory_space<hbm>>
      %dma_start3A_151 = arith.constant 0 : i32
      %dma_start3A_152 = arith.constant 0 : i32
      %dma_start3A_153 = tpu.memref_slice %arg2[%add3A, %dma_start3A_151, %dma_start3A_152] : memref<32x125x80xi32, #tpu.memory_space<hbm>> -> memref<1x125x80xi32, #tpu.memory_space<hbm>>
      %dma_start3A_154 = tpu.memref_squeeze %dma_start3A_153 : memref<1x125x80xi32, #tpu.memory_space<hbm>> -> memref<125x80xi32, #tpu.memory_space<hbm>>
      tpu.enqueue_dma source(%dma_start3A_154 : memref<125x80xi32, #tpu.memory_space<hbm>>) target(%arg7 : memref<125x80xi32, #tpu.memory_space<vmem>>) target_semaphore(%run_scoped3A : memref<!tpu.dma_semaphore, #tpu.memory_space<semaphore_mem>>)
      %dma_wait3A_155 = arith.constant 0 : i32
      %dma_wait3A_156 = arith.constant 0 : i32
      %dma_wait3A_157 = tpu.memref_slice %arg2[%add3A, %dma_wait3A_155, %dma_wait3A_156] : memref<32x125x80xi32, #tpu.memory_space<hbm>> -> memref<1x125x80xi32, #tpu.memory_space<hbm>>
      %dma_wait3A_158 = tpu.memref_squeeze %dma_wait3A_157 : memref<1x125x80xi32, #tpu.memory_space<hbm>> -> memref<125x80xi32, #tpu.memory_space<hbm>>
      %dma_wait3A_159 = arith.constant 0 : i32
      %dma_wait3A_160 = arith.constant 0 : i32
      %dma_wait3A_161 = tpu.memref_slice %arg2[%add3A, %dma_wait3A_159, %dma_wait3A_160] : memref<32x125x80xi32, #tpu.memory_space<hbm>> -> memref<1x125x80xi32, #tpu.memory_space<hbm>>
      %dma_wait3A_162 = tpu.memref_squeeze %dma_wait3A_161 : memref<1x125x80xi32, #tpu.memory_space<hbm>> -> memref<125x80xi32, #tpu.memory_space<hbm>>
      tpu.wait_dma2 semaphore(%run_scoped3A : memref<!tpu.dma_semaphore, #tpu.memory_space<semaphore_mem>>) src(%dma_wait3A_162 : memref<125x80xi32, #tpu.memory_space<hbm>>) dst(%arg7 : memref<125x80xi32, #tpu.memory_space<vmem>>)
      tpu.yield
    }) : () -> ()
    "tpu.region"() ({
      %run_scoped3A = tpu.sem_alloc : memref<!tpu.dma_semaphore, #tpu.memory_space<semaphore_mem>>
      %dma_start3A_147 = arith.constant 0 : i32
      %dma_start3A_148 = arith.constant 0 : i32
      %dma_start3A_149 = tpu.memref_slice %arg3[%add3A, %dma_start3A_147, %dma_start3A_148] : memref<32x125x80xi32, #tpu.memory_space<hbm>> -> memref<1x125x80xi32, #tpu.memory_space<hbm>>
      %dma_start3A_150 = tpu.memref_squeeze %dma_start3A_149 : memref<1x125x80xi32, #tpu.memory_space<hbm>> -> memref<125x80xi32, #tpu.memory_space<hbm>>
      %dma_start3A_151 = arith.constant 0 : i32
      %dma_start3A_152 = arith.constant 0 : i32
      %dma_start3A_153 = tpu.memref_slice %arg3[%add3A, %dma_start3A_151, %dma_start3A_152] : memref<32x125x80xi32, #tpu.memory_space<hbm>> -> memref<1x125x80xi32, #tpu.memory_space<hbm>>
      %dma_start3A_154 = tpu.memref_squeeze %dma_start3A_153 : memref<1x125x80xi32, #tpu.memory_space<hbm>> -> memref<125x80xi32, #tpu.memory_space<hbm>>
      tpu.enqueue_dma source(%dma_start3A_154 : memref<125x80xi32, #tpu.memory_space<hbm>>) target(%arg8 : memref<125x80xi32, #tpu.memory_space<vmem>>) target_semaphore(%run_scoped3A : memref<!tpu.dma_semaphore, #tpu.memory_space<semaphore_mem>>)
      %dma_wait3A_155 = arith.constant 0 : i32
      %dma_wait3A_156 = arith.constant 0 : i32
      %dma_wait3A_157 = tpu.memref_slice %arg3[%add3A, %dma_wait3A_155, %dma_wait3A_156] : memref<32x125x80xi32, #tpu.memory_space<hbm>> -> memref<1x125x80xi32, #tpu.memory_space<hbm>>
      %dma_wait3A_158 = tpu.memref_squeeze %dma_wait3A_157 : memref<1x125x80xi32, #tpu.memory_space<hbm>> -> memref<125x80xi32, #tpu.memory_space<hbm>>
      %dma_wait3A_159 = arith.constant 0 : i32
      %dma_wait3A_160 = arith.constant 0 : i32
      %dma_wait3A_161 = tpu.memref_slice %arg3[%add3A, %dma_wait3A_159, %dma_wait3A_160] : memref<32x125x80xi32, #tpu.memory_space<hbm>> -> memref<1x125x80xi32, #tpu.memory_space<hbm>>
      %dma_wait3A_162 = tpu.memref_squeeze %dma_wait3A_161 : memref<1x125x80xi32, #tpu.memory_space<hbm>> -> memref<125x80xi32, #tpu.memory_space<hbm>>
      tpu.wait_dma2 semaphore(%run_scoped3A : memref<!tpu.dma_semaphore, #tpu.memory_space<semaphore_mem>>) src(%dma_wait3A_162 : memref<125x80xi32, #tpu.memory_space<hbm>>) dst(%arg8 : memref<125x80xi32, #tpu.memory_space<vmem>>)
      tpu.yield
    }) : () -> ()
    %barrier3A = arith.constant 0 : index
    tpu.barrier barrier_id(%barrier3A)
    %dma_start3A = arith.constant 0 : i32
    %dma_start3A_3 = arith.constant 0 : i32
    %dma_start3A_4 = tpu.memref_slice %arg7[%dma_start3A, %dma_start3A_3] : memref<125x80xi32, #tpu.memory_space<vmem>> -> memref<1x80xi32, #tpu.memory_space<vmem>>
    %dma_start3A_5 = tpu.memref_squeeze %dma_start3A_4 : memref<1x80xi32, #tpu.memory_space<vmem>> -> memref<80xi32, #tpu.memory_space<vmem>>
    %dma_start3A_6 = arith.constant 0 : i32
    %dma_start3A_7 = arith.constant 0 : i32
    %dma_start3A_8 = tpu.memref_slice %arg14[%dma_start3A_6, %dma_start3A_7] : memref<10000x32xf32, #tpu.memory_space<vmem_shared>> -> memref<10000x32xf32, #tpu.memory_space<vmem_shared>>
    tpu.enqueue_indirect_dma source(%dma_start3A_8 : memref<10000x32xf32, #tpu.memory_space<vmem_shared>>) target(%arg9 : memref<80x32xf32, #tpu.memory_space<vmem>>) offsets(%dma_start3A_5 : memref<80xi32, #tpu.memory_space<vmem>>) semaphore(%arg15 : memref<!tpu.dma_semaphore, #tpu.memory_space<semaphore_mem>>)
    %dma_start3A_9 = arith.constant 1 : i32
    %dma_start3A_10 = arith.constant 0 : i32
    %dma_start3A_11 = tpu.memref_slice %arg7[%dma_start3A_9, %dma_start3A_10] : memref<125x80xi32, #tpu.memory_space<vmem>> -> memref<1x80xi32, #tpu.memory_space<vmem>>
    %dma_start3A_12 = tpu.memref_squeeze %dma_start3A_11 : memref<1x80xi32, #tpu.memory_space<vmem>> -> memref<80xi32, #tpu.memory_space<vmem>>
    %dma_start3A_13 = arith.constant 0 : i32
    %dma_start3A_14 = arith.constant 0 : i32
    %dma_start3A_15 = tpu.memref_slice %arg14[%dma_start3A_13, %dma_start3A_14] : memref<10000x32xf32, #tpu.memory_space<vmem_shared>> -> memref<10000x32xf32, #tpu.memory_space<vmem_shared>>
    tpu.enqueue_indirect_dma source(%dma_start3A_15 : memref<10000x32xf32, #tpu.memory_space<vmem_shared>>) target(%arg10 : memref<80x32xf32, #tpu.memory_space<vmem>>) offsets(%dma_start3A_12 : memref<80xi32, #tpu.memory_space<vmem>>) semaphore(%arg16 : memref<!tpu.dma_semaphore, #tpu.memory_space<semaphore_mem>>)
    %dma_start3A_16 = arith.constant 2 : i32
    %dma_start3A_17 = arith.constant 0 : i32
    %dma_start3A_18 = tpu.memref_slice %arg7[%dma_start3A_16, %dma_start3A_17] : memref<125x80xi32, #tpu.memory_space<vmem>> -> memref<1x80xi32, #tpu.memory_space<vmem>>
    %dma_start3A_19 = tpu.memref_squeeze %dma_start3A_18 : memref<1x80xi32, #tpu.memory_space<vmem>> -> memref<80xi32, #tpu.memory_space<vmem>>
    %dma_start3A_20 = arith.constant 0 : i32
    %dma_start3A_21 = arith.constant 0 : i32
    %dma_start3A_22 = tpu.memref_slice %arg14[%dma_start3A_20, %dma_start3A_21] : memref<10000x32xf32, #tpu.memory_space<vmem_shared>> -> memref<10000x32xf32, #tpu.memory_space<vmem_shared>>
    tpu.enqueue_indirect_dma source(%dma_start3A_22 : memref<10000x32xf32, #tpu.memory_space<vmem_shared>>) target(%arg11 : memref<80x32xf32, #tpu.memory_space<vmem>>) offsets(%dma_start3A_19 : memref<80xi32, #tpu.memory_space<vmem>>) semaphore(%arg17 : memref<!tpu.dma_semaphore, #tpu.memory_space<semaphore_mem>>)
    %dma_wait3A = arith.constant 0 : i32
    %dma_wait3A_23 = arith.constant 0 : i32
    %dma_wait3A_24 = tpu.memref_slice %arg7[%dma_wait3A, %dma_wait3A_23] : memref<125x80xi32, #tpu.memory_space<vmem>> -> memref<1x80xi32, #tpu.memory_space<vmem>>
    %dma_wait3A_25 = tpu.memref_squeeze %dma_wait3A_24 : memref<1x80xi32, #tpu.memory_space<vmem>> -> memref<80xi32, #tpu.memory_space<vmem>>
    %dma_wait3A_26 = arith.constant 0 : i32
    %dma_wait3A_27 = arith.constant 0 : i32
    %dma_wait3A_28 = tpu.memref_slice %arg14[%dma_wait3A_26, %dma_wait3A_27] : memref<10000x32xf32, #tpu.memory_space<vmem_shared>> -> memref<10000x32xf32, #tpu.memory_space<vmem_shared>>
    tpu.wait_indirect_dma semaphore(%arg15 : memref<!tpu.dma_semaphore, #tpu.memory_space<semaphore_mem>>) src(%dma_wait3A_28 : memref<10000x32xf32, #tpu.memory_space<vmem_shared>>) dst(%arg9 : memref<80x32xf32, #tpu.memory_space<vmem>>)
    %dma_start3A_29 = arith.constant 0 : i32
    %dma_start3A_30 = arith.constant 0 : i32
    %dma_start3A_31 = tpu.memref_slice %arg8[%dma_start3A_29, %dma_start3A_30] : memref<125x80xi32, #tpu.memory_space<vmem>> -> memref<1x80xi32, #tpu.memory_space<vmem>>
    %dma_start3A_32 = tpu.memref_squeeze %dma_start3A_31 : memref<1x80xi32, #tpu.memory_space<vmem>> -> memref<80xi32, #tpu.memory_space<vmem>>
    %dma_start3A_33 = arith.constant 0 : i32
    %dma_start3A_34 = arith.constant 0 : i32
    %dma_start3A_35 = tpu.memref_slice %arg13[%dma_start3A_33, %dma_start3A_34] : memref<10000x32xf32, #tpu.memory_space<vmem_shared>> -> memref<10000x32xf32, #tpu.memory_space<vmem_shared>>
    tpu.enqueue_indirect_dma source(%arg9 : memref<80x32xf32, #tpu.memory_space<vmem>>) target(%dma_start3A_35 : memref<10000x32xf32, #tpu.memory_space<vmem_shared>>) offsets(%dma_start3A_32 : memref<80xi32, #tpu.memory_space<vmem>>) semaphore(%arg19 : memref<!tpu.dma_semaphore, #tpu.memory_space<semaphore_mem>>) {add = true}
    %dma_start3A_36 = arith.constant 3 : i32
    %dma_start3A_37 = arith.constant 0 : i32
    %dma_start3A_38 = tpu.memref_slice %arg7[%dma_start3A_36, %dma_start3A_37] : memref<125x80xi32, #tpu.memory_space<vmem>> -> memref<1x80xi32, #tpu.memory_space<vmem>>
    %dma_start3A_39 = tpu.memref_squeeze %dma_start3A_38 : memref<1x80xi32, #tpu.memory_space<vmem>> -> memref<80xi32, #tpu.memory_space<vmem>>
    %dma_start3A_40 = arith.constant 0 : i32
    %dma_start3A_41 = arith.constant 0 : i32
    %dma_start3A_42 = tpu.memref_slice %arg14[%dma_start3A_40, %dma_start3A_41] : memref<10000x32xf32, #tpu.memory_space<vmem_shared>> -> memref<10000x32xf32, #tpu.memory_space<vmem_shared>>
    tpu.enqueue_indirect_dma source(%dma_start3A_42 : memref<10000x32xf32, #tpu.memory_space<vmem_shared>>) target(%arg12 : memref<80x32xf32, #tpu.memory_space<vmem>>) offsets(%dma_start3A_39 : memref<80xi32, #tpu.memory_space<vmem>>) semaphore(%arg18 : memref<!tpu.dma_semaphore, #tpu.memory_space<semaphore_mem>>)
    %scan3A = arith.constant 0 : i32
    %scan3A_43 = arith.constant 0 : i32
    %scan3A_44 = arith.constant 30 : i32
    %scan3A_45 = arith.addi %scan3A_43, %scan3A_44 : i32
    %scan3A_46 = arith.constant 1 : i32
    scf.for %scan3A_147 = %scan3A_43 to %scan3A_45 step %scan3A_46  : i32 {
      %mul3A_148 = arith.constant 4 : i32
      %mul3A_149 = arith.muli %mul3A_148, %scan3A_147 : i32
      %add3A_150 = arith.constant 1 : i32
      %add3A_151 = arith.addi %mul3A_149, %add3A_150 : i32
      %add3A_152 = arith.constant 0 : i32
      %add3A_153 = arith.addi %add3A_151, %add3A_152 : i32
      %dma_wait3A_154 = arith.constant 0 : i32
      %dma_wait3A_155 = tpu.memref_slice %arg7[%add3A_153, %dma_wait3A_154] : memref<125x80xi32, #tpu.memory_space<vmem>> -> memref<1x80xi32, #tpu.memory_space<vmem>>
      %dma_wait3A_156 = tpu.memref_squeeze %dma_wait3A_155 : memref<1x80xi32, #tpu.memory_space<vmem>> -> memref<80xi32, #tpu.memory_space<vmem>>
      %dma_wait3A_157 = arith.constant 0 : i32
      %dma_wait3A_158 = arith.constant 0 : i32
      %dma_wait3A_159 = tpu.memref_slice %arg14[%dma_wait3A_157, %dma_wait3A_158] : memref<10000x32xf32, #tpu.memory_space<vmem_shared>> -> memref<10000x32xf32, #tpu.memory_space<vmem_shared>>
      tpu.wait_indirect_dma semaphore(%arg16 : memref<!tpu.dma_semaphore, #tpu.memory_space<semaphore_mem>>) src(%dma_wait3A_159 : memref<10000x32xf32, #tpu.memory_space<vmem_shared>>) dst(%arg10 : memref<80x32xf32, #tpu.memory_space<vmem>>)
      %dma_start3A_160 = arith.constant 0 : i32
      %dma_start3A_161 = tpu.memref_slice %arg8[%add3A_153, %dma_start3A_160] : memref<125x80xi32, #tpu.memory_space<vmem>> -> memref<1x80xi32, #tpu.memory_space<vmem>>
      %dma_start3A_162 = tpu.memref_squeeze %dma_start3A_161 : memref<1x80xi32, #tpu.memory_space<vmem>> -> memref<80xi32, #tpu.memory_space<vmem>>
      %dma_start3A_163 = arith.constant 0 : i32
      %dma_start3A_164 = arith.constant 0 : i32
      %dma_start3A_165 = tpu.memref_slice %arg13[%dma_start3A_163, %dma_start3A_164] : memref<10000x32xf32, #tpu.memory_space<vmem_shared>> -> memref<10000x32xf32, #tpu.memory_space<vmem_shared>>
      tpu.enqueue_indirect_dma source(%arg10 : memref<80x32xf32, #tpu.memory_space<vmem>>) target(%dma_start3A_165 : memref<10000x32xf32, #tpu.memory_space<vmem_shared>>) offsets(%dma_start3A_162 : memref<80xi32, #tpu.memory_space<vmem>>) semaphore(%arg20 : memref<!tpu.dma_semaphore, #tpu.memory_space<semaphore_mem>>) {add = true}
      %sub3A = arith.constant 1 : i32
      %sub3A_166 = arith.subi %add3A_153, %sub3A : i32
      %dma_wait3A_167 = arith.constant 0 : i32
      %dma_wait3A_168 = tpu.memref_slice %arg8[%sub3A_166, %dma_wait3A_167] : memref<125x80xi32, #tpu.memory_space<vmem>> -> memref<1x80xi32, #tpu.memory_space<vmem>>
      %dma_wait3A_169 = tpu.memref_squeeze %dma_wait3A_168 : memref<1x80xi32, #tpu.memory_space<vmem>> -> memref<80xi32, #tpu.memory_space<vmem>>
      %dma_wait3A_170 = arith.constant 0 : i32
      %dma_wait3A_171 = arith.constant 0 : i32
      %dma_wait3A_172 = tpu.memref_slice %arg13[%dma_wait3A_170, %dma_wait3A_171] : memref<10000x32xf32, #tpu.memory_space<vmem_shared>> -> memref<10000x32xf32, #tpu.memory_space<vmem_shared>>
      tpu.wait_indirect_dma semaphore(%arg19 : memref<!tpu.dma_semaphore, #tpu.memory_space<semaphore_mem>>) src(%arg9 : memref<80x32xf32, #tpu.memory_space<vmem>>) dst(%dma_wait3A_172 : memref<10000x32xf32, #tpu.memory_space<vmem_shared>>)
      %add3A_173 = arith.constant 3 : i32
      %add3A_174 = arith.addi %add3A_153, %add3A_173 : i32
      %dma_start3A_175 = arith.constant 0 : i32
      %dma_start3A_176 = tpu.memref_slice %arg7[%add3A_174, %dma_start3A_175] : memref<125x80xi32, #tpu.memory_space<vmem>> -> memref<1x80xi32, #tpu.memory_space<vmem>>
      %dma_start3A_177 = tpu.memref_squeeze %dma_start3A_176 : memref<1x80xi32, #tpu.memory_space<vmem>> -> memref<80xi32, #tpu.memory_space<vmem>>
      %dma_start3A_178 = arith.constant 0 : i32
      %dma_start3A_179 = arith.constant 0 : i32
      %dma_start3A_180 = tpu.memref_slice %arg14[%dma_start3A_178, %dma_start3A_179] : memref<10000x32xf32, #tpu.memory_space<vmem_shared>> -> memref<10000x32xf32, #tpu.memory_space<vmem_shared>>
      tpu.enqueue_indirect_dma source(%dma_start3A_180 : memref<10000x32xf32, #tpu.memory_space<vmem_shared>>) target(%arg9 : memref<80x32xf32, #tpu.memory_space<vmem>>) offsets(%dma_start3A_177 : memref<80xi32, #tpu.memory_space<vmem>>) semaphore(%arg15 : memref<!tpu.dma_semaphore, #tpu.memory_space<semaphore_mem>>)
      %mul3A_181 = arith.constant 4 : i32
      %mul3A_182 = arith.muli %mul3A_181, %scan3A_147 : i32
      %add3A_183 = arith.constant 1 : i32
      %add3A_184 = arith.addi %mul3A_182, %add3A_183 : i32
      %add3A_185 = arith.constant 1 : i32
      %add3A_186 = arith.addi %add3A_184, %add3A_185 : i32
      %dma_wait3A_187 = arith.constant 0 : i32
      %dma_wait3A_188 = tpu.memref_slice %arg7[%add3A_186, %dma_wait3A_187] : memref<125x80xi32, #tpu.memory_space<vmem>> -> memref<1x80xi32, #tpu.memory_space<vmem>>
      %dma_wait3A_189 = tpu.memref_squeeze %dma_wait3A_188 : memref<1x80xi32, #tpu.memory_space<vmem>> -> memref<80xi32, #tpu.memory_space<vmem>>
      %dma_wait3A_190 = arith.constant 0 : i32
      %dma_wait3A_191 = arith.constant 0 : i32
      %dma_wait3A_192 = tpu.memref_slice %arg14[%dma_wait3A_190, %dma_wait3A_191] : memref<10000x32xf32, #tpu.memory_space<vmem_shared>> -> memref<10000x32xf32, #tpu.memory_space<vmem_shared>>
      tpu.wait_indirect_dma semaphore(%arg17 : memref<!tpu.dma_semaphore, #tpu.memory_space<semaphore_mem>>) src(%dma_wait3A_192 : memref<10000x32xf32, #tpu.memory_space<vmem_shared>>) dst(%arg11 : memref<80x32xf32, #tpu.memory_space<vmem>>)
      %dma_start3A_193 = arith.constant 0 : i32
      %dma_start3A_194 = tpu.memref_slice %arg8[%add3A_186, %dma_start3A_193] : memref<125x80xi32, #tpu.memory_space<vmem>> -> memref<1x80xi32, #tpu.memory_space<vmem>>
      %dma_start3A_195 = tpu.memref_squeeze %dma_start3A_194 : memref<1x80xi32, #tpu.memory_space<vmem>> -> memref<80xi32, #tpu.memory_space<vmem>>
      %dma_start3A_196 = arith.constant 0 : i32
      %dma_start3A_197 = arith.constant 0 : i32
      %dma_start3A_198 = tpu.memref_slice %arg13[%dma_start3A_196, %dma_start3A_197] : memref<10000x32xf32, #tpu.memory_space<vmem_shared>> -> memref<10000x32xf32, #tpu.memory_space<vmem_shared>>
      tpu.enqueue_indirect_dma source(%arg11 : memref<80x32xf32, #tpu.memory_space<vmem>>) target(%dma_start3A_198 : memref<10000x32xf32, #tpu.memory_space<vmem_shared>>) offsets(%dma_start3A_195 : memref<80xi32, #tpu.memory_space<vmem>>) semaphore(%arg21 : memref<!tpu.dma_semaphore, #tpu.memory_space<semaphore_mem>>) {add = true}
      %sub3A_199 = arith.constant 1 : i32
      %sub3A_200 = arith.subi %add3A_186, %sub3A_199 : i32
      %dma_wait3A_201 = arith.constant 0 : i32
      %dma_wait3A_202 = tpu.memref_slice %arg8[%sub3A_200, %dma_wait3A_201] : memref<125x80xi32, #tpu.memory_space<vmem>> -> memref<1x80xi32, #tpu.memory_space<vmem>>
      %dma_wait3A_203 = tpu.memref_squeeze %dma_wait3A_202 : memref<1x80xi32, #tpu.memory_space<vmem>> -> memref<80xi32, #tpu.memory_space<vmem>>
      %dma_wait3A_204 = arith.constant 0 : i32
      %dma_wait3A_205 = arith.constant 0 : i32
      %dma_wait3A_206 = tpu.memref_slice %arg13[%dma_wait3A_204, %dma_wait3A_205] : memref<10000x32xf32, #tpu.memory_space<vmem_shared>> -> memref<10000x32xf32, #tpu.memory_space<vmem_shared>>
      tpu.wait_indirect_dma semaphore(%arg20 : memref<!tpu.dma_semaphore, #tpu.memory_space<semaphore_mem>>) src(%arg10 : memref<80x32xf32, #tpu.memory_space<vmem>>) dst(%dma_wait3A_206 : memref<10000x32xf32, #tpu.memory_space<vmem_shared>>)
      %add3A_207 = arith.constant 3 : i32
      %add3A_208 = arith.addi %add3A_186, %add3A_207 : i32
      %dma_start3A_209 = arith.constant 0 : i32
      %dma_start3A_210 = tpu.memref_slice %arg7[%add3A_208, %dma_start3A_209] : memref<125x80xi32, #tpu.memory_space<vmem>> -> memref<1x80xi32, #tpu.memory_space<vmem>>
      %dma_start3A_211 = tpu.memref_squeeze %dma_start3A_210 : memref<1x80xi32, #tpu.memory_space<vmem>> -> memref<80xi32, #tpu.memory_space<vmem>>
      %dma_start3A_212 = arith.constant 0 : i32
      %dma_start3A_213 = arith.constant 0 : i32
      %dma_start3A_214 = tpu.memref_slice %arg14[%dma_start3A_212, %dma_start3A_213] : memref<10000x32xf32, #tpu.memory_space<vmem_shared>> -> memref<10000x32xf32, #tpu.memory_space<vmem_shared>>
      tpu.enqueue_indirect_dma source(%dma_start3A_214 : memref<10000x32xf32, #tpu.memory_space<vmem_shared>>) target(%arg10 : memref<80x32xf32, #tpu.memory_space<vmem>>) offsets(%dma_start3A_211 : memref<80xi32, #tpu.memory_space<vmem>>) semaphore(%arg16 : memref<!tpu.dma_semaphore, #tpu.memory_space<semaphore_mem>>)
      %mul3A_215 = arith.constant 4 : i32
      %mul3A_216 = arith.muli %mul3A_215, %scan3A_147 : i32
      %add3A_217 = arith.constant 1 : i32
      %add3A_218 = arith.addi %mul3A_216, %add3A_217 : i32
      %add3A_219 = arith.constant 2 : i32
      %add3A_220 = arith.addi %add3A_218, %add3A_219 : i32
      %dma_wait3A_221 = arith.constant 0 : i32
      %dma_wait3A_222 = tpu.memref_slice %arg7[%add3A_220, %dma_wait3A_221] : memref<125x80xi32, #tpu.memory_space<vmem>> -> memref<1x80xi32, #tpu.memory_space<vmem>>
      %dma_wait3A_223 = tpu.memref_squeeze %dma_wait3A_222 : memref<1x80xi32, #tpu.memory_space<vmem>> -> memref<80xi32, #tpu.memory_space<vmem>>
      %dma_wait3A_224 = arith.constant 0 : i32
      %dma_wait3A_225 = arith.constant 0 : i32
      %dma_wait3A_226 = tpu.memref_slice %arg14[%dma_wait3A_224, %dma_wait3A_225] : memref<10000x32xf32, #tpu.memory_space<vmem_shared>> -> memref<10000x32xf32, #tpu.memory_space<vmem_shared>>
      tpu.wait_indirect_dma semaphore(%arg18 : memref<!tpu.dma_semaphore, #tpu.memory_space<semaphore_mem>>) src(%dma_wait3A_226 : memref<10000x32xf32, #tpu.memory_space<vmem_shared>>) dst(%arg12 : memref<80x32xf32, #tpu.memory_space<vmem>>)
      %dma_start3A_227 = arith.constant 0 : i32
      %dma_start3A_228 = tpu.memref_slice %arg8[%add3A_220, %dma_start3A_227] : memref<125x80xi32, #tpu.memory_space<vmem>> -> memref<1x80xi32, #tpu.memory_space<vmem>>
      %dma_start3A_229 = tpu.memref_squeeze %dma_start3A_228 : memref<1x80xi32, #tpu.memory_space<vmem>> -> memref<80xi32, #tpu.memory_space<vmem>>
      %dma_start3A_230 = arith.constant 0 : i32
      %dma_start3A_231 = arith.constant 0 : i32
      %dma_start3A_232 = tpu.memref_slice %arg13[%dma_start3A_230, %dma_start3A_231] : memref<10000x32xf32, #tpu.memory_space<vmem_shared>> -> memref<10000x32xf32, #tpu.memory_space<vmem_shared>>
      tpu.enqueue_indirect_dma source(%arg12 : memref<80x32xf32, #tpu.memory_space<vmem>>) target(%dma_start3A_232 : memref<10000x32xf32, #tpu.memory_space<vmem_shared>>) offsets(%dma_start3A_229 : memref<80xi32, #tpu.memory_space<vmem>>) semaphore(%arg22 : memref<!tpu.dma_semaphore, #tpu.memory_space<semaphore_mem>>) {add = true}
      %sub3A_233 = arith.constant 1 : i32
      %sub3A_234 = arith.subi %add3A_220, %sub3A_233 : i32
      %dma_wait3A_235 = arith.constant 0 : i32
      %dma_wait3A_236 = tpu.memref_slice %arg8[%sub3A_234, %dma_wait3A_235] : memref<125x80xi32, #tpu.memory_space<vmem>> -> memref<1x80xi32, #tpu.memory_space<vmem>>
      %dma_wait3A_237 = tpu.memref_squeeze %dma_wait3A_236 : memref<1x80xi32, #tpu.memory_space<vmem>> -> memref<80xi32, #tpu.memory_space<vmem>>
      %dma_wait3A_238 = arith.constant 0 : i32
      %dma_wait3A_239 = arith.constant 0 : i32
      %dma_wait3A_240 = tpu.memref_slice %arg13[%dma_wait3A_238, %dma_wait3A_239] : memref<10000x32xf32, #tpu.memory_space<vmem_shared>> -> memref<10000x32xf32, #tpu.memory_space<vmem_shared>>
      tpu.wait_indirect_dma semaphore(%arg21 : memref<!tpu.dma_semaphore, #tpu.memory_space<semaphore_mem>>) src(%arg11 : memref<80x32xf32, #tpu.memory_space<vmem>>) dst(%dma_wait3A_240 : memref<10000x32xf32, #tpu.memory_space<vmem_shared>>)
      %add3A_241 = arith.constant 3 : i32
      %add3A_242 = arith.addi %add3A_220, %add3A_241 : i32
      %dma_start3A_243 = arith.constant 0 : i32
      %dma_start3A_244 = tpu.memref_slice %arg7[%add3A_242, %dma_start3A_243] : memref<125x80xi32, #tpu.memory_space<vmem>> -> memref<1x80xi32, #tpu.memory_space<vmem>>
      %dma_start3A_245 = tpu.memref_squeeze %dma_start3A_244 : memref<1x80xi32, #tpu.memory_space<vmem>> -> memref<80xi32, #tpu.memory_space<vmem>>
      %dma_start3A_246 = arith.constant 0 : i32
      %dma_start3A_247 = arith.constant 0 : i32
      %dma_start3A_248 = tpu.memref_slice %arg14[%dma_start3A_246, %dma_start3A_247] : memref<10000x32xf32, #tpu.memory_space<vmem_shared>> -> memref<10000x32xf32, #tpu.memory_space<vmem_shared>>
      tpu.enqueue_indirect_dma source(%dma_start3A_248 : memref<10000x32xf32, #tpu.memory_space<vmem_shared>>) target(%arg11 : memref<80x32xf32, #tpu.memory_space<vmem>>) offsets(%dma_start3A_245 : memref<80xi32, #tpu.memory_space<vmem>>) semaphore(%arg17 : memref<!tpu.dma_semaphore, #tpu.memory_space<semaphore_mem>>)
      %mul3A_249 = arith.constant 4 : i32
      %mul3A_250 = arith.muli %mul3A_249, %scan3A_147 : i32
      %add3A_251 = arith.constant 1 : i32
      %add3A_252 = arith.addi %mul3A_250, %add3A_251 : i32
      %add3A_253 = arith.constant 3 : i32
      %add3A_254 = arith.addi %add3A_252, %add3A_253 : i32
      %dma_wait3A_255 = arith.constant 0 : i32
      %dma_wait3A_256 = tpu.memref_slice %arg7[%add3A_254, %dma_wait3A_255] : memref<125x80xi32, #tpu.memory_space<vmem>> -> memref<1x80xi32, #tpu.memory_space<vmem>>
      %dma_wait3A_257 = tpu.memref_squeeze %dma_wait3A_256 : memref<1x80xi32, #tpu.memory_space<vmem>> -> memref<80xi32, #tpu.memory_space<vmem>>
      %dma_wait3A_258 = arith.constant 0 : i32
      %dma_wait3A_259 = arith.constant 0 : i32
      %dma_wait3A_260 = tpu.memref_slice %arg14[%dma_wait3A_258, %dma_wait3A_259] : memref<10000x32xf32, #tpu.memory_space<vmem_shared>> -> memref<10000x32xf32, #tpu.memory_space<vmem_shared>>
      tpu.wait_indirect_dma semaphore(%arg15 : memref<!tpu.dma_semaphore, #tpu.memory_space<semaphore_mem>>) src(%dma_wait3A_260 : memref<10000x32xf32, #tpu.memory_space<vmem_shared>>) dst(%arg9 : memref<80x32xf32, #tpu.memory_space<vmem>>)
      %dma_start3A_261 = arith.constant 0 : i32
      %dma_start3A_262 = tpu.memref_slice %arg8[%add3A_254, %dma_start3A_261] : memref<125x80xi32, #tpu.memory_space<vmem>> -> memref<1x80xi32, #tpu.memory_space<vmem>>
      %dma_start3A_263 = tpu.memref_squeeze %dma_start3A_262 : memref<1x80xi32, #tpu.memory_space<vmem>> -> memref<80xi32, #tpu.memory_space<vmem>>
      %dma_start3A_264 = arith.constant 0 : i32
      %dma_start3A_265 = arith.constant 0 : i32
      %dma_start3A_266 = tpu.memref_slice %arg13[%dma_start3A_264, %dma_start3A_265] : memref<10000x32xf32, #tpu.memory_space<vmem_shared>> -> memref<10000x32xf32, #tpu.memory_space<vmem_shared>>
      tpu.enqueue_indirect_dma source(%arg9 : memref<80x32xf32, #tpu.memory_space<vmem>>) target(%dma_start3A_266 : memref<10000x32xf32, #tpu.memory_space<vmem_shared>>) offsets(%dma_start3A_263 : memref<80xi32, #tpu.memory_space<vmem>>) semaphore(%arg19 : memref<!tpu.dma_semaphore, #tpu.memory_space<semaphore_mem>>) {add = true}
      %sub3A_267 = arith.constant 1 : i32
      %sub3A_268 = arith.subi %add3A_254, %sub3A_267 : i32
      %dma_wait3A_269 = arith.constant 0 : i32
      %dma_wait3A_270 = tpu.memref_slice %arg8[%sub3A_268, %dma_wait3A_269] : memref<125x80xi32, #tpu.memory_space<vmem>> -> memref<1x80xi32, #tpu.memory_space<vmem>>
      %dma_wait3A_271 = tpu.memref_squeeze %dma_wait3A_270 : memref<1x80xi32, #tpu.memory_space<vmem>> -> memref<80xi32, #tpu.memory_space<vmem>>
      %dma_wait3A_272 = arith.constant 0 : i32
      %dma_wait3A_273 = arith.constant 0 : i32
      %dma_wait3A_274 = tpu.memref_slice %arg13[%dma_wait3A_272, %dma_wait3A_273] : memref<10000x32xf32, #tpu.memory_space<vmem_shared>> -> memref<10000x32xf32, #tpu.memory_space<vmem_shared>>
      tpu.wait_indirect_dma semaphore(%arg22 : memref<!tpu.dma_semaphore, #tpu.memory_space<semaphore_mem>>) src(%arg12 : memref<80x32xf32, #tpu.memory_space<vmem>>) dst(%dma_wait3A_274 : memref<10000x32xf32, #tpu.memory_space<vmem_shared>>)
      %add3A_275 = arith.constant 3 : i32
      %add3A_276 = arith.addi %add3A_254, %add3A_275 : i32
      %dma_start3A_277 = arith.constant 0 : i32
      %dma_start3A_278 = tpu.memref_slice %arg7[%add3A_276, %dma_start3A_277] : memref<125x80xi32, #tpu.memory_space<vmem>> -> memref<1x80xi32, #tpu.memory_space<vmem>>
      %dma_start3A_279 = tpu.memref_squeeze %dma_start3A_278 : memref<1x80xi32, #tpu.memory_space<vmem>> -> memref<80xi32, #tpu.memory_space<vmem>>
      %dma_start3A_280 = arith.constant 0 : i32
      %dma_start3A_281 = arith.constant 0 : i32
      %dma_start3A_282 = tpu.memref_slice %arg14[%dma_start3A_280, %dma_start3A_281] : memref<10000x32xf32, #tpu.memory_space<vmem_shared>> -> memref<10000x32xf32, #tpu.memory_space<vmem_shared>>
      tpu.enqueue_indirect_dma source(%dma_start3A_282 : memref<10000x32xf32, #tpu.memory_space<vmem_shared>>) target(%arg12 : memref<80x32xf32, #tpu.memory_space<vmem>>) offsets(%dma_start3A_279 : memref<80xi32, #tpu.memory_space<vmem>>) semaphore(%arg18 : memref<!tpu.dma_semaphore, #tpu.memory_space<semaphore_mem>>)
    }
    %scan3A_47 = arith.constant 30 : i32
    %dma_wait3A_48 = arith.constant 121 : i32
    %dma_wait3A_49 = arith.constant 0 : i32
    %dma_wait3A_50 = tpu.memref_slice %arg7[%dma_wait3A_48, %dma_wait3A_49] : memref<125x80xi32, #tpu.memory_space<vmem>> -> memref<1x80xi32, #tpu.memory_space<vmem>>
    %dma_wait3A_51 = tpu.memref_squeeze %dma_wait3A_50 : memref<1x80xi32, #tpu.memory_space<vmem>> -> memref<80xi32, #tpu.memory_space<vmem>>
    %dma_wait3A_52 = arith.constant 0 : i32
    %dma_wait3A_53 = arith.constant 0 : i32
    %dma_wait3A_54 = tpu.memref_slice %arg14[%dma_wait3A_52, %dma_wait3A_53] : memref<10000x32xf32, #tpu.memory_space<vmem_shared>> -> memref<10000x32xf32, #tpu.memory_space<vmem_shared>>
    tpu.wait_indirect_dma semaphore(%arg16 : memref<!tpu.dma_semaphore, #tpu.memory_space<semaphore_mem>>) src(%dma_wait3A_54 : memref<10000x32xf32, #tpu.memory_space<vmem_shared>>) dst(%arg10 : memref<80x32xf32, #tpu.memory_space<vmem>>)
    %dma_start3A_55 = arith.constant 121 : i32
    %dma_start3A_56 = arith.constant 0 : i32
    %dma_start3A_57 = tpu.memref_slice %arg8[%dma_start3A_55, %dma_start3A_56] : memref<125x80xi32, #tpu.memory_space<vmem>> -> memref<1x80xi32, #tpu.memory_space<vmem>>
    %dma_start3A_58 = tpu.memref_squeeze %dma_start3A_57 : memref<1x80xi32, #tpu.memory_space<vmem>> -> memref<80xi32, #tpu.memory_space<vmem>>
    %dma_start3A_59 = arith.constant 0 : i32
    %dma_start3A_60 = arith.constant 0 : i32
    %dma_start3A_61 = tpu.memref_slice %arg13[%dma_start3A_59, %dma_start3A_60] : memref<10000x32xf32, #tpu.memory_space<vmem_shared>> -> memref<10000x32xf32, #tpu.memory_space<vmem_shared>>
    tpu.enqueue_indirect_dma source(%arg10 : memref<80x32xf32, #tpu.memory_space<vmem>>) target(%dma_start3A_61 : memref<10000x32xf32, #tpu.memory_space<vmem_shared>>) offsets(%dma_start3A_58 : memref<80xi32, #tpu.memory_space<vmem>>) semaphore(%arg20 : memref<!tpu.dma_semaphore, #tpu.memory_space<semaphore_mem>>) {add = true}
    %dma_wait3A_62 = arith.constant 120 : i32
    %dma_wait3A_63 = arith.constant 0 : i32
    %dma_wait3A_64 = tpu.memref_slice %arg8[%dma_wait3A_62, %dma_wait3A_63] : memref<125x80xi32, #tpu.memory_space<vmem>> -> memref<1x80xi32, #tpu.memory_space<vmem>>
    %dma_wait3A_65 = tpu.memref_squeeze %dma_wait3A_64 : memref<1x80xi32, #tpu.memory_space<vmem>> -> memref<80xi32, #tpu.memory_space<vmem>>
    %dma_wait3A_66 = arith.constant 0 : i32
    %dma_wait3A_67 = arith.constant 0 : i32
    %dma_wait3A_68 = tpu.memref_slice %arg13[%dma_wait3A_66, %dma_wait3A_67] : memref<10000x32xf32, #tpu.memory_space<vmem_shared>> -> memref<10000x32xf32, #tpu.memory_space<vmem_shared>>
    tpu.wait_indirect_dma semaphore(%arg19 : memref<!tpu.dma_semaphore, #tpu.memory_space<semaphore_mem>>) src(%arg9 : memref<80x32xf32, #tpu.memory_space<vmem>>) dst(%dma_wait3A_68 : memref<10000x32xf32, #tpu.memory_space<vmem_shared>>)
    %dma_start3A_69 = arith.constant 124 : i32
    %dma_start3A_70 = arith.constant 0 : i32
    %dma_start3A_71 = tpu.memref_slice %arg7[%dma_start3A_69, %dma_start3A_70] : memref<125x80xi32, #tpu.memory_space<vmem>> -> memref<1x80xi32, #tpu.memory_space<vmem>>
    %dma_start3A_72 = tpu.memref_squeeze %dma_start3A_71 : memref<1x80xi32, #tpu.memory_space<vmem>> -> memref<80xi32, #tpu.memory_space<vmem>>
    %dma_start3A_73 = arith.constant 0 : i32
    %dma_start3A_74 = arith.constant 0 : i32
    %dma_start3A_75 = tpu.memref_slice %arg14[%dma_start3A_73, %dma_start3A_74] : memref<10000x32xf32, #tpu.memory_space<vmem_shared>> -> memref<10000x32xf32, #tpu.memory_space<vmem_shared>>
    tpu.enqueue_indirect_dma source(%dma_start3A_75 : memref<10000x32xf32, #tpu.memory_space<vmem_shared>>) target(%arg9 : memref<80x32xf32, #tpu.memory_space<vmem>>) offsets(%dma_start3A_72 : memref<80xi32, #tpu.memory_space<vmem>>) semaphore(%arg15 : memref<!tpu.dma_semaphore, #tpu.memory_space<semaphore_mem>>)
    %dma_wait3A_76 = arith.constant 122 : i32
    %dma_wait3A_77 = arith.constant 0 : i32
    %dma_wait3A_78 = tpu.memref_slice %arg7[%dma_wait3A_76, %dma_wait3A_77] : memref<125x80xi32, #tpu.memory_space<vmem>> -> memref<1x80xi32, #tpu.memory_space<vmem>>
    %dma_wait3A_79 = tpu.memref_squeeze %dma_wait3A_78 : memref<1x80xi32, #tpu.memory_space<vmem>> -> memref<80xi32, #tpu.memory_space<vmem>>
    %dma_wait3A_80 = arith.constant 0 : i32
    %dma_wait3A_81 = arith.constant 0 : i32
    %dma_wait3A_82 = tpu.memref_slice %arg14[%dma_wait3A_80, %dma_wait3A_81] : memref<10000x32xf32, #tpu.memory_space<vmem_shared>> -> memref<10000x32xf32, #tpu.memory_space<vmem_shared>>
    tpu.wait_indirect_dma semaphore(%arg17 : memref<!tpu.dma_semaphore, #tpu.memory_space<semaphore_mem>>) src(%dma_wait3A_82 : memref<10000x32xf32, #tpu.memory_space<vmem_shared>>) dst(%arg11 : memref<80x32xf32, #tpu.memory_space<vmem>>)
    %dma_start3A_83 = arith.constant 122 : i32
    %dma_start3A_84 = arith.constant 0 : i32
    %dma_start3A_85 = tpu.memref_slice %arg8[%dma_start3A_83, %dma_start3A_84] : memref<125x80xi32, #tpu.memory_space<vmem>> -> memref<1x80xi32, #tpu.memory_space<vmem>>
    %dma_start3A_86 = tpu.memref_squeeze %dma_start3A_85 : memref<1x80xi32, #tpu.memory_space<vmem>> -> memref<80xi32, #tpu.memory_space<vmem>>
    %dma_start3A_87 = arith.constant 0 : i32
    %dma_start3A_88 = arith.constant 0 : i32
    %dma_start3A_89 = tpu.memref_slice %arg13[%dma_start3A_87, %dma_start3A_88] : memref<10000x32xf32, #tpu.memory_space<vmem_shared>> -> memref<10000x32xf32, #tpu.memory_space<vmem_shared>>
    tpu.enqueue_indirect_dma source(%arg11 : memref<80x32xf32, #tpu.memory_space<vmem>>) target(%dma_start3A_89 : memref<10000x32xf32, #tpu.memory_space<vmem_shared>>) offsets(%dma_start3A_86 : memref<80xi32, #tpu.memory_space<vmem>>) semaphore(%arg21 : memref<!tpu.dma_semaphore, #tpu.memory_space<semaphore_mem>>) {add = true}
    %dma_wait3A_90 = arith.constant 121 : i32
    %dma_wait3A_91 = arith.constant 0 : i32
    %dma_wait3A_92 = tpu.memref_slice %arg8[%dma_wait3A_90, %dma_wait3A_91] : memref<125x80xi32, #tpu.memory_space<vmem>> -> memref<1x80xi32, #tpu.memory_space<vmem>>
    %dma_wait3A_93 = tpu.memref_squeeze %dma_wait3A_92 : memref<1x80xi32, #tpu.memory_space<vmem>> -> memref<80xi32, #tpu.memory_space<vmem>>
    %dma_wait3A_94 = arith.constant 0 : i32
    %dma_wait3A_95 = arith.constant 0 : i32
    %dma_wait3A_96 = tpu.memref_slice %arg13[%dma_wait3A_94, %dma_wait3A_95] : memref<10000x32xf32, #tpu.memory_space<vmem_shared>> -> memref<10000x32xf32, #tpu.memory_space<vmem_shared>>
    tpu.wait_indirect_dma semaphore(%arg20 : memref<!tpu.dma_semaphore, #tpu.memory_space<semaphore_mem>>) src(%arg10 : memref<80x32xf32, #tpu.memory_space<vmem>>) dst(%dma_wait3A_96 : memref<10000x32xf32, #tpu.memory_space<vmem_shared>>)
    %dma_wait3A_97 = arith.constant 123 : i32
    %dma_wait3A_98 = arith.constant 0 : i32
    %dma_wait3A_99 = tpu.memref_slice %arg7[%dma_wait3A_97, %dma_wait3A_98] : memref<125x80xi32, #tpu.memory_space<vmem>> -> memref<1x80xi32, #tpu.memory_space<vmem>>
    %dma_wait3A_100 = tpu.memref_squeeze %dma_wait3A_99 : memref<1x80xi32, #tpu.memory_space<vmem>> -> memref<80xi32, #tpu.memory_space<vmem>>
    %dma_wait3A_101 = arith.constant 0 : i32
    %dma_wait3A_102 = arith.constant 0 : i32
    %dma_wait3A_103 = tpu.memref_slice %arg14[%dma_wait3A_101, %dma_wait3A_102] : memref<10000x32xf32, #tpu.memory_space<vmem_shared>> -> memref<10000x32xf32, #tpu.memory_space<vmem_shared>>
    tpu.wait_indirect_dma semaphore(%arg18 : memref<!tpu.dma_semaphore, #tpu.memory_space<semaphore_mem>>) src(%dma_wait3A_103 : memref<10000x32xf32, #tpu.memory_space<vmem_shared>>) dst(%arg12 : memref<80x32xf32, #tpu.memory_space<vmem>>)
    %dma_start3A_104 = arith.constant 123 : i32
    %dma_start3A_105 = arith.constant 0 : i32
    %dma_start3A_106 = tpu.memref_slice %arg8[%dma_start3A_104, %dma_start3A_105] : memref<125x80xi32, #tpu.memory_space<vmem>> -> memref<1x80xi32, #tpu.memory_space<vmem>>
    %dma_start3A_107 = tpu.memref_squeeze %dma_start3A_106 : memref<1x80xi32, #tpu.memory_space<vmem>> -> memref<80xi32, #tpu.memory_space<vmem>>
    %dma_start3A_108 = arith.constant 0 : i32
    %dma_start3A_109 = arith.constant 0 : i32
    %dma_start3A_110 = tpu.memref_slice %arg13[%dma_start3A_108, %dma_start3A_109] : memref<10000x32xf32, #tpu.memory_space<vmem_shared>> -> memref<10000x32xf32, #tpu.memory_space<vmem_shared>>
    tpu.enqueue_indirect_dma source(%arg12 : memref<80x32xf32, #tpu.memory_space<vmem>>) target(%dma_start3A_110 : memref<10000x32xf32, #tpu.memory_space<vmem_shared>>) offsets(%dma_start3A_107 : memref<80xi32, #tpu.memory_space<vmem>>) semaphore(%arg22 : memref<!tpu.dma_semaphore, #tpu.memory_space<semaphore_mem>>) {add = true}
    %dma_wait3A_111 = arith.constant 122 : i32
    %dma_wait3A_112 = arith.constant 0 : i32
    %dma_wait3A_113 = tpu.memref_slice %arg8[%dma_wait3A_111, %dma_wait3A_112] : memref<125x80xi32, #tpu.memory_space<vmem>> -> memref<1x80xi32, #tpu.memory_space<vmem>>
    %dma_wait3A_114 = tpu.memref_squeeze %dma_wait3A_113 : memref<1x80xi32, #tpu.memory_space<vmem>> -> memref<80xi32, #tpu.memory_space<vmem>>
    %dma_wait3A_115 = arith.constant 0 : i32
    %dma_wait3A_116 = arith.constant 0 : i32
    %dma_wait3A_117 = tpu.memref_slice %arg13[%dma_wait3A_115, %dma_wait3A_116] : memref<10000x32xf32, #tpu.memory_space<vmem_shared>> -> memref<10000x32xf32, #tpu.memory_space<vmem_shared>>
    tpu.wait_indirect_dma semaphore(%arg21 : memref<!tpu.dma_semaphore, #tpu.memory_space<semaphore_mem>>) src(%arg11 : memref<80x32xf32, #tpu.memory_space<vmem>>) dst(%dma_wait3A_117 : memref<10000x32xf32, #tpu.memory_space<vmem_shared>>)
    %dma_wait3A_118 = arith.constant 124 : i32
    %dma_wait3A_119 = arith.constant 0 : i32
    %dma_wait3A_120 = tpu.memref_slice %arg7[%dma_wait3A_118, %dma_wait3A_119] : memref<125x80xi32, #tpu.memory_space<vmem>> -> memref<1x80xi32, #tpu.memory_space<vmem>>
    %dma_wait3A_121 = tpu.memref_squeeze %dma_wait3A_120 : memref<1x80xi32, #tpu.memory_space<vmem>> -> memref<80xi32, #tpu.memory_space<vmem>>
    %dma_wait3A_122 = arith.constant 0 : i32
    %dma_wait3A_123 = arith.constant 0 : i32
    %dma_wait3A_124 = tpu.memref_slice %arg14[%dma_wait3A_122, %dma_wait3A_123] : memref<10000x32xf32, #tpu.memory_space<vmem_shared>> -> memref<10000x32xf32, #tpu.memory_space<vmem_shared>>
    tpu.wait_indirect_dma semaphore(%arg15 : memref<!tpu.dma_semaphore, #tpu.memory_space<semaphore_mem>>) src(%dma_wait3A_124 : memref<10000x32xf32, #tpu.memory_space<vmem_shared>>) dst(%arg9 : memref<80x32xf32, #tpu.memory_space<vmem>>)
    %dma_start3A_125 = arith.constant 124 : i32
    %dma_start3A_126 = arith.constant 0 : i32
    %dma_start3A_127 = tpu.memref_slice %arg8[%dma_start3A_125, %dma_start3A_126] : memref<125x80xi32, #tpu.memory_space<vmem>> -> memref<1x80xi32, #tpu.memory_space<vmem>>
    %dma_start3A_128 = tpu.memref_squeeze %dma_start3A_127 : memref<1x80xi32, #tpu.memory_space<vmem>> -> memref<80xi32, #tpu.memory_space<vmem>>
    %dma_start3A_129 = arith.constant 0 : i32
    %dma_start3A_130 = arith.constant 0 : i32
    %dma_start3A_131 = tpu.memref_slice %arg13[%dma_start3A_129, %dma_start3A_130] : memref<10000x32xf32, #tpu.memory_space<vmem_shared>> -> memref<10000x32xf32, #tpu.memory_space<vmem_shared>>
    tpu.enqueue_indirect_dma source(%arg9 : memref<80x32xf32, #tpu.memory_space<vmem>>) target(%dma_start3A_131 : memref<10000x32xf32, #tpu.memory_space<vmem_shared>>) offsets(%dma_start3A_128 : memref<80xi32, #tpu.memory_space<vmem>>) semaphore(%arg19 : memref<!tpu.dma_semaphore, #tpu.memory_space<semaphore_mem>>) {add = true}
    %dma_wait3A_132 = arith.constant 123 : i32
    %dma_wait3A_133 = arith.constant 0 : i32
    %dma_wait3A_134 = tpu.memref_slice %arg8[%dma_wait3A_132, %dma_wait3A_133] : memref<125x80xi32, #tpu.memory_space<vmem>> -> memref<1x80xi32, #tpu.memory_space<vmem>>
    %dma_wait3A_135 = tpu.memref_squeeze %dma_wait3A_134 : memref<1x80xi32, #tpu.memory_space<vmem>> -> memref<80xi32, #tpu.memory_space<vmem>>
    %dma_wait3A_136 = arith.constant 0 : i32
    %dma_wait3A_137 = arith.constant 0 : i32
    %dma_wait3A_138 = tpu.memref_slice %arg13[%dma_wait3A_136, %dma_wait3A_137] : memref<10000x32xf32, #tpu.memory_space<vmem_shared>> -> memref<10000x32xf32, #tpu.memory_space<vmem_shared>>
    tpu.wait_indirect_dma semaphore(%arg22 : memref<!tpu.dma_semaphore, #tpu.memory_space<semaphore_mem>>) src(%arg12 : memref<80x32xf32, #tpu.memory_space<vmem>>) dst(%dma_wait3A_138 : memref<10000x32xf32, #tpu.memory_space<vmem_shared>>)
    %dma_wait3A_139 = arith.constant 124 : i32
    %dma_wait3A_140 = arith.constant 0 : i32
    %dma_wait3A_141 = tpu.memref_slice %arg8[%dma_wait3A_139, %dma_wait3A_140] : memref<125x80xi32, #tpu.memory_space<vmem>> -> memref<1x80xi32, #tpu.memory_space<vmem>>
    %dma_wait3A_142 = tpu.memref_squeeze %dma_wait3A_141 : memref<1x80xi32, #tpu.memory_space<vmem>> -> memref<80xi32, #tpu.memory_space<vmem>>
    %dma_wait3A_143 = arith.constant 0 : i32
    %dma_wait3A_144 = arith.constant 0 : i32
    %dma_wait3A_145 = tpu.memref_slice %arg13[%dma_wait3A_143, %dma_wait3A_144] : memref<10000x32xf32, #tpu.memory_space<vmem_shared>> -> memref<10000x32xf32, #tpu.memory_space<vmem_shared>>
    tpu.wait_indirect_dma semaphore(%arg19 : memref<!tpu.dma_semaphore, #tpu.memory_space<semaphore_mem>>) src(%arg9 : memref<80x32xf32, #tpu.memory_space<vmem>>) dst(%dma_wait3A_145 : memref<10000x32xf32, #tpu.memory_space<vmem_shared>>)
    %barrier3A_146 = arith.constant 0 : index
    tpu.barrier barrier_id(%barrier3A_146)
    "tpu.region"() ({
      %run_scoped3A = tpu.sem_alloc : memref<!tpu.dma_semaphore, #tpu.memory_space<semaphore_mem>>
      %dma_start3A_147 = arith.constant 0 : i32
      %dma_start3A_148 = arith.constant 0 : i32
      %dma_start3A_149 = tpu.memref_slice %arg6[%arg0, %arg1, %dma_start3A_147, %dma_start3A_148] : memref<2x16x625x32xf32, #tpu.memory_space<hbm>> -> memref<1x1x625x32xf32, #tpu.memory_space<hbm>>
      %dma_start3A_150 = tpu.memref_squeeze %dma_start3A_149 : memref<1x1x625x32xf32, #tpu.memory_space<hbm>> -> memref<625x32xf32, #tpu.memory_space<hbm>>
      %dma_start3A_151 = arith.constant 0 : i32
      %dma_start3A_152 = tpu.memref_slice %arg13[%mul3A_2, %dma_start3A_151] : memref<10000x32xf32, #tpu.memory_space<vmem_shared>> -> memref<625x32xf32, #tpu.memory_space<vmem_shared>>
      tpu.enqueue_dma source(%dma_start3A_152 : memref<625x32xf32, #tpu.memory_space<vmem_shared>>) target(%dma_start3A_150 : memref<625x32xf32, #tpu.memory_space<hbm>>) target_semaphore(%run_scoped3A : memref<!tpu.dma_semaphore, #tpu.memory_space<semaphore_mem>>)
      %dma_wait3A_153 = arith.constant 0 : i32
      %dma_wait3A_154 = arith.constant 0 : i32
      %dma_wait3A_155 = tpu.memref_slice %arg6[%arg0, %arg1, %dma_wait3A_153, %dma_wait3A_154] : memref<2x16x625x32xf32, #tpu.memory_space<hbm>> -> memref<1x1x625x32xf32, #tpu.memory_space<hbm>>
      %dma_wait3A_156 = tpu.memref_squeeze %dma_wait3A_155 : memref<1x1x625x32xf32, #tpu.memory_space<hbm>> -> memref<625x32xf32, #tpu.memory_space<hbm>>
      %dma_wait3A_157 = arith.constant 0 : i32
      %dma_wait3A_158 = tpu.memref_slice %arg13[%mul3A_2, %dma_wait3A_157] : memref<10000x32xf32, #tpu.memory_space<vmem_shared>> -> memref<625x32xf32, #tpu.memory_space<vmem_shared>>
      tpu.wait_dma2 semaphore(%run_scoped3A : memref<!tpu.dma_semaphore, #tpu.memory_space<semaphore_mem>>) src(%dma_wait3A_158 : memref<625x32xf32, #tpu.memory_space<vmem_shared>>) dst(%dma_wait3A_156 : memref<625x32xf32, #tpu.memory_space<hbm>>)
      tpu.yield
    }) : () -> ()
    return
  }
}

#map = affine_map<(d0, d1) -> (0, 0, 0)>
#map1 = affine_map<(d0, d1) -> (0, 0)>
#map2 = affine_map<(d0, d1) -> (0, 0, 0, 0)>
module attributes {stable_mosaic.version = 14 : i64} {
  func.func @body(%arg0: i32, %arg1: i32, %arg2: memref<32x125x80xi32, #tpu.memory_space<hbm>>, %arg3: memref<625x16xf32, #tpu.memory_space<hbm>>, %arg4: memref<2x16x625x16xf32, #tpu.memory_space<hbm>>, %arg5: memref<125x80xi32, #tpu.memory_space<vmem>>, %arg6: memref<80x16xf32, #tpu.memory_space<vmem>>, %arg7: memref<10000x16xf32, #tpu.memory_space<vmem_shared>>, %arg8: memref<!tpu.dma_semaphore, #tpu.memory_space<semaphore_mem>>, %arg9: memref<!tpu.dma_semaphore, #tpu.memory_space<semaphore_mem>>, %arg10: memref<!tpu.dma_semaphore, #tpu.memory_space<semaphore_mem>>, %arg11: memref<!tpu.dma_semaphore, #tpu.memory_space<semaphore_mem>>) attributes {dimension_semantics = [#tpu.dimension_semantics<core_parallel>, #tpu.dimension_semantics<subcore_parallel>], iteration_bounds = array<i64: 2, 16>, scalar_prefetch = 0 : i64, scratch_operands = 7 : i64, tpu.core_type = #tpu.core_type<sc_vector_subcore>, window_params = [{transform_indices = #map}, {transform_indices = #map1}, {transform_indices = #map2}]} {
    %mul3A = arith.constant 16 : i32
    %mul3A_0 = arith.muli %arg0, %mul3A : i32
    %add3A = arith.addi %mul3A_0, %arg1 : i32
    %mul3A_1 = arith.constant 625 : i32
    %mul3A_2 = arith.muli %arg1, %mul3A_1 : i32
    "tpu.region"() ({
      %run_scoped3A = tpu.sem_alloc : memref<!tpu.dma_semaphore, #tpu.memory_space<semaphore_mem>>
      %dma_start3A_83 = arith.constant 0 : i32
      %dma_start3A_84 = tpu.memref_slice %arg7[%mul3A_2, %dma_start3A_83] : memref<10000x16xf32, #tpu.memory_space<vmem_shared>> -> memref<625x16xf32, #tpu.memory_space<vmem_shared>>
      tpu.enqueue_dma source(%arg3 : memref<625x16xf32, #tpu.memory_space<hbm>>) target(%dma_start3A_84 : memref<625x16xf32, #tpu.memory_space<vmem_shared>>) target_semaphore(%run_scoped3A : memref<!tpu.dma_semaphore, #tpu.memory_space<semaphore_mem>>)
      %dma_wait3A_85 = arith.constant 0 : i32
      %dma_wait3A_86 = tpu.memref_slice %arg7[%mul3A_2, %dma_wait3A_85] : memref<10000x16xf32, #tpu.memory_space<vmem_shared>> -> memref<625x16xf32, #tpu.memory_space<vmem_shared>>
      tpu.wait_dma2 semaphore(%run_scoped3A : memref<!tpu.dma_semaphore, #tpu.memory_space<semaphore_mem>>) src(%arg3 : memref<625x16xf32, #tpu.memory_space<hbm>>) dst(%dma_wait3A_86 : memref<625x16xf32, #tpu.memory_space<vmem_shared>>)
      tpu.yield
    }) : () -> ()
    "tpu.region"() ({
      %run_scoped3A = tpu.sem_alloc : memref<!tpu.dma_semaphore, #tpu.memory_space<semaphore_mem>>
      %dma_start3A_83 = arith.constant 0 : i32
      %dma_start3A_84 = arith.constant 0 : i32
      %dma_start3A_85 = tpu.memref_slice %arg2[%add3A, %dma_start3A_83, %dma_start3A_84] : memref<32x125x80xi32, #tpu.memory_space<hbm>> -> memref<1x125x80xi32, #tpu.memory_space<hbm>>
      %dma_start3A_86 = tpu.memref_squeeze %dma_start3A_85 : memref<1x125x80xi32, #tpu.memory_space<hbm>> -> memref<125x80xi32, #tpu.memory_space<hbm>>
      %dma_start3A_87 = arith.constant 0 : i32
      %dma_start3A_88 = arith.constant 0 : i32
      %dma_start3A_89 = tpu.memref_slice %arg2[%add3A, %dma_start3A_87, %dma_start3A_88] : memref<32x125x80xi32, #tpu.memory_space<hbm>> -> memref<1x125x80xi32, #tpu.memory_space<hbm>>
      %dma_start3A_90 = tpu.memref_squeeze %dma_start3A_89 : memref<1x125x80xi32, #tpu.memory_space<hbm>> -> memref<125x80xi32, #tpu.memory_space<hbm>>
      tpu.enqueue_dma source(%dma_start3A_90 : memref<125x80xi32, #tpu.memory_space<hbm>>) target(%arg5 : memref<125x80xi32, #tpu.memory_space<vmem>>) target_semaphore(%run_scoped3A : memref<!tpu.dma_semaphore, #tpu.memory_space<semaphore_mem>>)
      %dma_wait3A_91 = arith.constant 0 : i32
      %dma_wait3A_92 = arith.constant 0 : i32
      %dma_wait3A_93 = tpu.memref_slice %arg2[%add3A, %dma_wait3A_91, %dma_wait3A_92] : memref<32x125x80xi32, #tpu.memory_space<hbm>> -> memref<1x125x80xi32, #tpu.memory_space<hbm>>
      %dma_wait3A_94 = tpu.memref_squeeze %dma_wait3A_93 : memref<1x125x80xi32, #tpu.memory_space<hbm>> -> memref<125x80xi32, #tpu.memory_space<hbm>>
      %dma_wait3A_95 = arith.constant 0 : i32
      %dma_wait3A_96 = arith.constant 0 : i32
      %dma_wait3A_97 = tpu.memref_slice %arg2[%add3A, %dma_wait3A_95, %dma_wait3A_96] : memref<32x125x80xi32, #tpu.memory_space<hbm>> -> memref<1x125x80xi32, #tpu.memory_space<hbm>>
      %dma_wait3A_98 = tpu.memref_squeeze %dma_wait3A_97 : memref<1x125x80xi32, #tpu.memory_space<hbm>> -> memref<125x80xi32, #tpu.memory_space<hbm>>
      tpu.wait_dma2 semaphore(%run_scoped3A : memref<!tpu.dma_semaphore, #tpu.memory_space<semaphore_mem>>) src(%dma_wait3A_98 : memref<125x80xi32, #tpu.memory_space<hbm>>) dst(%arg5 : memref<125x80xi32, #tpu.memory_space<vmem>>)
      tpu.yield
    }) : () -> ()
    %scan3A = arith.constant 0 : i32
    %scan3A_3 = arith.constant 0 : i32
    %scan3A_4 = arith.constant 80 : i32
    %scan3A_5 = arith.addi %scan3A_3, %scan3A_4 : i32
    %scan3A_6 = arith.constant 1 : i32
    scf.for %scan3A_83 = %scan3A_3 to %scan3A_5 step %scan3A_6  : i32 {
      %broadcast_in_dim3A = arith.constant 1.000000e+00 : f32
      %broadcast_in_dim3A_84 = vector.broadcast %broadcast_in_dim3A : f32 to vector<16xf32>
      %swap3A = arith.index_cast %scan3A_83 : i32 to index
      %swap3A_85 = arith.constant 0 : index
      %swap3A_86 = tpu.vector_load %arg6[%swap3A, %swap3A_85] {strides = array<i32>} : memref<80x16xf32, #tpu.memory_space<vmem>>, vector<1x16xf32>,
      %swap3A_87 = vector.shape_cast %swap3A_86 : vector<1x16xf32> to vector<16xf32>
      %swap3A_88 = vector.shape_cast %broadcast_in_dim3A_84 : vector<16xf32> to vector<1x16xf32>
      tpu.vector_store %arg6[%swap3A, %swap3A_85], %swap3A_88 {strides = array<i32>} : memref<80x16xf32, #tpu.memory_space<vmem>>, vector<1x16xf32>,
    }
    %scan3A_7 = arith.constant 80 : i32
    %barrier3A = arith.constant 0 : index
    tpu.barrier barrier_id(%barrier3A)
    %dma_start3A = arith.constant 0 : i32
    %dma_start3A_8 = arith.constant 0 : i32
    %dma_start3A_9 = tpu.memref_slice %arg5[%dma_start3A, %dma_start3A_8] : memref<125x80xi32, #tpu.memory_space<vmem>> -> memref<1x80xi32, #tpu.memory_space<vmem>>
    %dma_start3A_10 = tpu.memref_squeeze %dma_start3A_9 : memref<1x80xi32, #tpu.memory_space<vmem>> -> memref<80xi32, #tpu.memory_space<vmem>>
    %dma_start3A_11 = arith.constant 0 : i32
    %dma_start3A_12 = arith.constant 0 : i32
    %dma_start3A_13 = tpu.memref_slice %arg7[%dma_start3A_11, %dma_start3A_12] : memref<10000x16xf32, #tpu.memory_space<vmem_shared>> -> memref<10000x16xf32, #tpu.memory_space<vmem_shared>>
    tpu.enqueue_indirect_dma source(%arg6 : memref<80x16xf32, #tpu.memory_space<vmem>>) target(%dma_start3A_13 : memref<10000x16xf32, #tpu.memory_space<vmem_shared>>) offsets(%dma_start3A_10 : memref<80xi32, #tpu.memory_space<vmem>>) semaphore(%arg8 : memref<!tpu.dma_semaphore, #tpu.memory_space<semaphore_mem>>) {add = true}
    %dma_start3A_14 = arith.constant 1 : i32
    %dma_start3A_15 = arith.constant 0 : i32
    %dma_start3A_16 = tpu.memref_slice %arg5[%dma_start3A_14, %dma_start3A_15] : memref<125x80xi32, #tpu.memory_space<vmem>> -> memref<1x80xi32, #tpu.memory_space<vmem>>
    %dma_start3A_17 = tpu.memref_squeeze %dma_start3A_16 : memref<1x80xi32, #tpu.memory_space<vmem>> -> memref<80xi32, #tpu.memory_space<vmem>>
    %dma_start3A_18 = arith.constant 0 : i32
    %dma_start3A_19 = arith.constant 0 : i32
    %dma_start3A_20 = tpu.memref_slice %arg7[%dma_start3A_18, %dma_start3A_19] : memref<10000x16xf32, #tpu.memory_space<vmem_shared>> -> memref<10000x16xf32, #tpu.memory_space<vmem_shared>>
    tpu.enqueue_indirect_dma source(%arg6 : memref<80x16xf32, #tpu.memory_space<vmem>>) target(%dma_start3A_20 : memref<10000x16xf32, #tpu.memory_space<vmem_shared>>) offsets(%dma_start3A_17 : memref<80xi32, #tpu.memory_space<vmem>>) semaphore(%arg9 : memref<!tpu.dma_semaphore, #tpu.memory_space<semaphore_mem>>) {add = true}
    %dma_start3A_21 = arith.constant 2 : i32
    %dma_start3A_22 = arith.constant 0 : i32
    %dma_start3A_23 = tpu.memref_slice %arg5[%dma_start3A_21, %dma_start3A_22] : memref<125x80xi32, #tpu.memory_space<vmem>> -> memref<1x80xi32, #tpu.memory_space<vmem>>
    %dma_start3A_24 = tpu.memref_squeeze %dma_start3A_23 : memref<1x80xi32, #tpu.memory_space<vmem>> -> memref<80xi32, #tpu.memory_space<vmem>>
    %dma_start3A_25 = arith.constant 0 : i32
    %dma_start3A_26 = arith.constant 0 : i32
    %dma_start3A_27 = tpu.memref_slice %arg7[%dma_start3A_25, %dma_start3A_26] : memref<10000x16xf32, #tpu.memory_space<vmem_shared>> -> memref<10000x16xf32, #tpu.memory_space<vmem_shared>>
    tpu.enqueue_indirect_dma source(%arg6 : memref<80x16xf32, #tpu.memory_space<vmem>>) target(%dma_start3A_27 : memref<10000x16xf32, #tpu.memory_space<vmem_shared>>) offsets(%dma_start3A_24 : memref<80xi32, #tpu.memory_space<vmem>>) semaphore(%arg10 : memref<!tpu.dma_semaphore, #tpu.memory_space<semaphore_mem>>) {add = true}
    %dma_start3A_28 = arith.constant 3 : i32
    %dma_start3A_29 = arith.constant 0 : i32
    %dma_start3A_30 = tpu.memref_slice %arg5[%dma_start3A_28, %dma_start3A_29] : memref<125x80xi32, #tpu.memory_space<vmem>> -> memref<1x80xi32, #tpu.memory_space<vmem>>
    %dma_start3A_31 = tpu.memref_squeeze %dma_start3A_30 : memref<1x80xi32, #tpu.memory_space<vmem>> -> memref<80xi32, #tpu.memory_space<vmem>>
    %dma_start3A_32 = arith.constant 0 : i32
    %dma_start3A_33 = arith.constant 0 : i32
    %dma_start3A_34 = tpu.memref_slice %arg7[%dma_start3A_32, %dma_start3A_33] : memref<10000x16xf32, #tpu.memory_space<vmem_shared>> -> memref<10000x16xf32, #tpu.memory_space<vmem_shared>>
    tpu.enqueue_indirect_dma source(%arg6 : memref<80x16xf32, #tpu.memory_space<vmem>>) target(%dma_start3A_34 : memref<10000x16xf32, #tpu.memory_space<vmem_shared>>) offsets(%dma_start3A_31 : memref<80xi32, #tpu.memory_space<vmem>>) semaphore(%arg11 : memref<!tpu.dma_semaphore, #tpu.memory_space<semaphore_mem>>) {add = true}
    %scan3A_35 = arith.constant 0 : i32
    %scan3A_36 = arith.constant 1 : i32
    %scan3A_37 = arith.constant 30 : i32
    %scan3A_38 = arith.addi %scan3A_36, %scan3A_37 : i32
    %scan3A_39 = arith.constant 1 : i32
    scf.for %scan3A_83 = %scan3A_36 to %scan3A_38 step %scan3A_39  : i32 {
      %mul3A_84 = arith.constant 4 : i32
      %mul3A_85 = arith.muli %mul3A_84, %scan3A_83 : i32
      %add3A_86 = arith.constant 0 : i32
      %add3A_87 = arith.addi %mul3A_85, %add3A_86 : i32
      %sub3A = arith.constant 4 : i32
      %sub3A_88 = arith.subi %add3A_87, %sub3A : i32
      %dma_wait3A_89 = arith.constant 0 : i32
      %dma_wait3A_90 = tpu.memref_slice %arg5[%sub3A_88, %dma_wait3A_89] : memref<125x80xi32, #tpu.memory_space<vmem>> -> memref<1x80xi32, #tpu.memory_space<vmem>>
      %dma_wait3A_91 = tpu.memref_squeeze %dma_wait3A_90 : memref<1x80xi32, #tpu.memory_space<vmem>> -> memref<80xi32, #tpu.memory_space<vmem>>
      %dma_wait3A_92 = arith.constant 0 : i32
      %dma_wait3A_93 = arith.constant 0 : i32
      %dma_wait3A_94 = tpu.memref_slice %arg7[%dma_wait3A_92, %dma_wait3A_93] : memref<10000x16xf32, #tpu.memory_space<vmem_shared>> -> memref<10000x16xf32, #tpu.memory_space<vmem_shared>>
      tpu.wait_indirect_dma semaphore(%arg8 : memref<!tpu.dma_semaphore, #tpu.memory_space<semaphore_mem>>) src(%arg6 : memref<80x16xf32, #tpu.memory_space<vmem>>) dst(%dma_wait3A_94 : memref<10000x16xf32, #tpu.memory_space<vmem_shared>>)
      %dma_start3A_95 = arith.constant 0 : i32
      %dma_start3A_96 = tpu.memref_slice %arg5[%add3A_87, %dma_start3A_95] : memref<125x80xi32, #tpu.memory_space<vmem>> -> memref<1x80xi32, #tpu.memory_space<vmem>>
      %dma_start3A_97 = tpu.memref_squeeze %dma_start3A_96 : memref<1x80xi32, #tpu.memory_space<vmem>> -> memref<80xi32, #tpu.memory_space<vmem>>
      %dma_start3A_98 = arith.constant 0 : i32
      %dma_start3A_99 = arith.constant 0 : i32
      %dma_start3A_100 = tpu.memref_slice %arg7[%dma_start3A_98, %dma_start3A_99] : memref<10000x16xf32, #tpu.memory_space<vmem_shared>> -> memref<10000x16xf32, #tpu.memory_space<vmem_shared>>
      tpu.enqueue_indirect_dma source(%arg6 : memref<80x16xf32, #tpu.memory_space<vmem>>) target(%dma_start3A_100 : memref<10000x16xf32, #tpu.memory_space<vmem_shared>>) offsets(%dma_start3A_97 : memref<80xi32, #tpu.memory_space<vmem>>) semaphore(%arg8 : memref<!tpu.dma_semaphore, #tpu.memory_space<semaphore_mem>>) {add = true}
      %mul3A_101 = arith.constant 4 : i32
      %mul3A_102 = arith.muli %mul3A_101, %scan3A_83 : i32
      %add3A_103 = arith.constant 1 : i32
      %add3A_104 = arith.addi %mul3A_102, %add3A_103 : i32
      %sub3A_105 = arith.constant 4 : i32
      %sub3A_106 = arith.subi %add3A_104, %sub3A_105 : i32
      %dma_wait3A_107 = arith.constant 0 : i32
      %dma_wait3A_108 = tpu.memref_slice %arg5[%sub3A_106, %dma_wait3A_107] : memref<125x80xi32, #tpu.memory_space<vmem>> -> memref<1x80xi32, #tpu.memory_space<vmem>>
      %dma_wait3A_109 = tpu.memref_squeeze %dma_wait3A_108 : memref<1x80xi32, #tpu.memory_space<vmem>> -> memref<80xi32, #tpu.memory_space<vmem>>
      %dma_wait3A_110 = arith.constant 0 : i32
      %dma_wait3A_111 = arith.constant 0 : i32
      %dma_wait3A_112 = tpu.memref_slice %arg7[%dma_wait3A_110, %dma_wait3A_111] : memref<10000x16xf32, #tpu.memory_space<vmem_shared>> -> memref<10000x16xf32, #tpu.memory_space<vmem_shared>>
      tpu.wait_indirect_dma semaphore(%arg9 : memref<!tpu.dma_semaphore, #tpu.memory_space<semaphore_mem>>) src(%arg6 : memref<80x16xf32, #tpu.memory_space<vmem>>) dst(%dma_wait3A_112 : memref<10000x16xf32, #tpu.memory_space<vmem_shared>>)
      %dma_start3A_113 = arith.constant 0 : i32
      %dma_start3A_114 = tpu.memref_slice %arg5[%add3A_104, %dma_start3A_113] : memref<125x80xi32, #tpu.memory_space<vmem>> -> memref<1x80xi32, #tpu.memory_space<vmem>>
      %dma_start3A_115 = tpu.memref_squeeze %dma_start3A_114 : memref<1x80xi32, #tpu.memory_space<vmem>> -> memref<80xi32, #tpu.memory_space<vmem>>
      %dma_start3A_116 = arith.constant 0 : i32
      %dma_start3A_117 = arith.constant 0 : i32
      %dma_start3A_118 = tpu.memref_slice %arg7[%dma_start3A_116, %dma_start3A_117] : memref<10000x16xf32, #tpu.memory_space<vmem_shared>> -> memref<10000x16xf32, #tpu.memory_space<vmem_shared>>
      tpu.enqueue_indirect_dma source(%arg6 : memref<80x16xf32, #tpu.memory_space<vmem>>) target(%dma_start3A_118 : memref<10000x16xf32, #tpu.memory_space<vmem_shared>>) offsets(%dma_start3A_115 : memref<80xi32, #tpu.memory_space<vmem>>) semaphore(%arg9 : memref<!tpu.dma_semaphore, #tpu.memory_space<semaphore_mem>>) {add = true}
      %mul3A_119 = arith.constant 4 : i32
      %mul3A_120 = arith.muli %mul3A_119, %scan3A_83 : i32
      %add3A_121 = arith.constant 2 : i32
      %add3A_122 = arith.addi %mul3A_120, %add3A_121 : i32
      %sub3A_123 = arith.constant 4 : i32
      %sub3A_124 = arith.subi %add3A_122, %sub3A_123 : i32
      %dma_wait3A_125 = arith.constant 0 : i32
      %dma_wait3A_126 = tpu.memref_slice %arg5[%sub3A_124, %dma_wait3A_125] : memref<125x80xi32, #tpu.memory_space<vmem>> -> memref<1x80xi32, #tpu.memory_space<vmem>>
      %dma_wait3A_127 = tpu.memref_squeeze %dma_wait3A_126 : memref<1x80xi32, #tpu.memory_space<vmem>> -> memref<80xi32, #tpu.memory_space<vmem>>
      %dma_wait3A_128 = arith.constant 0 : i32
      %dma_wait3A_129 = arith.constant 0 : i32
      %dma_wait3A_130 = tpu.memref_slice %arg7[%dma_wait3A_128, %dma_wait3A_129] : memref<10000x16xf32, #tpu.memory_space<vmem_shared>> -> memref<10000x16xf32, #tpu.memory_space<vmem_shared>>
      tpu.wait_indirect_dma semaphore(%arg10 : memref<!tpu.dma_semaphore, #tpu.memory_space<semaphore_mem>>) src(%arg6 : memref<80x16xf32, #tpu.memory_space<vmem>>) dst(%dma_wait3A_130 : memref<10000x16xf32, #tpu.memory_space<vmem_shared>>)
      %dma_start3A_131 = arith.constant 0 : i32
      %dma_start3A_132 = tpu.memref_slice %arg5[%add3A_122, %dma_start3A_131] : memref<125x80xi32, #tpu.memory_space<vmem>> -> memref<1x80xi32, #tpu.memory_space<vmem>>
      %dma_start3A_133 = tpu.memref_squeeze %dma_start3A_132 : memref<1x80xi32, #tpu.memory_space<vmem>> -> memref<80xi32, #tpu.memory_space<vmem>>
      %dma_start3A_134 = arith.constant 0 : i32
      %dma_start3A_135 = arith.constant 0 : i32
      %dma_start3A_136 = tpu.memref_slice %arg7[%dma_start3A_134, %dma_start3A_135] : memref<10000x16xf32, #tpu.memory_space<vmem_shared>> -> memref<10000x16xf32, #tpu.memory_space<vmem_shared>>
      tpu.enqueue_indirect_dma source(%arg6 : memref<80x16xf32, #tpu.memory_space<vmem>>) target(%dma_start3A_136 : memref<10000x16xf32, #tpu.memory_space<vmem_shared>>) offsets(%dma_start3A_133 : memref<80xi32, #tpu.memory_space<vmem>>) semaphore(%arg10 : memref<!tpu.dma_semaphore, #tpu.memory_space<semaphore_mem>>) {add = true}
      %mul3A_137 = arith.constant 4 : i32
      %mul3A_138 = arith.muli %mul3A_137, %scan3A_83 : i32
      %add3A_139 = arith.constant 3 : i32
      %add3A_140 = arith.addi %mul3A_138, %add3A_139 : i32
      %sub3A_141 = arith.constant 4 : i32
      %sub3A_142 = arith.subi %add3A_140, %sub3A_141 : i32
      %dma_wait3A_143 = arith.constant 0 : i32
      %dma_wait3A_144 = tpu.memref_slice %arg5[%sub3A_142, %dma_wait3A_143] : memref<125x80xi32, #tpu.memory_space<vmem>> -> memref<1x80xi32, #tpu.memory_space<vmem>>
      %dma_wait3A_145 = tpu.memref_squeeze %dma_wait3A_144 : memref<1x80xi32, #tpu.memory_space<vmem>> -> memref<80xi32, #tpu.memory_space<vmem>>
      %dma_wait3A_146 = arith.constant 0 : i32
      %dma_wait3A_147 = arith.constant 0 : i32
      %dma_wait3A_148 = tpu.memref_slice %arg7[%dma_wait3A_146, %dma_wait3A_147] : memref<10000x16xf32, #tpu.memory_space<vmem_shared>> -> memref<10000x16xf32, #tpu.memory_space<vmem_shared>>
      tpu.wait_indirect_dma semaphore(%arg11 : memref<!tpu.dma_semaphore, #tpu.memory_space<semaphore_mem>>) src(%arg6 : memref<80x16xf32, #tpu.memory_space<vmem>>) dst(%dma_wait3A_148 : memref<10000x16xf32, #tpu.memory_space<vmem_shared>>)
      %dma_start3A_149 = arith.constant 0 : i32
      %dma_start3A_150 = tpu.memref_slice %arg5[%add3A_140, %dma_start3A_149] : memref<125x80xi32, #tpu.memory_space<vmem>> -> memref<1x80xi32, #tpu.memory_space<vmem>>
      %dma_start3A_151 = tpu.memref_squeeze %dma_start3A_150 : memref<1x80xi32, #tpu.memory_space<vmem>> -> memref<80xi32, #tpu.memory_space<vmem>>
      %dma_start3A_152 = arith.constant 0 : i32
      %dma_start3A_153 = arith.constant 0 : i32
      %dma_start3A_154 = tpu.memref_slice %arg7[%dma_start3A_152, %dma_start3A_153] : memref<10000x16xf32, #tpu.memory_space<vmem_shared>> -> memref<10000x16xf32, #tpu.memory_space<vmem_shared>>
      tpu.enqueue_indirect_dma source(%arg6 : memref<80x16xf32, #tpu.memory_space<vmem>>) target(%dma_start3A_154 : memref<10000x16xf32, #tpu.memory_space<vmem_shared>>) offsets(%dma_start3A_151 : memref<80xi32, #tpu.memory_space<vmem>>) semaphore(%arg11 : memref<!tpu.dma_semaphore, #tpu.memory_space<semaphore_mem>>) {add = true}
    }
    %scan3A_40 = arith.constant 30 : i32
    %dma_wait3A = arith.constant 120 : i32
    %dma_wait3A_41 = arith.constant 0 : i32
    %dma_wait3A_42 = tpu.memref_slice %arg5[%dma_wait3A, %dma_wait3A_41] : memref<125x80xi32, #tpu.memory_space<vmem>> -> memref<1x80xi32, #tpu.memory_space<vmem>>
    %dma_wait3A_43 = tpu.memref_squeeze %dma_wait3A_42 : memref<1x80xi32, #tpu.memory_space<vmem>> -> memref<80xi32, #tpu.memory_space<vmem>>
    %dma_wait3A_44 = arith.constant 0 : i32
    %dma_wait3A_45 = arith.constant 0 : i32
    %dma_wait3A_46 = tpu.memref_slice %arg7[%dma_wait3A_44, %dma_wait3A_45] : memref<10000x16xf32, #tpu.memory_space<vmem_shared>> -> memref<10000x16xf32, #tpu.memory_space<vmem_shared>>
    tpu.wait_indirect_dma semaphore(%arg8 : memref<!tpu.dma_semaphore, #tpu.memory_space<semaphore_mem>>) src(%arg6 : memref<80x16xf32, #tpu.memory_space<vmem>>) dst(%dma_wait3A_46 : memref<10000x16xf32, #tpu.memory_space<vmem_shared>>)
    %dma_start3A_47 = arith.constant 124 : i32
    %dma_start3A_48 = arith.constant 0 : i32
    %dma_start3A_49 = tpu.memref_slice %arg5[%dma_start3A_47, %dma_start3A_48] : memref<125x80xi32, #tpu.memory_space<vmem>> -> memref<1x80xi32, #tpu.memory_space<vmem>>
    %dma_start3A_50 = tpu.memref_squeeze %dma_start3A_49 : memref<1x80xi32, #tpu.memory_space<vmem>> -> memref<80xi32, #tpu.memory_space<vmem>>
    %dma_start3A_51 = arith.constant 0 : i32
    %dma_start3A_52 = arith.constant 0 : i32
    %dma_start3A_53 = tpu.memref_slice %arg7[%dma_start3A_51, %dma_start3A_52] : memref<10000x16xf32, #tpu.memory_space<vmem_shared>> -> memref<10000x16xf32, #tpu.memory_space<vmem_shared>>
    tpu.enqueue_indirect_dma source(%arg6 : memref<80x16xf32, #tpu.memory_space<vmem>>) target(%dma_start3A_53 : memref<10000x16xf32, #tpu.memory_space<vmem_shared>>) offsets(%dma_start3A_50 : memref<80xi32, #tpu.memory_space<vmem>>) semaphore(%arg8 : memref<!tpu.dma_semaphore, #tpu.memory_space<semaphore_mem>>) {add = true}
    %dma_wait3A_54 = arith.constant 121 : i32
    %dma_wait3A_55 = arith.constant 0 : i32
    %dma_wait3A_56 = tpu.memref_slice %arg5[%dma_wait3A_54, %dma_wait3A_55] : memref<125x80xi32, #tpu.memory_space<vmem>> -> memref<1x80xi32, #tpu.memory_space<vmem>>
    %dma_wait3A_57 = tpu.memref_squeeze %dma_wait3A_56 : memref<1x80xi32, #tpu.memory_space<vmem>> -> memref<80xi32, #tpu.memory_space<vmem>>
    %dma_wait3A_58 = arith.constant 0 : i32
    %dma_wait3A_59 = arith.constant 0 : i32
    %dma_wait3A_60 = tpu.memref_slice %arg7[%dma_wait3A_58, %dma_wait3A_59] : memref<10000x16xf32, #tpu.memory_space<vmem_shared>> -> memref<10000x16xf32, #tpu.memory_space<vmem_shared>>
    tpu.wait_indirect_dma semaphore(%arg9 : memref<!tpu.dma_semaphore, #tpu.memory_space<semaphore_mem>>) src(%arg6 : memref<80x16xf32, #tpu.memory_space<vmem>>) dst(%dma_wait3A_60 : memref<10000x16xf32, #tpu.memory_space<vmem_shared>>)
    %dma_wait3A_61 = arith.constant 122 : i32
    %dma_wait3A_62 = arith.constant 0 : i32
    %dma_wait3A_63 = tpu.memref_slice %arg5[%dma_wait3A_61, %dma_wait3A_62] : memref<125x80xi32, #tpu.memory_space<vmem>> -> memref<1x80xi32, #tpu.memory_space<vmem>>
    %dma_wait3A_64 = tpu.memref_squeeze %dma_wait3A_63 : memref<1x80xi32, #tpu.memory_space<vmem>> -> memref<80xi32, #tpu.memory_space<vmem>>
    %dma_wait3A_65 = arith.constant 0 : i32
    %dma_wait3A_66 = arith.constant 0 : i32
    %dma_wait3A_67 = tpu.memref_slice %arg7[%dma_wait3A_65, %dma_wait3A_66] : memref<10000x16xf32, #tpu.memory_space<vmem_shared>> -> memref<10000x16xf32, #tpu.memory_space<vmem_shared>>
    tpu.wait_indirect_dma semaphore(%arg10 : memref<!tpu.dma_semaphore, #tpu.memory_space<semaphore_mem>>) src(%arg6 : memref<80x16xf32, #tpu.memory_space<vmem>>) dst(%dma_wait3A_67 : memref<10000x16xf32, #tpu.memory_space<vmem_shared>>)
    %dma_wait3A_68 = arith.constant 123 : i32
    %dma_wait3A_69 = arith.constant 0 : i32
    %dma_wait3A_70 = tpu.memref_slice %arg5[%dma_wait3A_68, %dma_wait3A_69] : memref<125x80xi32, #tpu.memory_space<vmem>> -> memref<1x80xi32, #tpu.memory_space<vmem>>
    %dma_wait3A_71 = tpu.memref_squeeze %dma_wait3A_70 : memref<1x80xi32, #tpu.memory_space<vmem>> -> memref<80xi32, #tpu.memory_space<vmem>>
    %dma_wait3A_72 = arith.constant 0 : i32
    %dma_wait3A_73 = arith.constant 0 : i32
    %dma_wait3A_74 = tpu.memref_slice %arg7[%dma_wait3A_72, %dma_wait3A_73] : memref<10000x16xf32, #tpu.memory_space<vmem_shared>> -> memref<10000x16xf32, #tpu.memory_space<vmem_shared>>
    tpu.wait_indirect_dma semaphore(%arg11 : memref<!tpu.dma_semaphore, #tpu.memory_space<semaphore_mem>>) src(%arg6 : memref<80x16xf32, #tpu.memory_space<vmem>>) dst(%dma_wait3A_74 : memref<10000x16xf32, #tpu.memory_space<vmem_shared>>)
    %dma_wait3A_75 = arith.constant 124 : i32
    %dma_wait3A_76 = arith.constant 0 : i32
    %dma_wait3A_77 = tpu.memref_slice %arg5[%dma_wait3A_75, %dma_wait3A_76] : memref<125x80xi32, #tpu.memory_space<vmem>> -> memref<1x80xi32, #tpu.memory_space<vmem>>
    %dma_wait3A_78 = tpu.memref_squeeze %dma_wait3A_77 : memref<1x80xi32, #tpu.memory_space<vmem>> -> memref<80xi32, #tpu.memory_space<vmem>>
    %dma_wait3A_79 = arith.constant 0 : i32
    %dma_wait3A_80 = arith.constant 0 : i32
    %dma_wait3A_81 = tpu.memref_slice %arg7[%dma_wait3A_79, %dma_wait3A_80] : memref<10000x16xf32, #tpu.memory_space<vmem_shared>> -> memref<10000x16xf32, #tpu.memory_space<vmem_shared>>
    tpu.wait_indirect_dma semaphore(%arg8 : memref<!tpu.dma_semaphore, #tpu.memory_space<semaphore_mem>>) src(%arg6 : memref<80x16xf32, #tpu.memory_space<vmem>>) dst(%dma_wait3A_81 : memref<10000x16xf32, #tpu.memory_space<vmem_shared>>)
    %barrier3A_82 = arith.constant 0 : index
    tpu.barrier barrier_id(%barrier3A_82)
    "tpu.region"() ({
      %run_scoped3A = tpu.sem_alloc : memref<!tpu.dma_semaphore, #tpu.memory_space<semaphore_mem>>
      %dma_start3A_83 = arith.constant 0 : i32
      %dma_start3A_84 = arith.constant 0 : i32
      %dma_start3A_85 = tpu.memref_slice %arg4[%arg0, %arg1, %dma_start3A_83, %dma_start3A_84] : memref<2x16x625x16xf32, #tpu.memory_space<hbm>> -> memref<1x1x625x16xf32, #tpu.memory_space<hbm>>
      %dma_start3A_86 = tpu.memref_squeeze %dma_start3A_85 : memref<1x1x625x16xf32, #tpu.memory_space<hbm>> -> memref<625x16xf32, #tpu.memory_space<hbm>>
      %dma_start3A_87 = arith.constant 0 : i32
      %dma_start3A_88 = tpu.memref_slice %arg7[%mul3A_2, %dma_start3A_87] : memref<10000x16xf32, #tpu.memory_space<vmem_shared>> -> memref<625x16xf32, #tpu.memory_space<vmem_shared>>
      tpu.enqueue_dma source(%dma_start3A_88 : memref<625x16xf32, #tpu.memory_space<vmem_shared>>) target(%dma_start3A_86 : memref<625x16xf32, #tpu.memory_space<hbm>>) target_semaphore(%run_scoped3A : memref<!tpu.dma_semaphore, #tpu.memory_space<semaphore_mem>>)
      %dma_wait3A_89 = arith.constant 0 : i32
      %dma_wait3A_90 = arith.constant 0 : i32
      %dma_wait3A_91 = tpu.memref_slice %arg4[%arg0, %arg1, %dma_wait3A_89, %dma_wait3A_90] : memref<2x16x625x16xf32, #tpu.memory_space<hbm>> -> memref<1x1x625x16xf32, #tpu.memory_space<hbm>>
      %dma_wait3A_92 = tpu.memref_squeeze %dma_wait3A_91 : memref<1x1x625x16xf32, #tpu.memory_space<hbm>> -> memref<625x16xf32, #tpu.memory_space<hbm>>
      %dma_wait3A_93 = arith.constant 0 : i32
      %dma_wait3A_94 = tpu.memref_slice %arg7[%mul3A_2, %dma_wait3A_93] : memref<10000x16xf32, #tpu.memory_space<vmem_shared>> -> memref<625x16xf32, #tpu.memory_space<vmem_shared>>
      tpu.wait_dma2 semaphore(%run_scoped3A : memref<!tpu.dma_semaphore, #tpu.memory_space<semaphore_mem>>) src(%dma_wait3A_94 : memref<625x16xf32, #tpu.memory_space<vmem_shared>>) dst(%dma_wait3A_92 : memref<625x16xf32, #tpu.memory_space<hbm>>)
      tpu.yield
    }) : () -> ()
    return
  }
}

#map = affine_map<(d0, d1) -> (0, 0, 0)>
#map1 = affine_map<(d0, d1) -> (0, 0)>
#map2 = affine_map<(d0, d1) -> (0, 0, 0, 0)>
module attributes {stable_mosaic.version = 14 : i64} {
  func.func @body(%arg0: i32, %arg1: i32, %arg2: memref<32x125x80xi32, #tpu.memory_space<hbm>>, %arg3: memref<32x125x80xi32, #tpu.memory_space<hbm>>, %arg4: memref<16x625x32xf32, #tpu.memory_space<hbm>>, %arg5: memref<625x32xf32, #tpu.memory_space<hbm>>, %arg6: memref<2x16x625x32xf32, #tpu.memory_space<hbm>>, %arg7: memref<125x80xi32, #tpu.memory_space<vmem>>, %arg8: memref<125x80xi32, #tpu.memory_space<vmem>>, %arg9: memref<80x32xf32, #tpu.memory_space<vmem>>, %arg10: memref<80x32xf32, #tpu.memory_space<vmem>>, %arg11: memref<80x32xf32, #tpu.memory_space<vmem>>, %arg12: memref<80x32xf32, #tpu.memory_space<vmem>>, %arg13: memref<10000x32xf32, #tpu.memory_space<vmem_shared>>, %arg14: memref<10000x32xf32, #tpu.memory_space<vmem_shared>>, %arg15: memref<!tpu.dma_semaphore, #tpu.memory_space<semaphore_mem>>, %arg16: memref<!tpu.dma_semaphore, #tpu.memory_space<semaphore_mem>>, %arg17: memref<!tpu.dma_semaphore, #tpu.memory_space<semaphore_mem>>, %arg18: memref<!tpu.dma_semaphore, #tpu.memory_space<semaphore_mem>>, %arg19: memref<!tpu.dma_semaphore, #tpu.memory_space<semaphore_mem>>, %arg20: memref<!tpu.dma_semaphore, #tpu.memory_space<semaphore_mem>>, %arg21: memref<!tpu.dma_semaphore, #tpu.memory_space<semaphore_mem>>, %arg22: memref<!tpu.dma_semaphore, #tpu.memory_space<semaphore_mem>>) attributes {dimension_semantics = [#tpu.dimension_semantics<core_parallel>, #tpu.dimension_semantics<subcore_parallel>], iteration_bounds = array<i64: 2, 16>, scalar_prefetch = 0 : i64, scratch_operands = 16 : i64, tpu.core_type = #tpu.core_type<sc_vector_subcore>, window_params = [{transform_indices = #map}, {transform_indices = #map}, {transform_indices = #map}, {transform_indices = #map1}, {transform_indices = #map2}]} {
    %mul3A = arith.constant 16 : i32
    %mul3A_0 = arith.muli %arg0, %mul3A : i32
    %add3A = arith.addi %mul3A_0, %arg1 : i32
    %mul3A_1 = arith.constant 625 : i32
    %mul3A_2 = arith.muli %arg1, %mul3A_1 : i32
    "tpu.region"() ({
      %run_scoped3A = tpu.sem_alloc : memref<!tpu.dma_semaphore, #tpu.memory_space<semaphore_mem>>
      %dma_start3A_147 = arith.constant 0 : i32
      %dma_start3A_148 = tpu.memref_slice %arg13[%mul3A_2, %dma_start3A_147] : memref<10000x32xf32, #tpu.memory_space<vmem_shared>> -> memref<625x32xf32, #tpu.memory_space<vmem_shared>>
      tpu.enqueue_dma source(%arg5 : memref<625x32xf32, #tpu.memory_space<hbm>>) target(%dma_start3A_148 : memref<625x32xf32, #tpu.memory_space<vmem_shared>>) target_semaphore(%run_scoped3A : memref<!tpu.dma_semaphore, #tpu.memory_space<semaphore_mem>>)
      %dma_wait3A_149 = arith.constant 0 : i32
      %dma_wait3A_150 = tpu.memref_slice %arg13[%mul3A_2, %dma_wait3A_149] : memref<10000x32xf32, #tpu.memory_space<vmem_shared>> -> memref<625x32xf32, #tpu.memory_space<vmem_shared>>
      tpu.wait_dma2 semaphore(%run_scoped3A : memref<!tpu.dma_semaphore, #tpu.memory_space<semaphore_mem>>) src(%arg5 : memref<625x32xf32, #tpu.memory_space<hbm>>) dst(%dma_wait3A_150 : memref<625x32xf32, #tpu.memory_space<vmem_shared>>)
      tpu.yield
    }) : () -> ()
    "tpu.region"() ({
      %run_scoped3A = tpu.sem_alloc : memref<!tpu.dma_semaphore, #tpu.memory_space<semaphore_mem>>
      %dma_start3A_147 = arith.constant 0 : i32
      %dma_start3A_148 = tpu.memref_slice %arg14[%mul3A_2, %dma_start3A_147] : memref<10000x32xf32, #tpu.memory_space<vmem_shared>> -> memref<625x32xf32, #tpu.memory_space<vmem_shared>>
      %dma_start3A_149 = arith.constant 0 : i32
      %dma_start3A_150 = arith.constant 0 : i32
      %dma_start3A_151 = tpu.memref_slice %arg4[%arg1, %dma_start3A_149, %dma_start3A_150] : memref<16x625x32xf32, #tpu.memory_space<hbm>> -> memref<1x625x32xf32, #tpu.memory_space<hbm>>
      %dma_start3A_152 = tpu.memref_squeeze %dma_start3A_151 : memref<1x625x32xf32, #tpu.memory_space<hbm>> -> memref<625x32xf32, #tpu.memory_space<hbm>>
      tpu.enqueue_dma source(%dma_start3A_152 : memref<625x32xf32, #tpu.memory_space<hbm>>) target(%dma_start3A_148 : memref<625x32xf32, #tpu.memory_space<vmem_shared>>) target_semaphore(%run_scoped3A : memref<!tpu.dma_semaphore, #tpu.memory_space<semaphore_mem>>)
      %dma_wait3A_153 = arith.constant 0 : i32
      %dma_wait3A_154 = tpu.memref_slice %arg14[%mul3A_2, %dma_wait3A_153] : memref<10000x32xf32, #tpu.memory_space<vmem_shared>> -> memref<625x32xf32, #tpu.memory_space<vmem_shared>>
      %dma_wait3A_155 = arith.constant 0 : i32
      %dma_wait3A_156 = arith.constant 0 : i32
      %dma_wait3A_157 = tpu.memref_slice %arg4[%arg1, %dma_wait3A_155, %dma_wait3A_156] : memref<16x625x32xf32, #tpu.memory_space<hbm>> -> memref<1x625x32xf32, #tpu.memory_space<hbm>>
      %dma_wait3A_158 = tpu.memref_squeeze %dma_wait3A_157 : memref<1x625x32xf32, #tpu.memory_space<hbm>> -> memref<625x32xf32, #tpu.memory_space<hbm>>
      tpu.wait_dma2 semaphore(%run_scoped3A : memref<!tpu.dma_semaphore, #tpu.memory_space<semaphore_mem>>) src(%dma_wait3A_158 : memref<625x32xf32, #tpu.memory_space<hbm>>) dst(%dma_wait3A_154 : memref<625x32xf32, #tpu.memory_space<vmem_shared>>)
      tpu.yield
    }) : () -> ()
    "tpu.region"() ({
      %run_scoped3A = tpu.sem_alloc : memref<!tpu.dma_semaphore, #tpu.memory_space<semaphore_mem>>
      %dma_start3A_147 = arith.constant 0 : i32
      %dma_start3A_148 = arith.constant 0 : i32
      %dma_start3A_149 = tpu.memref_slice %arg2[%add3A, %dma_start3A_147, %dma_start3A_148] : memref<32x125x80xi32, #tpu.memory_space<hbm>> -> memref<1x125x80xi32, #tpu.memory_space<hbm>>
      %dma_start3A_150 = tpu.memref_squeeze %dma_start3A_149 : memref<1x125x80xi32, #tpu.memory_space<hbm>> -> memref<125x80xi32, #tpu.memory_space<hbm>>
      %dma_start3A_151 = arith.constant 0 : i32
      %dma_start3A_152 = arith.constant 0 : i32
      %dma_start3A_153 = tpu.memref_slice %arg2[%add3A, %dma_start3A_151, %dma_start3A_152] : memref<32x125x80xi32, #tpu.memory_space<hbm>> -> memref<1x125x80xi32, #tpu.memory_space<hbm>>
      %dma_start3A_154 = tpu.memref_squeeze %dma_start3A_153 : memref<1x125x80xi32, #tpu.memory_space<hbm>> -> memref<125x80xi32, #tpu.memory_space<hbm>>
      tpu.enqueue_dma source(%dma_start3A_154 : memref<125x80xi32, #tpu.memory_space<hbm>>) target(%arg7 : memref<125x80xi32, #tpu.memory_space<vmem>>) target_semaphore(%run_scoped3A : memref<!tpu.dma_semaphore, #tpu.memory_space<semaphore_mem>>)
      %dma_wait3A_155 = arith.constant 0 : i32
      %dma_wait3A_156 = arith.constant 0 : i32
      %dma_wait3A_157 = tpu.memref_slice %arg2[%add3A, %dma_wait3A_155, %dma_wait3A_156] : memref<32x125x80xi32, #tpu.memory_space<hbm>> -> memref<1x125x80xi32, #tpu.memory_space<hbm>>
      %dma_wait3A_158 = tpu.memref_squeeze %dma_wait3A_157 : memref<1x125x80xi32, #tpu.memory_space<hbm>> -> memref<125x80xi32, #tpu.memory_space<hbm>>
      %dma_wait3A_159 = arith.constant 0 : i32
      %dma_wait3A_160 = arith.constant 0 : i32
      %dma_wait3A_161 = tpu.memref_slice %arg2[%add3A, %dma_wait3A_159, %dma_wait3A_160] : memref<32x125x80xi32, #tpu.memory_space<hbm>> -> memref<1x125x80xi32, #tpu.memory_space<hbm>>
      %dma_wait3A_162 = tpu.memref_squeeze %dma_wait3A_161 : memref<1x125x80xi32, #tpu.memory_space<hbm>> -> memref<125x80xi32, #tpu.memory_space<hbm>>
      tpu.wait_dma2 semaphore(%run_scoped3A : memref<!tpu.dma_semaphore, #tpu.memory_space<semaphore_mem>>) src(%dma_wait3A_162 : memref<125x80xi32, #tpu.memory_space<hbm>>) dst(%arg7 : memref<125x80xi32, #tpu.memory_space<vmem>>)
      tpu.yield
    }) : () -> ()
    "tpu.region"() ({
      %run_scoped3A = tpu.sem_alloc : memref<!tpu.dma_semaphore, #tpu.memory_space<semaphore_mem>>
      %dma_start3A_147 = arith.constant 0 : i32
      %dma_start3A_148 = arith.constant 0 : i32
      %dma_start3A_149 = tpu.memref_slice %arg3[%add3A, %dma_start3A_147, %dma_start3A_148] : memref<32x125x80xi32, #tpu.memory_space<hbm>> -> memref<1x125x80xi32, #tpu.memory_space<hbm>>
      %dma_start3A_150 = tpu.memref_squeeze %dma_start3A_149 : memref<1x125x80xi32, #tpu.memory_space<hbm>> -> memref<125x80xi32, #tpu.memory_space<hbm>>
      %dma_start3A_151 = arith.constant 0 : i32
      %dma_start3A_152 = arith.constant 0 : i32
      %dma_start3A_153 = tpu.memref_slice %arg3[%add3A, %dma_start3A_151, %dma_start3A_152] : memref<32x125x80xi32, #tpu.memory_space<hbm>> -> memref<1x125x80xi32, #tpu.memory_space<hbm>>
      %dma_start3A_154 = tpu.memref_squeeze %dma_start3A_153 : memref<1x125x80xi32, #tpu.memory_space<hbm>> -> memref<125x80xi32, #tpu.memory_space<hbm>>
      tpu.enqueue_dma source(%dma_start3A_154 : memref<125x80xi32, #tpu.memory_space<hbm>>) target(%arg8 : memref<125x80xi32, #tpu.memory_space<vmem>>) target_semaphore(%run_scoped3A : memref<!tpu.dma_semaphore, #tpu.memory_space<semaphore_mem>>)
      %dma_wait3A_155 = arith.constant 0 : i32
      %dma_wait3A_156 = arith.constant 0 : i32
      %dma_wait3A_157 = tpu.memref_slice %arg3[%add3A, %dma_wait3A_155, %dma_wait3A_156] : memref<32x125x80xi32, #tpu.memory_space<hbm>> -> memref<1x125x80xi32, #tpu.memory_space<hbm>>
      %dma_wait3A_158 = tpu.memref_squeeze %dma_wait3A_157 : memref<1x125x80xi32, #tpu.memory_space<hbm>> -> memref<125x80xi32, #tpu.memory_space<hbm>>
      %dma_wait3A_159 = arith.constant 0 : i32
      %dma_wait3A_160 = arith.constant 0 : i32
      %dma_wait3A_161 = tpu.memref_slice %arg3[%add3A, %dma_wait3A_159, %dma_wait3A_160] : memref<32x125x80xi32, #tpu.memory_space<hbm>> -> memref<1x125x80xi32, #tpu.memory_space<hbm>>
      %dma_wait3A_162 = tpu.memref_squeeze %dma_wait3A_161 : memref<1x125x80xi32, #tpu.memory_space<hbm>> -> memref<125x80xi32, #tpu.memory_space<hbm>>
      tpu.wait_dma2 semaphore(%run_scoped3A : memref<!tpu.dma_semaphore, #tpu.memory_space<semaphore_mem>>) src(%dma_wait3A_162 : memref<125x80xi32, #tpu.memory_space<hbm>>) dst(%arg8 : memref<125x80xi32, #tpu.memory_space<vmem>>)
      tpu.yield
    }) : () -> ()
    %barrier3A = arith.constant 0 : index
    tpu.barrier barrier_id(%barrier3A)
    %dma_start3A = arith.constant 0 : i32
    %dma_start3A_3 = arith.constant 0 : i32
    %dma_start3A_4 = tpu.memref_slice %arg7[%dma_start3A, %dma_start3A_3] : memref<125x80xi32, #tpu.memory_space<vmem>> -> memref<1x80xi32, #tpu.memory_space<vmem>>
    %dma_start3A_5 = tpu.memref_squeeze %dma_start3A_4 : memref<1x80xi32, #tpu.memory_space<vmem>> -> memref<80xi32, #tpu.memory_space<vmem>>
    %dma_start3A_6 = arith.constant 0 : i32
    %dma_start3A_7 = arith.constant 0 : i32
    %dma_start3A_8 = tpu.memref_slice %arg14[%dma_start3A_6, %dma_start3A_7] : memref<10000x32xf32, #tpu.memory_space<vmem_shared>> -> memref<10000x32xf32, #tpu.memory_space<vmem_shared>>
    tpu.enqueue_indirect_dma source(%dma_start3A_8 : memref<10000x32xf32, #tpu.memory_space<vmem_shared>>) target(%arg9 : memref<80x32xf32, #tpu.memory_space<vmem>>) offsets(%dma_start3A_5 : memref<80xi32, #tpu.memory_space<vmem>>) semaphore(%arg15 : memref<!tpu.dma_semaphore, #tpu.memory_space<semaphore_mem>>)
    %dma_start3A_9 = arith.constant 1 : i32
    %dma_start3A_10 = arith.constant 0 : i32
    %dma_start3A_11 = tpu.memref_slice %arg7[%dma_start3A_9, %dma_start3A_10] : memref<125x80xi32, #tpu.memory_space<vmem>> -> memref<1x80xi32, #tpu.memory_space<vmem>>
    %dma_start3A_12 = tpu.memref_squeeze %dma_start3A_11 : memref<1x80xi32, #tpu.memory_space<vmem>> -> memref<80xi32, #tpu.memory_space<vmem>>
    %dma_start3A_13 = arith.constant 0 : i32
    %dma_start3A_14 = arith.constant 0 : i32
    %dma_start3A_15 = tpu.memref_slice %arg14[%dma_start3A_13, %dma_start3A_14] : memref<10000x32xf32, #tpu.memory_space<vmem_shared>> -> memref<10000x32xf32, #tpu.memory_space<vmem_shared>>
    tpu.enqueue_indirect_dma source(%dma_start3A_15 : memref<10000x32xf32, #tpu.memory_space<vmem_shared>>) target(%arg10 : memref<80x32xf32, #tpu.memory_space<vmem>>) offsets(%dma_start3A_12 : memref<80xi32, #tpu.memory_space<vmem>>) semaphore(%arg16 : memref<!tpu.dma_semaphore, #tpu.memory_space<semaphore_mem>>)
    %dma_start3A_16 = arith.constant 2 : i32
    %dma_start3A_17 = arith.constant 0 : i32
    %dma_start3A_18 = tpu.memref_slice %arg7[%dma_start3A_16, %dma_start3A_17] : memref<125x80xi32, #tpu.memory_space<vmem>> -> memref<1x80xi32, #tpu.memory_space<vmem>>
    %dma_start3A_19 = tpu.memref_squeeze %dma_start3A_18 : memref<1x80xi32, #tpu.memory_space<vmem>> -> memref<80xi32, #tpu.memory_space<vmem>>
    %dma_start3A_20 = arith.constant 0 : i32
    %dma_start3A_21 = arith.constant 0 : i32
    %dma_start3A_22 = tpu.memref_slice %arg14[%dma_start3A_20, %dma_start3A_21] : memref<10000x32xf32, #tpu.memory_space<vmem_shared>> -> memref<10000x32xf32, #tpu.memory_space<vmem_shared>>
    tpu.enqueue_indirect_dma source(%dma_start3A_22 : memref<10000x32xf32, #tpu.memory_space<vmem_shared>>) target(%arg11 : memref<80x32xf32, #tpu.memory_space<vmem>>) offsets(%dma_start3A_19 : memref<80xi32, #tpu.memory_space<vmem>>) semaphore(%arg17 : memref<!tpu.dma_semaphore, #tpu.memory_space<semaphore_mem>>)
    %dma_wait3A = arith.constant 0 : i32
    %dma_wait3A_23 = arith.constant 0 : i32
    %dma_wait3A_24 = tpu.memref_slice %arg7[%dma_wait3A, %dma_wait3A_23] : memref<125x80xi32, #tpu.memory_space<vmem>> -> memref<1x80xi32, #tpu.memory_space<vmem>>
    %dma_wait3A_25 = tpu.memref_squeeze %dma_wait3A_24 : memref<1x80xi32, #tpu.memory_space<vmem>> -> memref<80xi32, #tpu.memory_space<vmem>>
    %dma_wait3A_26 = arith.constant 0 : i32
    %dma_wait3A_27 = arith.constant 0 : i32
    %dma_wait3A_28 = tpu.memref_slice %arg14[%dma_wait3A_26, %dma_wait3A_27] : memref<10000x32xf32, #tpu.memory_space<vmem_shared>> -> memref<10000x32xf32, #tpu.memory_space<vmem_shared>>
    tpu.wait_indirect_dma semaphore(%arg15 : memref<!tpu.dma_semaphore, #tpu.memory_space<semaphore_mem>>) src(%dma_wait3A_28 : memref<10000x32xf32, #tpu.memory_space<vmem_shared>>) dst(%arg9 : memref<80x32xf32, #tpu.memory_space<vmem>>)
    %dma_start3A_29 = arith.constant 0 : i32
    %dma_start3A_30 = arith.constant 0 : i32
    %dma_start3A_31 = tpu.memref_slice %arg8[%dma_start3A_29, %dma_start3A_30] : memref<125x80xi32, #tpu.memory_space<vmem>> -> memref<1x80xi32, #tpu.memory_space<vmem>>
    %dma_start3A_32 = tpu.memref_squeeze %dma_start3A_31 : memref<1x80xi32, #tpu.memory_space<vmem>> -> memref<80xi32, #tpu.memory_space<vmem>>
    %dma_start3A_33 = arith.constant 0 : i32
    %dma_start3A_34 = arith.constant 0 : i32
    %dma_start3A_35 = tpu.memref_slice %arg13[%dma_start3A_33, %dma_start3A_34] : memref<10000x32xf32, #tpu.memory_space<vmem_shared>> -> memref<10000x32xf32, #tpu.memory_space<vmem_shared>>
    tpu.enqueue_indirect_dma source(%arg9 : memref<80x32xf32, #tpu.memory_space<vmem>>) target(%dma_start3A_35 : memref<10000x32xf32, #tpu.memory_space<vmem_shared>>) offsets(%dma_start3A_32 : memref<80xi32, #tpu.memory_space<vmem>>) semaphore(%arg19 : memref<!tpu.dma_semaphore, #tpu.memory_space<semaphore_mem>>) {add = true}
    %dma_start3A_36 = arith.constant 3 : i32
    %dma_start3A_37 = arith.constant 0 : i32
    %dma_start3A_38 = tpu.memref_slice %arg7[%dma_start3A_36, %dma_start3A_37] : memref<125x80xi32, #tpu.memory_space<vmem>> -> memref<1x80xi32, #tpu.memory_space<vmem>>
    %dma_start3A_39 = tpu.memref_squeeze %dma_start3A_38 : memref<1x80xi32, #tpu.memory_space<vmem>> -> memref<80xi32, #tpu.memory_space<vmem>>
    %dma_start3A_40 = arith.constant 0 : i32
    %dma_start3A_41 = arith.constant 0 : i32
    %dma_start3A_42 = tpu.memref_slice %arg14[%dma_start3A_40, %dma_start3A_41] : memref<10000x32xf32, #tpu.memory_space<vmem_shared>> -> memref<10000x32xf32, #tpu.memory_space<vmem_shared>>
    tpu.enqueue_indirect_dma source(%dma_start3A_42 : memref<10000x32xf32, #tpu.memory_space<vmem_shared>>) target(%arg12 : memref<80x32xf32, #tpu.memory_space<vmem>>) offsets(%dma_start3A_39 : memref<80xi32, #tpu.memory_space<vmem>>) semaphore(%arg18 : memref<!tpu.dma_semaphore, #tpu.memory_space<semaphore_mem>>)
    %scan3A = arith.constant 0 : i32
    %scan3A_43 = arith.constant 0 : i32
    %scan3A_44 = arith.constant 30 : i32
    %scan3A_45 = arith.addi %scan3A_43, %scan3A_44 : i32
    %scan3A_46 = arith.constant 1 : i32
    scf.for %scan3A_147 = %scan3A_43 to %scan3A_45 step %scan3A_46  : i32 {
      %mul3A_148 = arith.constant 4 : i32
      %mul3A_149 = arith.muli %mul3A_148, %scan3A_147 : i32
      %add3A_150 = arith.constant 1 : i32
      %add3A_151 = arith.addi %mul3A_149, %add3A_150 : i32
      %add3A_152 = arith.constant 0 : i32
      %add3A_153 = arith.addi %add3A_151, %add3A_152 : i32
      %dma_wait3A_154 = arith.constant 0 : i32
      %dma_wait3A_155 = tpu.memref_slice %arg7[%add3A_153, %dma_wait3A_154] : memref<125x80xi32, #tpu.memory_space<vmem>> -> memref<1x80xi32, #tpu.memory_space<vmem>>
      %dma_wait3A_156 = tpu.memref_squeeze %dma_wait3A_155 : memref<1x80xi32, #tpu.memory_space<vmem>> -> memref<80xi32, #tpu.memory_space<vmem>>
      %dma_wait3A_157 = arith.constant 0 : i32
      %dma_wait3A_158 = arith.constant 0 : i32
      %dma_wait3A_159 = tpu.memref_slice %arg14[%dma_wait3A_157, %dma_wait3A_158] : memref<10000x32xf32, #tpu.memory_space<vmem_shared>> -> memref<10000x32xf32, #tpu.memory_space<vmem_shared>>
      tpu.wait_indirect_dma semaphore(%arg16 : memref<!tpu.dma_semaphore, #tpu.memory_space<semaphore_mem>>) src(%dma_wait3A_159 : memref<10000x32xf32, #tpu.memory_space<vmem_shared>>) dst(%arg10 : memref<80x32xf32, #tpu.memory_space<vmem>>)
      %dma_start3A_160 = arith.constant 0 : i32
      %dma_start3A_161 = tpu.memref_slice %arg8[%add3A_153, %dma_start3A_160] : memref<125x80xi32, #tpu.memory_space<vmem>> -> memref<1x80xi32, #tpu.memory_space<vmem>>
      %dma_start3A_162 = tpu.memref_squeeze %dma_start3A_161 : memref<1x80xi32, #tpu.memory_space<vmem>> -> memref<80xi32, #tpu.memory_space<vmem>>
      %dma_start3A_163 = arith.constant 0 : i32
      %dma_start3A_164 = arith.constant 0 : i32
      %dma_start3A_165 = tpu.memref_slice %arg13[%dma_start3A_163, %dma_start3A_164] : memref<10000x32xf32, #tpu.memory_space<vmem_shared>> -> memref<10000x32xf32, #tpu.memory_space<vmem_shared>>
      tpu.enqueue_indirect_dma source(%arg10 : memref<80x32xf32, #tpu.memory_space<vmem>>) target(%dma_start3A_165 : memref<10000x32xf32, #tpu.memory_space<vmem_shared>>) offsets(%dma_start3A_162 : memref<80xi32, #tpu.memory_space<vmem>>) semaphore(%arg20 : memref<!tpu.dma_semaphore, #tpu.memory_space<semaphore_mem>>) {add = true}
      %sub3A = arith.constant 1 : i32
      %sub3A_166 = arith.subi %add3A_153, %sub3A : i32
      %dma_wait3A_167 = arith.constant 0 : i32
      %dma_wait3A_168 = tpu.memref_slice %arg8[%sub3A_166, %dma_wait3A_167] : memref<125x80xi32, #tpu.memory_space<vmem>> -> memref<1x80xi32, #tpu.memory_space<vmem>>
      %dma_wait3A_169 = tpu.memref_squeeze %dma_wait3A_168 : memref<1x80xi32, #tpu.memory_space<vmem>> -> memref<80xi32, #tpu.memory_space<vmem>>
      %dma_wait3A_170 = arith.constant 0 : i32
      %dma_wait3A_171 = arith.constant 0 : i32
      %dma_wait3A_172 = tpu.memref_slice %arg13[%dma_wait3A_170, %dma_wait3A_171] : memref<10000x32xf32, #tpu.memory_space<vmem_shared>> -> memref<10000x32xf32, #tpu.memory_space<vmem_shared>>
      tpu.wait_indirect_dma semaphore(%arg19 : memref<!tpu.dma_semaphore, #tpu.memory_space<semaphore_mem>>) src(%arg9 : memref<80x32xf32, #tpu.memory_space<vmem>>) dst(%dma_wait3A_172 : memref<10000x32xf32, #tpu.memory_space<vmem_shared>>)
      %add3A_173 = arith.constant 3 : i32
      %add3A_174 = arith.addi %add3A_153, %add3A_173 : i32
      %dma_start3A_175 = arith.constant 0 : i32
      %dma_start3A_176 = tpu.memref_slice %arg7[%add3A_174, %dma_start3A_175] : memref<125x80xi32, #tpu.memory_space<vmem>> -> memref<1x80xi32, #tpu.memory_space<vmem>>
      %dma_start3A_177 = tpu.memref_squeeze %dma_start3A_176 : memref<1x80xi32, #tpu.memory_space<vmem>> -> memref<80xi32, #tpu.memory_space<vmem>>
      %dma_start3A_178 = arith.constant 0 : i32
      %dma_start3A_179 = arith.constant 0 : i32
      %dma_start3A_180 = tpu.memref_slice %arg14[%dma_start3A_178, %dma_start3A_179] : memref<10000x32xf32, #tpu.memory_space<vmem_shared>> -> memref<10000x32xf32, #tpu.memory_space<vmem_shared>>
      tpu.enqueue_indirect_dma source(%dma_start3A_180 : memref<10000x32xf32, #tpu.memory_space<vmem_shared>>) target(%arg9 : memref<80x32xf32, #tpu.memory_space<vmem>>) offsets(%dma_start3A_177 : memref<80xi32, #tpu.memory_space<vmem>>) semaphore(%arg15 : memref<!tpu.dma_semaphore, #tpu.memory_space<semaphore_mem>>)
      %mul3A_181 = arith.constant 4 : i32
      %mul3A_182 = arith.muli %mul3A_181, %scan3A_147 : i32
      %add3A_183 = arith.constant 1 : i32
      %add3A_184 = arith.addi %mul3A_182, %add3A_183 : i32
      %add3A_185 = arith.constant 1 : i32
      %add3A_186 = arith.addi %add3A_184, %add3A_185 : i32
      %dma_wait3A_187 = arith.constant 0 : i32
      %dma_wait3A_188 = tpu.memref_slice %arg7[%add3A_186, %dma_wait3A_187] : memref<125x80xi32, #tpu.memory_space<vmem>> -> memref<1x80xi32, #tpu.memory_space<vmem>>
      %dma_wait3A_189 = tpu.memref_squeeze %dma_wait3A_188 : memref<1x80xi32, #tpu.memory_space<vmem>> -> memref<80xi32, #tpu.memory_space<vmem>>
      %dma_wait3A_190 = arith.constant 0 : i32
      %dma_wait3A_191 = arith.constant 0 : i32
      %dma_wait3A_192 = tpu.memref_slice %arg14[%dma_wait3A_190, %dma_wait3A_191] : memref<10000x32xf32, #tpu.memory_space<vmem_shared>> -> memref<10000x32xf32, #tpu.memory_space<vmem_shared>>
      tpu.wait_indirect_dma semaphore(%arg17 : memref<!tpu.dma_semaphore, #tpu.memory_space<semaphore_mem>>) src(%dma_wait3A_192 : memref<10000x32xf32, #tpu.memory_space<vmem_shared>>) dst(%arg11 : memref<80x32xf32, #tpu.memory_space<vmem>>)
      %dma_start3A_193 = arith.constant 0 : i32
      %dma_start3A_194 = tpu.memref_slice %arg8[%add3A_186, %dma_start3A_193] : memref<125x80xi32, #tpu.memory_space<vmem>> -> memref<1x80xi32, #tpu.memory_space<vmem>>
      %dma_start3A_195 = tpu.memref_squeeze %dma_start3A_194 : memref<1x80xi32, #tpu.memory_space<vmem>> -> memref<80xi32, #tpu.memory_space<vmem>>
      %dma_start3A_196 = arith.constant 0 : i32
      %dma_start3A_197 = arith.constant 0 : i32
      %dma_start3A_198 = tpu.memref_slice %arg13[%dma_start3A_196, %dma_start3A_197] : memref<10000x32xf32, #tpu.memory_space<vmem_shared>> -> memref<10000x32xf32, #tpu.memory_space<vmem_shared>>
      tpu.enqueue_indirect_dma source(%arg11 : memref<80x32xf32, #tpu.memory_space<vmem>>) target(%dma_start3A_198 : memref<10000x32xf32, #tpu.memory_space<vmem_shared>>) offsets(%dma_start3A_195 : memref<80xi32, #tpu.memory_space<vmem>>) semaphore(%arg21 : memref<!tpu.dma_semaphore, #tpu.memory_space<semaphore_mem>>) {add = true}
      %sub3A_199 = arith.constant 1 : i32
      %sub3A_200 = arith.subi %add3A_186, %sub3A_199 : i32
      %dma_wait3A_201 = arith.constant 0 : i32
      %dma_wait3A_202 = tpu.memref_slice %arg8[%sub3A_200, %dma_wait3A_201] : memref<125x80xi32, #tpu.memory_space<vmem>> -> memref<1x80xi32, #tpu.memory_space<vmem>>
      %dma_wait3A_203 = tpu.memref_squeeze %dma_wait3A_202 : memref<1x80xi32, #tpu.memory_space<vmem>> -> memref<80xi32, #tpu.memory_space<vmem>>
      %dma_wait3A_204 = arith.constant 0 : i32
      %dma_wait3A_205 = arith.constant 0 : i32
      %dma_wait3A_206 = tpu.memref_slice %arg13[%dma_wait3A_204, %dma_wait3A_205] : memref<10000x32xf32, #tpu.memory_space<vmem_shared>> -> memref<10000x32xf32, #tpu.memory_space<vmem_shared>>
      tpu.wait_indirect_dma semaphore(%arg20 : memref<!tpu.dma_semaphore, #tpu.memory_space<semaphore_mem>>) src(%arg10 : memref<80x32xf32, #tpu.memory_space<vmem>>) dst(%dma_wait3A_206 : memref<10000x32xf32, #tpu.memory_space<vmem_shared>>)
      %add3A_207 = arith.constant 3 : i32
      %add3A_208 = arith.addi %add3A_186, %add3A_207 : i32
      %dma_start3A_209 = arith.constant 0 : i32
      %dma_start3A_210 = tpu.memref_slice %arg7[%add3A_208, %dma_start3A_209] : memref<125x80xi32, #tpu.memory_space<vmem>> -> memref<1x80xi32, #tpu.memory_space<vmem>>
      %dma_start3A_211 = tpu.memref_squeeze %dma_start3A_210 : memref<1x80xi32, #tpu.memory_space<vmem>> -> memref<80xi32, #tpu.memory_space<vmem>>
      %dma_start3A_212 = arith.constant 0 : i32
      %dma_start3A_213 = arith.constant 0 : i32
      %dma_start3A_214 = tpu.memref_slice %arg14[%dma_start3A_212, %dma_start3A_213] : memref<10000x32xf32, #tpu.memory_space<vmem_shared>> -> memref<10000x32xf32, #tpu.memory_space<vmem_shared>>
      tpu.enqueue_indirect_dma source(%dma_start3A_214 : memref<10000x32xf32, #tpu.memory_space<vmem_shared>>) target(%arg10 : memref<80x32xf32, #tpu.memory_space<vmem>>) offsets(%dma_start3A_211 : memref<80xi32, #tpu.memory_space<vmem>>) semaphore(%arg16 : memref<!tpu.dma_semaphore, #tpu.memory_space<semaphore_mem>>)
      %mul3A_215 = arith.constant 4 : i32
      %mul3A_216 = arith.muli %mul3A_215, %scan3A_147 : i32
      %add3A_217 = arith.constant 1 : i32
      %add3A_218 = arith.addi %mul3A_216, %add3A_217 : i32
      %add3A_219 = arith.constant 2 : i32
      %add3A_220 = arith.addi %add3A_218, %add3A_219 : i32
      %dma_wait3A_221 = arith.constant 0 : i32
      %dma_wait3A_222 = tpu.memref_slice %arg7[%add3A_220, %dma_wait3A_221] : memref<125x80xi32, #tpu.memory_space<vmem>> -> memref<1x80xi32, #tpu.memory_space<vmem>>
      %dma_wait3A_223 = tpu.memref_squeeze %dma_wait3A_222 : memref<1x80xi32, #tpu.memory_space<vmem>> -> memref<80xi32, #tpu.memory_space<vmem>>
      %dma_wait3A_224 = arith.constant 0 : i32
      %dma_wait3A_225 = arith.constant 0 : i32
      %dma_wait3A_226 = tpu.memref_slice %arg14[%dma_wait3A_224, %dma_wait3A_225] : memref<10000x32xf32, #tpu.memory_space<vmem_shared>> -> memref<10000x32xf32, #tpu.memory_space<vmem_shared>>
      tpu.wait_indirect_dma semaphore(%arg18 : memref<!tpu.dma_semaphore, #tpu.memory_space<semaphore_mem>>) src(%dma_wait3A_226 : memref<10000x32xf32, #tpu.memory_space<vmem_shared>>) dst(%arg12 : memref<80x32xf32, #tpu.memory_space<vmem>>)
      %dma_start3A_227 = arith.constant 0 : i32
      %dma_start3A_228 = tpu.memref_slice %arg8[%add3A_220, %dma_start3A_227] : memref<125x80xi32, #tpu.memory_space<vmem>> -> memref<1x80xi32, #tpu.memory_space<vmem>>
      %dma_start3A_229 = tpu.memref_squeeze %dma_start3A_228 : memref<1x80xi32, #tpu.memory_space<vmem>> -> memref<80xi32, #tpu.memory_space<vmem>>
      %dma_start3A_230 = arith.constant 0 : i32
      %dma_start3A_231 = arith.constant 0 : i32
      %dma_start3A_232 = tpu.memref_slice %arg13[%dma_start3A_230, %dma_start3A_231] : memref<10000x32xf32, #tpu.memory_space<vmem_shared>> -> memref<10000x32xf32, #tpu.memory_space<vmem_shared>>
      tpu.enqueue_indirect_dma source(%arg12 : memref<80x32xf32, #tpu.memory_space<vmem>>) target(%dma_start3A_232 : memref<10000x32xf32, #tpu.memory_space<vmem_shared>>) offsets(%dma_start3A_229 : memref<80xi32, #tpu.memory_space<vmem>>) semaphore(%arg22 : memref<!tpu.dma_semaphore, #tpu.memory_space<semaphore_mem>>) {add = true}
      %sub3A_233 = arith.constant 1 : i32
      %sub3A_234 = arith.subi %add3A_220, %sub3A_233 : i32
      %dma_wait3A_235 = arith.constant 0 : i32
      %dma_wait3A_236 = tpu.memref_slice %arg8[%sub3A_234, %dma_wait3A_235] : memref<125x80xi32, #tpu.memory_space<vmem>> -> memref<1x80xi32, #tpu.memory_space<vmem>>
      %dma_wait3A_237 = tpu.memref_squeeze %dma_wait3A_236 : memref<1x80xi32, #tpu.memory_space<vmem>> -> memref<80xi32, #tpu.memory_space<vmem>>
      %dma_wait3A_238 = arith.constant 0 : i32
      %dma_wait3A_239 = arith.constant 0 : i32
      %dma_wait3A_240 = tpu.memref_slice %arg13[%dma_wait3A_238, %dma_wait3A_239] : memref<10000x32xf32, #tpu.memory_space<vmem_shared>> -> memref<10000x32xf32, #tpu.memory_space<vmem_shared>>
      tpu.wait_indirect_dma semaphore(%arg21 : memref<!tpu.dma_semaphore, #tpu.memory_space<semaphore_mem>>) src(%arg11 : memref<80x32xf32, #tpu.memory_space<vmem>>) dst(%dma_wait3A_240 : memref<10000x32xf32, #tpu.memory_space<vmem_shared>>)
      %add3A_241 = arith.constant 3 : i32
      %add3A_242 = arith.addi %add3A_220, %add3A_241 : i32
      %dma_start3A_243 = arith.constant 0 : i32
      %dma_start3A_244 = tpu.memref_slice %arg7[%add3A_242, %dma_start3A_243] : memref<125x80xi32, #tpu.memory_space<vmem>> -> memref<1x80xi32, #tpu.memory_space<vmem>>
      %dma_start3A_245 = tpu.memref_squeeze %dma_start3A_244 : memref<1x80xi32, #tpu.memory_space<vmem>> -> memref<80xi32, #tpu.memory_space<vmem>>
      %dma_start3A_246 = arith.constant 0 : i32
      %dma_start3A_247 = arith.constant 0 : i32
      %dma_start3A_248 = tpu.memref_slice %arg14[%dma_start3A_246, %dma_start3A_247] : memref<10000x32xf32, #tpu.memory_space<vmem_shared>> -> memref<10000x32xf32, #tpu.memory_space<vmem_shared>>
      tpu.enqueue_indirect_dma source(%dma_start3A_248 : memref<10000x32xf32, #tpu.memory_space<vmem_shared>>) target(%arg11 : memref<80x32xf32, #tpu.memory_space<vmem>>) offsets(%dma_start3A_245 : memref<80xi32, #tpu.memory_space<vmem>>) semaphore(%arg17 : memref<!tpu.dma_semaphore, #tpu.memory_space<semaphore_mem>>)
      %mul3A_249 = arith.constant 4 : i32
      %mul3A_250 = arith.muli %mul3A_249, %scan3A_147 : i32
      %add3A_251 = arith.constant 1 : i32
      %add3A_252 = arith.addi %mul3A_250, %add3A_251 : i32
      %add3A_253 = arith.constant 3 : i32
      %add3A_254 = arith.addi %add3A_252, %add3A_253 : i32
      %dma_wait3A_255 = arith.constant 0 : i32
      %dma_wait3A_256 = tpu.memref_slice %arg7[%add3A_254, %dma_wait3A_255] : memref<125x80xi32, #tpu.memory_space<vmem>> -> memref<1x80xi32, #tpu.memory_space<vmem>>
      %dma_wait3A_257 = tpu.memref_squeeze %dma_wait3A_256 : memref<1x80xi32, #tpu.memory_space<vmem>> -> memref<80xi32, #tpu.memory_space<vmem>>
      %dma_wait3A_258 = arith.constant 0 : i32
      %dma_wait3A_259 = arith.constant 0 : i32
      %dma_wait3A_260 = tpu.memref_slice %arg14[%dma_wait3A_258, %dma_wait3A_259] : memref<10000x32xf32, #tpu.memory_space<vmem_shared>> -> memref<10000x32xf32, #tpu.memory_space<vmem_shared>>
      tpu.wait_indirect_dma semaphore(%arg15 : memref<!tpu.dma_semaphore, #tpu.memory_space<semaphore_mem>>) src(%dma_wait3A_260 : memref<10000x32xf32, #tpu.memory_space<vmem_shared>>) dst(%arg9 : memref<80x32xf32, #tpu.memory_space<vmem>>)
      %dma_start3A_261 = arith.constant 0 : i32
      %dma_start3A_262 = tpu.memref_slice %arg8[%add3A_254, %dma_start3A_261] : memref<125x80xi32, #tpu.memory_space<vmem>> -> memref<1x80xi32, #tpu.memory_space<vmem>>
      %dma_start3A_263 = tpu.memref_squeeze %dma_start3A_262 : memref<1x80xi32, #tpu.memory_space<vmem>> -> memref<80xi32, #tpu.memory_space<vmem>>
      %dma_start3A_264 = arith.constant 0 : i32
      %dma_start3A_265 = arith.constant 0 : i32
      %dma_start3A_266 = tpu.memref_slice %arg13[%dma_start3A_264, %dma_start3A_265] : memref<10000x32xf32, #tpu.memory_space<vmem_shared>> -> memref<10000x32xf32, #tpu.memory_space<vmem_shared>>
      tpu.enqueue_indirect_dma source(%arg9 : memref<80x32xf32, #tpu.memory_space<vmem>>) target(%dma_start3A_266 : memref<10000x32xf32, #tpu.memory_space<vmem_shared>>) offsets(%dma_start3A_263 : memref<80xi32, #tpu.memory_space<vmem>>) semaphore(%arg19 : memref<!tpu.dma_semaphore, #tpu.memory_space<semaphore_mem>>) {add = true}
      %sub3A_267 = arith.constant 1 : i32
      %sub3A_268 = arith.subi %add3A_254, %sub3A_267 : i32
      %dma_wait3A_269 = arith.constant 0 : i32
      %dma_wait3A_270 = tpu.memref_slice %arg8[%sub3A_268, %dma_wait3A_269] : memref<125x80xi32, #tpu.memory_space<vmem>> -> memref<1x80xi32, #tpu.memory_space<vmem>>
      %dma_wait3A_271 = tpu.memref_squeeze %dma_wait3A_270 : memref<1x80xi32, #tpu.memory_space<vmem>> -> memref<80xi32, #tpu.memory_space<vmem>>
      %dma_wait3A_272 = arith.constant 0 : i32
      %dma_wait3A_273 = arith.constant 0 : i32
      %dma_wait3A_274 = tpu.memref_slice %arg13[%dma_wait3A_272, %dma_wait3A_273] : memref<10000x32xf32, #tpu.memory_space<vmem_shared>> -> memref<10000x32xf32, #tpu.memory_space<vmem_shared>>
      tpu.wait_indirect_dma semaphore(%arg22 : memref<!tpu.dma_semaphore, #tpu.memory_space<semaphore_mem>>) src(%arg12 : memref<80x32xf32, #tpu.memory_space<vmem>>) dst(%dma_wait3A_274 : memref<10000x32xf32, #tpu.memory_space<vmem_shared>>)
      %add3A_275 = arith.constant 3 : i32
      %add3A_276 = arith.addi %add3A_254, %add3A_275 : i32
      %dma_start3A_277 = arith.constant 0 : i32
      %dma_start3A_278 = tpu.memref_slice %arg7[%add3A_276, %dma_start3A_277] : memref<125x80xi32, #tpu.memory_space<vmem>> -> memref<1x80xi32, #tpu.memory_space<vmem>>
      %dma_start3A_279 = tpu.memref_squeeze %dma_start3A_278 : memref<1x80xi32, #tpu.memory_space<vmem>> -> memref<80xi32, #tpu.memory_space<vmem>>
      %dma_start3A_280 = arith.constant 0 : i32
      %dma_start3A_281 = arith.constant 0 : i32
      %dma_start3A_282 = tpu.memref_slice %arg14[%dma_start3A_280, %dma_start3A_281] : memref<10000x32xf32, #tpu.memory_space<vmem_shared>> -> memref<10000x32xf32, #tpu.memory_space<vmem_shared>>
      tpu.enqueue_indirect_dma source(%dma_start3A_282 : memref<10000x32xf32, #tpu.memory_space<vmem_shared>>) target(%arg12 : memref<80x32xf32, #tpu.memory_space<vmem>>) offsets(%dma_start3A_279 : memref<80xi32, #tpu.memory_space<vmem>>) semaphore(%arg18 : memref<!tpu.dma_semaphore, #tpu.memory_space<semaphore_mem>>)
    }
    %scan3A_47 = arith.constant 30 : i32
    %dma_wait3A_48 = arith.constant 121 : i32
    %dma_wait3A_49 = arith.constant 0 : i32
    %dma_wait3A_50 = tpu.memref_slice %arg7[%dma_wait3A_48, %dma_wait3A_49] : memref<125x80xi32, #tpu.memory_space<vmem>> -> memref<1x80xi32, #tpu.memory_space<vmem>>
    %dma_wait3A_51 = tpu.memref_squeeze %dma_wait3A_50 : memref<1x80xi32, #tpu.memory_space<vmem>> -> memref<80xi32, #tpu.memory_space<vmem>>
    %dma_wait3A_52 = arith.constant 0 : i32
    %dma_wait3A_53 = arith.constant 0 : i32
    %dma_wait3A_54 = tpu.memref_slice %arg14[%dma_wait3A_52, %dma_wait3A_53] : memref<10000x32xf32, #tpu.memory_space<vmem_shared>> -> memref<10000x32xf32, #tpu.memory_space<vmem_shared>>
    tpu.wait_indirect_dma semaphore(%arg16 : memref<!tpu.dma_semaphore, #tpu.memory_space<semaphore_mem>>) src(%dma_wait3A_54 : memref<10000x32xf32, #tpu.memory_space<vmem_shared>>) dst(%arg10 : memref<80x32xf32, #tpu.memory_space<vmem>>)
    %dma_start3A_55 = arith.constant 121 : i32
    %dma_start3A_56 = arith.constant 0 : i32
    %dma_start3A_57 = tpu.memref_slice %arg8[%dma_start3A_55, %dma_start3A_56] : memref<125x80xi32, #tpu.memory_space<vmem>> -> memref<1x80xi32, #tpu.memory_space<vmem>>
    %dma_start3A_58 = tpu.memref_squeeze %dma_start3A_57 : memref<1x80xi32, #tpu.memory_space<vmem>> -> memref<80xi32, #tpu.memory_space<vmem>>
    %dma_start3A_59 = arith.constant 0 : i32
    %dma_start3A_60 = arith.constant 0 : i32
    %dma_start3A_61 = tpu.memref_slice %arg13[%dma_start3A_59, %dma_start3A_60] : memref<10000x32xf32, #tpu.memory_space<vmem_shared>> -> memref<10000x32xf32, #tpu.memory_space<vmem_shared>>
    tpu.enqueue_indirect_dma source(%arg10 : memref<80x32xf32, #tpu.memory_space<vmem>>) target(%dma_start3A_61 : memref<10000x32xf32, #tpu.memory_space<vmem_shared>>) offsets(%dma_start3A_58 : memref<80xi32, #tpu.memory_space<vmem>>) semaphore(%arg20 : memref<!tpu.dma_semaphore, #tpu.memory_space<semaphore_mem>>) {add = true}
    %dma_wait3A_62 = arith.constant 120 : i32
    %dma_wait3A_63 = arith.constant 0 : i32
    %dma_wait3A_64 = tpu.memref_slice %arg8[%dma_wait3A_62, %dma_wait3A_63] : memref<125x80xi32, #tpu.memory_space<vmem>> -> memref<1x80xi32, #tpu.memory_space<vmem>>
    %dma_wait3A_65 = tpu.memref_squeeze %dma_wait3A_64 : memref<1x80xi32, #tpu.memory_space<vmem>> -> memref<80xi32, #tpu.memory_space<vmem>>
    %dma_wait3A_66 = arith.constant 0 : i32
    %dma_wait3A_67 = arith.constant 0 : i32
    %dma_wait3A_68 = tpu.memref_slice %arg13[%dma_wait3A_66, %dma_wait3A_67] : memref<10000x32xf32, #tpu.memory_space<vmem_shared>> -> memref<10000x32xf32, #tpu.memory_space<vmem_shared>>
    tpu.wait_indirect_dma semaphore(%arg19 : memref<!tpu.dma_semaphore, #tpu.memory_space<semaphore_mem>>) src(%arg9 : memref<80x32xf32, #tpu.memory_space<vmem>>) dst(%dma_wait3A_68 : memref<10000x32xf32, #tpu.memory_space<vmem_shared>>)
    %dma_start3A_69 = arith.constant 124 : i32
    %dma_start3A_70 = arith.constant 0 : i32
    %dma_start3A_71 = tpu.memref_slice %arg7[%dma_start3A_69, %dma_start3A_70] : memref<125x80xi32, #tpu.memory_space<vmem>> -> memref<1x80xi32, #tpu.memory_space<vmem>>
    %dma_start3A_72 = tpu.memref_squeeze %dma_start3A_71 : memref<1x80xi32, #tpu.memory_space<vmem>> -> memref<80xi32, #tpu.memory_space<vmem>>
    %dma_start3A_73 = arith.constant 0 : i32
    %dma_start3A_74 = arith.constant 0 : i32
    %dma_start3A_75 = tpu.memref_slice %arg14[%dma_start3A_73, %dma_start3A_74] : memref<10000x32xf32, #tpu.memory_space<vmem_shared>> -> memref<10000x32xf32, #tpu.memory_space<vmem_shared>>
    tpu.enqueue_indirect_dma source(%dma_start3A_75 : memref<10000x32xf32, #tpu.memory_space<vmem_shared>>) target(%arg9 : memref<80x32xf32, #tpu.memory_space<vmem>>) offsets(%dma_start3A_72 : memref<80xi32, #tpu.memory_space<vmem>>) semaphore(%arg15 : memref<!tpu.dma_semaphore, #tpu.memory_space<semaphore_mem>>)
    %dma_wait3A_76 = arith.constant 122 : i32
    %dma_wait3A_77 = arith.constant 0 : i32
    %dma_wait3A_78 = tpu.memref_slice %arg7[%dma_wait3A_76, %dma_wait3A_77] : memref<125x80xi32, #tpu.memory_space<vmem>> -> memref<1x80xi32, #tpu.memory_space<vmem>>
    %dma_wait3A_79 = tpu.memref_squeeze %dma_wait3A_78 : memref<1x80xi32, #tpu.memory_space<vmem>> -> memref<80xi32, #tpu.memory_space<vmem>>
    %dma_wait3A_80 = arith.constant 0 : i32
    %dma_wait3A_81 = arith.constant 0 : i32
    %dma_wait3A_82 = tpu.memref_slice %arg14[%dma_wait3A_80, %dma_wait3A_81] : memref<10000x32xf32, #tpu.memory_space<vmem_shared>> -> memref<10000x32xf32, #tpu.memory_space<vmem_shared>>
    tpu.wait_indirect_dma semaphore(%arg17 : memref<!tpu.dma_semaphore, #tpu.memory_space<semaphore_mem>>) src(%dma_wait3A_82 : memref<10000x32xf32, #tpu.memory_space<vmem_shared>>) dst(%arg11 : memref<80x32xf32, #tpu.memory_space<vmem>>)
    %dma_start3A_83 = arith.constant 122 : i32
    %dma_start3A_84 = arith.constant 0 : i32
    %dma_start3A_85 = tpu.memref_slice %arg8[%dma_start3A_83, %dma_start3A_84] : memref<125x80xi32, #tpu.memory_space<vmem>> -> memref<1x80xi32, #tpu.memory_space<vmem>>
    %dma_start3A_86 = tpu.memref_squeeze %dma_start3A_85 : memref<1x80xi32, #tpu.memory_space<vmem>> -> memref<80xi32, #tpu.memory_space<vmem>>
    %dma_start3A_87 = arith.constant 0 : i32
    %dma_start3A_88 = arith.constant 0 : i32
    %dma_start3A_89 = tpu.memref_slice %arg13[%dma_start3A_87, %dma_start3A_88] : memref<10000x32xf32, #tpu.memory_space<vmem_shared>> -> memref<10000x32xf32, #tpu.memory_space<vmem_shared>>
    tpu.enqueue_indirect_dma source(%arg11 : memref<80x32xf32, #tpu.memory_space<vmem>>) target(%dma_start3A_89 : memref<10000x32xf32, #tpu.memory_space<vmem_shared>>) offsets(%dma_start3A_86 : memref<80xi32, #tpu.memory_space<vmem>>) semaphore(%arg21 : memref<!tpu.dma_semaphore, #tpu.memory_space<semaphore_mem>>) {add = true}
    %dma_wait3A_90 = arith.constant 121 : i32
    %dma_wait3A_91 = arith.constant 0 : i32
    %dma_wait3A_92 = tpu.memref_slice %arg8[%dma_wait3A_90, %dma_wait3A_91] : memref<125x80xi32, #tpu.memory_space<vmem>> -> memref<1x80xi32, #tpu.memory_space<vmem>>
    %dma_wait3A_93 = tpu.memref_squeeze %dma_wait3A_92 : memref<1x80xi32, #tpu.memory_space<vmem>> -> memref<80xi32, #tpu.memory_space<vmem>>
    %dma_wait3A_94 = arith.constant 0 : i32
    %dma_wait3A_95 = arith.constant 0 : i32
    %dma_wait3A_96 = tpu.memref_slice %arg13[%dma_wait3A_94, %dma_wait3A_95] : memref<10000x32xf32, #tpu.memory_space<vmem_shared>> -> memref<10000x32xf32, #tpu.memory_space<vmem_shared>>
    tpu.wait_indirect_dma semaphore(%arg20 : memref<!tpu.dma_semaphore, #tpu.memory_space<semaphore_mem>>) src(%arg10 : memref<80x32xf32, #tpu.memory_space<vmem>>) dst(%dma_wait3A_96 : memref<10000x32xf32, #tpu.memory_space<vmem_shared>>)
    %dma_wait3A_97 = arith.constant 123 : i32
    %dma_wait3A_98 = arith.constant 0 : i32
    %dma_wait3A_99 = tpu.memref_slice %arg7[%dma_wait3A_97, %dma_wait3A_98] : memref<125x80xi32, #tpu.memory_space<vmem>> -> memref<1x80xi32, #tpu.memory_space<vmem>>
    %dma_wait3A_100 = tpu.memref_squeeze %dma_wait3A_99 : memref<1x80xi32, #tpu.memory_space<vmem>> -> memref<80xi32, #tpu.memory_space<vmem>>
    %dma_wait3A_101 = arith.constant 0 : i32
    %dma_wait3A_102 = arith.constant 0 : i32
    %dma_wait3A_103 = tpu.memref_slice %arg14[%dma_wait3A_101, %dma_wait3A_102] : memref<10000x32xf32, #tpu.memory_space<vmem_shared>> -> memref<10000x32xf32, #tpu.memory_space<vmem_shared>>
    tpu.wait_indirect_dma semaphore(%arg18 : memref<!tpu.dma_semaphore, #tpu.memory_space<semaphore_mem>>) src(%dma_wait3A_103 : memref<10000x32xf32, #tpu.memory_space<vmem_shared>>) dst(%arg12 : memref<80x32xf32, #tpu.memory_space<vmem>>)
    %dma_start3A_104 = arith.constant 123 : i32
    %dma_start3A_105 = arith.constant 0 : i32
    %dma_start3A_106 = tpu.memref_slice %arg8[%dma_start3A_104, %dma_start3A_105] : memref<125x80xi32, #tpu.memory_space<vmem>> -> memref<1x80xi32, #tpu.memory_space<vmem>>
    %dma_start3A_107 = tpu.memref_squeeze %dma_start3A_106 : memref<1x80xi32, #tpu.memory_space<vmem>> -> memref<80xi32, #tpu.memory_space<vmem>>
    %dma_start3A_108 = arith.constant 0 : i32
    %dma_start3A_109 = arith.constant 0 : i32
    %dma_start3A_110 = tpu.memref_slice %arg13[%dma_start3A_108, %dma_start3A_109] : memref<10000x32xf32, #tpu.memory_space<vmem_shared>> -> memref<10000x32xf32, #tpu.memory_space<vmem_shared>>
    tpu.enqueue_indirect_dma source(%arg12 : memref<80x32xf32, #tpu.memory_space<vmem>>) target(%dma_start3A_110 : memref<10000x32xf32, #tpu.memory_space<vmem_shared>>) offsets(%dma_start3A_107 : memref<80xi32, #tpu.memory_space<vmem>>) semaphore(%arg22 : memref<!tpu.dma_semaphore, #tpu.memory_space<semaphore_mem>>) {add = true}
    %dma_wait3A_111 = arith.constant 122 : i32
    %dma_wait3A_112 = arith.constant 0 : i32
    %dma_wait3A_113 = tpu.memref_slice %arg8[%dma_wait3A_111, %dma_wait3A_112] : memref<125x80xi32, #tpu.memory_space<vmem>> -> memref<1x80xi32, #tpu.memory_space<vmem>>
    %dma_wait3A_114 = tpu.memref_squeeze %dma_wait3A_113 : memref<1x80xi32, #tpu.memory_space<vmem>> -> memref<80xi32, #tpu.memory_space<vmem>>
    %dma_wait3A_115 = arith.constant 0 : i32
    %dma_wait3A_116 = arith.constant 0 : i32
    %dma_wait3A_117 = tpu.memref_slice %arg13[%dma_wait3A_115, %dma_wait3A_116] : memref<10000x32xf32, #tpu.memory_space<vmem_shared>> -> memref<10000x32xf32, #tpu.memory_space<vmem_shared>>
    tpu.wait_indirect_dma semaphore(%arg21 : memref<!tpu.dma_semaphore, #tpu.memory_space<semaphore_mem>>) src(%arg11 : memref<80x32xf32, #tpu.memory_space<vmem>>) dst(%dma_wait3A_117 : memref<10000x32xf32, #tpu.memory_space<vmem_shared>>)
    %dma_wait3A_118 = arith.constant 124 : i32
    %dma_wait3A_119 = arith.constant 0 : i32
    %dma_wait3A_120 = tpu.memref_slice %arg7[%dma_wait3A_118, %dma_wait3A_119] : memref<125x80xi32, #tpu.memory_space<vmem>> -> memref<1x80xi32, #tpu.memory_space<vmem>>
    %dma_wait3A_121 = tpu.memref_squeeze %dma_wait3A_120 : memref<1x80xi32, #tpu.memory_space<vmem>> -> memref<80xi32, #tpu.memory_space<vmem>>
    %dma_wait3A_122 = arith.constant 0 : i32
    %dma_wait3A_123 = arith.constant 0 : i32
    %dma_wait3A_124 = tpu.memref_slice %arg14[%dma_wait3A_122, %dma_wait3A_123] : memref<10000x32xf32, #tpu.memory_space<vmem_shared>> -> memref<10000x32xf32, #tpu.memory_space<vmem_shared>>
    tpu.wait_indirect_dma semaphore(%arg15 : memref<!tpu.dma_semaphore, #tpu.memory_space<semaphore_mem>>) src(%dma_wait3A_124 : memref<10000x32xf32, #tpu.memory_space<vmem_shared>>) dst(%arg9 : memref<80x32xf32, #tpu.memory_space<vmem>>)
    %dma_start3A_125 = arith.constant 124 : i32
    %dma_start3A_126 = arith.constant 0 : i32
    %dma_start3A_127 = tpu.memref_slice %arg8[%dma_start3A_125, %dma_start3A_126] : memref<125x80xi32, #tpu.memory_space<vmem>> -> memref<1x80xi32, #tpu.memory_space<vmem>>
    %dma_start3A_128 = tpu.memref_squeeze %dma_start3A_127 : memref<1x80xi32, #tpu.memory_space<vmem>> -> memref<80xi32, #tpu.memory_space<vmem>>
    %dma_start3A_129 = arith.constant 0 : i32
    %dma_start3A_130 = arith.constant 0 : i32
    %dma_start3A_131 = tpu.memref_slice %arg13[%dma_start3A_129, %dma_start3A_130] : memref<10000x32xf32, #tpu.memory_space<vmem_shared>> -> memref<10000x32xf32, #tpu.memory_space<vmem_shared>>
    tpu.enqueue_indirect_dma source(%arg9 : memref<80x32xf32, #tpu.memory_space<vmem>>) target(%dma_start3A_131 : memref<10000x32xf32, #tpu.memory_space<vmem_shared>>) offsets(%dma_start3A_128 : memref<80xi32, #tpu.memory_space<vmem>>) semaphore(%arg19 : memref<!tpu.dma_semaphore, #tpu.memory_space<semaphore_mem>>) {add = true}
    %dma_wait3A_132 = arith.constant 123 : i32
    %dma_wait3A_133 = arith.constant 0 : i32
    %dma_wait3A_134 = tpu.memref_slice %arg8[%dma_wait3A_132, %dma_wait3A_133] : memref<125x80xi32, #tpu.memory_space<vmem>> -> memref<1x80xi32, #tpu.memory_space<vmem>>
    %dma_wait3A_135 = tpu.memref_squeeze %dma_wait3A_134 : memref<1x80xi32, #tpu.memory_space<vmem>> -> memref<80xi32, #tpu.memory_space<vmem>>
    %dma_wait3A_136 = arith.constant 0 : i32
    %dma_wait3A_137 = arith.constant 0 : i32
    %dma_wait3A_138 = tpu.memref_slice %arg13[%dma_wait3A_136, %dma_wait3A_137] : memref<10000x32xf32, #tpu.memory_space<vmem_shared>> -> memref<10000x32xf32, #tpu.memory_space<vmem_shared>>
    tpu.wait_indirect_dma semaphore(%arg22 : memref<!tpu.dma_semaphore, #tpu.memory_space<semaphore_mem>>) src(%arg12 : memref<80x32xf32, #tpu.memory_space<vmem>>) dst(%dma_wait3A_138 : memref<10000x32xf32, #tpu.memory_space<vmem_shared>>)
    %dma_wait3A_139 = arith.constant 124 : i32
    %dma_wait3A_140 = arith.constant 0 : i32
    %dma_wait3A_141 = tpu.memref_slice %arg8[%dma_wait3A_139, %dma_wait3A_140] : memref<125x80xi32, #tpu.memory_space<vmem>> -> memref<1x80xi32, #tpu.memory_space<vmem>>
    %dma_wait3A_142 = tpu.memref_squeeze %dma_wait3A_141 : memref<1x80xi32, #tpu.memory_space<vmem>> -> memref<80xi32, #tpu.memory_space<vmem>>
    %dma_wait3A_143 = arith.constant 0 : i32
    %dma_wait3A_144 = arith.constant 0 : i32
    %dma_wait3A_145 = tpu.memref_slice %arg13[%dma_wait3A_143, %dma_wait3A_144] : memref<10000x32xf32, #tpu.memory_space<vmem_shared>> -> memref<10000x32xf32, #tpu.memory_space<vmem_shared>>
    tpu.wait_indirect_dma semaphore(%arg19 : memref<!tpu.dma_semaphore, #tpu.memory_space<semaphore_mem>>) src(%arg9 : memref<80x32xf32, #tpu.memory_space<vmem>>) dst(%dma_wait3A_145 : memref<10000x32xf32, #tpu.memory_space<vmem_shared>>)
    %barrier3A_146 = arith.constant 0 : index
    tpu.barrier barrier_id(%barrier3A_146)
    "tpu.region"() ({
      %run_scoped3A = tpu.sem_alloc : memref<!tpu.dma_semaphore, #tpu.memory_space<semaphore_mem>>
      %dma_start3A_147 = arith.constant 0 : i32
      %dma_start3A_148 = arith.constant 0 : i32
      %dma_start3A_149 = tpu.memref_slice %arg6[%arg0, %arg1, %dma_start3A_147, %dma_start3A_148] : memref<2x16x625x32xf32, #tpu.memory_space<hbm>> -> memref<1x1x625x32xf32, #tpu.memory_space<hbm>>
      %dma_start3A_150 = tpu.memref_squeeze %dma_start3A_149 : memref<1x1x625x32xf32, #tpu.memory_space<hbm>> -> memref<625x32xf32, #tpu.memory_space<hbm>>
      %dma_start3A_151 = arith.constant 0 : i32
      %dma_start3A_152 = tpu.memref_slice %arg13[%mul3A_2, %dma_start3A_151] : memref<10000x32xf32, #tpu.memory_space<vmem_shared>> -> memref<625x32xf32, #tpu.memory_space<vmem_shared>>
      tpu.enqueue_dma source(%dma_start3A_152 : memref<625x32xf32, #tpu.memory_space<vmem_shared>>) target(%dma_start3A_150 : memref<625x32xf32, #tpu.memory_space<hbm>>) target_semaphore(%run_scoped3A : memref<!tpu.dma_semaphore, #tpu.memory_space<semaphore_mem>>)
      %dma_wait3A_153 = arith.constant 0 : i32
      %dma_wait3A_154 = arith.constant 0 : i32
      %dma_wait3A_155 = tpu.memref_slice %arg6[%arg0, %arg1, %dma_wait3A_153, %dma_wait3A_154] : memref<2x16x625x32xf32, #tpu.memory_space<hbm>> -> memref<1x1x625x32xf32, #tpu.memory_space<hbm>>
      %dma_wait3A_156 = tpu.memref_squeeze %dma_wait3A_155 : memref<1x1x625x32xf32, #tpu.memory_space<hbm>> -> memref<625x32xf32, #tpu.memory_space<hbm>>
      %dma_wait3A_157 = arith.constant 0 : i32
      %dma_wait3A_158 = tpu.memref_slice %arg13[%mul3A_2, %dma_wait3A_157] : memref<10000x32xf32, #tpu.memory_space<vmem_shared>> -> memref<625x32xf32, #tpu.memory_space<vmem_shared>>
      tpu.wait_dma2 semaphore(%run_scoped3A : memref<!tpu.dma_semaphore, #tpu.memory_space<semaphore_mem>>) src(%dma_wait3A_158 : memref<625x32xf32, #tpu.memory_space<vmem_shared>>) dst(%dma_wait3A_156 : memref<625x32xf32, #tpu.memory_space<hbm>>)
      tpu.yield
    }) : () -> ()
    return
  }
}

module attributes {stable_mosaic.version = 14 : i64} {
  func.func @body(%arg0: i32, %arg1: memref<2x1000x16xf32, #tpu.memory_space<vmem>>, %arg2: memref<1000x128xf32, #tpu.memory_space<vmem>>, %arg3: memref<128x32xf32, #tpu.memory_space<vmem>>, %arg4: memref<1000x32xf32, #tpu.memory_space<vmem>>) attributes {dimension_semantics = [#tpu.dimension_semantics<arbitrary>], iteration_bounds = array<i64: 10>, scalar_prefetch = 0 : i64, scratch_operands = 0 : i64, tpu.core_type = #tpu.core_type<tc>, window_params = [{transform_indices = @transform_0, window_bounds = array<i64: 2, 1000, 16>}, {transform_indices = @transform_1, window_bounds = array<i64: 1000, 128>}, {pipeline_mode = #tpu.pipeline_mode<synchronous>, transform_indices = @transform_2, window_bounds = array<i64: 128, 32>}, {transform_indices = @transform_3, window_bounds = array<i64: 1000, 32>}]} {
    %get3A = arith.constant 0 : index
    %get3A_0 = arith.constant 0 : index
    %get3A_1 = arith.constant 0 : index
    %get3A_2 = vector.load %arg1[%get3A, %get3A_0, %get3A_1] : memref<2x1000x16xf32, #tpu.memory_space<vmem>>, vector<2x1000x16xf32>
    %slice3A = vector.extract_strided_slice %get3A_2 {offsets = [0, 0, 0], sizes = [1, 1000, 1], strides = [1, 1, 1]} : vector<2x1000x16xf32> to vector<1x1000x1xf32>
    %squeeze3A = vector.shape_cast %slice3A : vector<1x1000x1xf32> to vector<1000x1xf32>
    %slice3A_3 = vector.extract_strided_slice %get3A_2 {offsets = [1, 0, 0], sizes = [1, 1000, 1], strides = [1, 1, 1]} : vector<2x1000x16xf32> to vector<1x1000x1xf32>
    %squeeze3A_4 = vector.shape_cast %slice3A_3 : vector<1x1000x1xf32> to vector<1000x1xf32>
    %add3A = arith.addf %squeeze3A, %squeeze3A_4 : vector<1000x1xf32>
    %gt3A = arith.constant 0.000000e+00 : f32
    %gt3A_5 = vector.broadcast %gt3A : f32 to vector<1000x1xf32>
    %gt3A_6 = arith.cmpf ogt, %add3A, %gt3A_5 : vector<1000x1xf32>
    %rsqrt3A = math.rsqrt %add3A : vector<1000x1xf32>
    %jit3A = arith.constant 0.000000e+00 : f32
    %broadcast_in_dim3A = vector.broadcast %jit3A : f32 to vector<1000x1xf32>
    %select_n3A = arith.select %gt3A_6, %rsqrt3A, %broadcast_in_dim3A : vector<1000x1xi1>, vector<1000x1xf32>
    %get3A_7 = arith.constant 0 : index
    %get3A_8 = arith.constant 0 : index
    %get3A_9 = vector.load %arg2[%get3A_7, %get3A_8] : memref<1000x128xf32, #tpu.memory_space<vmem>>, vector<1000x128xf32>
    %get3A_10 = arith.constant 0 : index
    %get3A_11 = arith.constant 0 : index
    %get3A_12 = vector.load %arg3[%get3A_10, %get3A_11] : memref<128x32xf32, #tpu.memory_space<vmem>>, vector<128x32xf32>
    %dot_general3A = arith.constant dense<0.000000e+00> : vector<1000x32xf32>
    %dot_general3A_13 = tpu.matmul %get3A_9, %get3A_12, %dot_general3A {dimension_numbers = #tpu.dot_dimension_numbers<[1], [0], [0], [1], [0, 0, 1, 1], [], []>, transpose_lhs_hint = false} : vector<1000x128xf32>, vector<128x32xf32>, vector<1000x32xf32> -> vector<1000x32xf32>
    %mul3A = vector.broadcast %select_n3A : vector<1000x1xf32> to vector<1000x32xf32>
    %mul3A_14 = arith.mulf %dot_general3A_13, %mul3A : vector<1000x32xf32>
    %swap3A = arith.constant 0 : index
    %swap3A_15 = arith.constant 0 : index
    %swap3A_16 = vector.load %arg4[%swap3A, %swap3A_15] : memref<1000x32xf32, #tpu.memory_space<vmem>>, vector<1000x32xf32>
    tpu.vector_store %arg4[%swap3A, %swap3A_15], %mul3A_14 {strides = array<i32>} : memref<1000x32xf32, #tpu.memory_space<vmem>>, vector<1000x32xf32>,
    return
  }
  func.func @transform_0(%arg0: i32) -> (i32, i32, i32) {
    %c0_i32 = arith.constant 0 : i32
    %c0_i32_0 = arith.constant 0 : i32
    %c0_i32_1 = arith.constant 0 : i32
    return %c0_i32, %arg0, %c0_i32_0 : i32, i32, i32
  }
  func.func @transform_1(%arg0: i32) -> (i32, i32) {
    %c0_i32 = arith.constant 0 : i32
    %c0_i32_0 = arith.constant 0 : i32
    return %arg0, %c0_i32 : i32, i32
  }
  func.func @transform_2(%arg0: i32) -> (i32, i32) {
    %c0_i32 = arith.constant 0 : i32
    %c0_i32_0 = arith.constant 0 : i32
    %c0_i32_1 = arith.constant 0 : i32
    return %c0_i32, %c0_i32_0 : i32, i32
  }
  func.func @transform_3(%arg0: i32) -> (i32, i32) {
    %c0_i32 = arith.constant 0 : i32
    %c0_i32_0 = arith.constant 0 : i32
    return %arg0, %c0_i32 : i32, i32
  }
}

module attributes {stable_mosaic.version = 14 : i64} {
  func.func @body(%arg0: i32, %arg1: memref<2x1000x16xf32, #tpu.memory_space<vmem>>, %arg2: memref<2x1000x32xf32, #tpu.memory_space<vmem>>, %arg3: memref<32x32xf32, #tpu.memory_space<vmem>>, %arg4: memref<1000x32xf32, #tpu.memory_space<vmem>>) attributes {dimension_semantics = [#tpu.dimension_semantics<arbitrary>], iteration_bounds = array<i64: 10>, scalar_prefetch = 0 : i64, scratch_operands = 0 : i64, tpu.core_type = #tpu.core_type<tc>, window_params = [{transform_indices = @transform_0, window_bounds = array<i64: 2, 1000, 16>}, {transform_indices = @transform_1, window_bounds = array<i64: 2, 1000, 32>}, {pipeline_mode = #tpu.pipeline_mode<synchronous>, transform_indices = @transform_2, window_bounds = array<i64: 32, 32>}, {transform_indices = @transform_3, window_bounds = array<i64: 1000, 32>}]} {
    %get3A = arith.constant 0 : index
    %get3A_0 = arith.constant 0 : index
    %get3A_1 = arith.constant 0 : index
    %get3A_2 = vector.load %arg1[%get3A, %get3A_0, %get3A_1] : memref<2x1000x16xf32, #tpu.memory_space<vmem>>, vector<2x1000x16xf32>
    %slice3A = vector.extract_strided_slice %get3A_2 {offsets = [0, 0, 0], sizes = [1, 1000, 1], strides = [1, 1, 1]} : vector<2x1000x16xf32> to vector<1x1000x1xf32>
    %squeeze3A = vector.shape_cast %slice3A : vector<1x1000x1xf32> to vector<1000x1xf32>
    %slice3A_3 = vector.extract_strided_slice %get3A_2 {offsets = [1, 0, 0], sizes = [1, 1000, 1], strides = [1, 1, 1]} : vector<2x1000x16xf32> to vector<1x1000x1xf32>
    %squeeze3A_4 = vector.shape_cast %slice3A_3 : vector<1x1000x1xf32> to vector<1000x1xf32>
    %add3A = arith.addf %squeeze3A, %squeeze3A_4 : vector<1000x1xf32>
    %gt3A = arith.constant 0.000000e+00 : f32
    %gt3A_5 = vector.broadcast %gt3A : f32 to vector<1000x1xf32>
    %gt3A_6 = arith.cmpf ogt, %add3A, %gt3A_5 : vector<1000x1xf32>
    %rsqrt3A = math.rsqrt %add3A : vector<1000x1xf32>
    %jit3A = arith.constant 0.000000e+00 : f32
    %broadcast_in_dim3A = vector.broadcast %jit3A : f32 to vector<1000x1xf32>
    %select_n3A = arith.select %gt3A_6, %rsqrt3A, %broadcast_in_dim3A : vector<1000x1xi1>, vector<1000x1xf32>
    %get3A_7 = arith.constant 0 : index
    %get3A_8 = arith.constant 0 : index
    %get3A_9 = arith.constant 0 : index
    %get3A_10 = vector.load %arg2[%get3A_7, %get3A_8, %get3A_9] : memref<2x1000x32xf32, #tpu.memory_space<vmem>>, vector<1x1000x32xf32>
    %get3A_11 = vector.shape_cast %get3A_10 : vector<1x1000x32xf32> to vector<1000x32xf32>
    %get3A_12 = arith.constant 1 : index
    %get3A_13 = arith.constant 0 : index
    %get3A_14 = arith.constant 0 : index
    %get3A_15 = vector.load %arg2[%get3A_12, %get3A_13, %get3A_14] : memref<2x1000x32xf32, #tpu.memory_space<vmem>>, vector<1x1000x32xf32>
    %get3A_16 = vector.shape_cast %get3A_15 : vector<1x1000x32xf32> to vector<1000x32xf32>
    %add3A_17 = arith.addf %get3A_11, %get3A_16 : vector<1000x32xf32>
    %mul3A = vector.broadcast %select_n3A : vector<1000x1xf32> to vector<1000x32xf32>
    %mul3A_18 = arith.mulf %add3A_17, %mul3A : vector<1000x32xf32>
    %get3A_19 = arith.constant 0 : index
    %get3A_20 = arith.constant 0 : index
    %get3A_21 = vector.load %arg3[%get3A_19, %get3A_20] : memref<32x32xf32, #tpu.memory_space<vmem>>, vector<32x32xf32>
    %dot_general3A = arith.constant dense<0.000000e+00> : vector<1000x32xf32>
    %dot_general3A_22 = tpu.matmul %mul3A_18, %get3A_21, %dot_general3A {dimension_numbers = #tpu.dot_dimension_numbers<[1], [0], [0], [1], [0, 0, 1, 1], [], []>, transpose_lhs_hint = false} : vector<1000x32xf32>, vector<32x32xf32>, vector<1000x32xf32> -> vector<1000x32xf32>
    %mul3A_23 = vector.broadcast %select_n3A : vector<1000x1xf32> to vector<1000x32xf32>
    %mul3A_24 = arith.mulf %dot_general3A_22, %mul3A_23 : vector<1000x32xf32>
    %swap3A = arith.constant 0 : index
    %swap3A_25 = arith.constant 0 : index
    %swap3A_26 = vector.load %arg4[%swap3A, %swap3A_25] : memref<1000x32xf32, #tpu.memory_space<vmem>>, vector<1000x32xf32>
    tpu.vector_store %arg4[%swap3A, %swap3A_25], %mul3A_24 {strides = array<i32>} : memref<1000x32xf32, #tpu.memory_space<vmem>>, vector<1000x32xf32>,
    return
  }
  func.func @transform_0(%arg0: i32) -> (i32, i32, i32) {
    %c0_i32 = arith.constant 0 : i32
    %c0_i32_0 = arith.constant 0 : i32
    %c0_i32_1 = arith.constant 0 : i32
    return %c0_i32, %arg0, %c0_i32_0 : i32, i32, i32
  }
  func.func @transform_1(%arg0: i32) -> (i32, i32, i32) {
    %c0_i32 = arith.constant 0 : i32
    %c0_i32_0 = arith.constant 0 : i32
    %c0_i32_1 = arith.constant 0 : i32
    return %c0_i32, %arg0, %c0_i32_0 : i32, i32, i32
  }
  func.func @transform_2(%arg0: i32) -> (i32, i32) {
    %c0_i32 = arith.constant 0 : i32
    %c0_i32_0 = arith.constant 0 : i32
    %c0_i32_1 = arith.constant 0 : i32
    return %c0_i32, %c0_i32_0 : i32, i32
  }
  func.func @transform_3(%arg0: i32) -> (i32, i32) {
    %c0_i32 = arith.constant 0 : i32
    %c0_i32_0 = arith.constant 0 : i32
    return %arg0, %c0_i32 : i32, i32
  }
}

module attributes {stable_mosaic.version = 14 : i64} {
  func.func @body(%arg0: i32, %arg1: memref<2x1000x16xf32, #tpu.memory_space<vmem>>, %arg2: memref<2x1000x32xf32, #tpu.memory_space<vmem>>, %arg3: memref<1000x16xf32, #tpu.memory_space<vmem>>, %arg4: memref<1000x16xf32, #tpu.memory_space<vmem>>) attributes {dimension_semantics = [#tpu.dimension_semantics<arbitrary>], iteration_bounds = array<i64: 10>, scalar_prefetch = 0 : i64, scratch_operands = 0 : i64, tpu.core_type = #tpu.core_type<tc>, window_params = [{transform_indices = @transform_0, window_bounds = array<i64: 2, 1000, 16>}, {transform_indices = @transform_1, window_bounds = array<i64: 2, 1000, 32>}, {transform_indices = @transform_2, window_bounds = array<i64: 1000, 16>}, {transform_indices = @transform_3, window_bounds = array<i64: 1000, 16>}]} {
    %get3A = arith.constant 0 : index
    %get3A_0 = arith.constant 0 : index
    %get3A_1 = arith.constant 0 : index
    %get3A_2 = vector.load %arg1[%get3A, %get3A_0, %get3A_1] : memref<2x1000x16xf32, #tpu.memory_space<vmem>>, vector<2x1000x16xf32>
    %slice3A = vector.extract_strided_slice %get3A_2 {offsets = [0, 0, 0], sizes = [1, 1000, 1], strides = [1, 1, 1]} : vector<2x1000x16xf32> to vector<1x1000x1xf32>
    %squeeze3A = vector.shape_cast %slice3A : vector<1x1000x1xf32> to vector<1000x1xf32>
    %slice3A_3 = vector.extract_strided_slice %get3A_2 {offsets = [1, 0, 0], sizes = [1, 1000, 1], strides = [1, 1, 1]} : vector<2x1000x16xf32> to vector<1x1000x1xf32>
    %squeeze3A_4 = vector.shape_cast %slice3A_3 : vector<1x1000x1xf32> to vector<1000x1xf32>
    %add3A = arith.addf %squeeze3A, %squeeze3A_4 : vector<1000x1xf32>
    %gt3A = arith.constant 0.000000e+00 : f32
    %gt3A_5 = vector.broadcast %gt3A : f32 to vector<1000x1xf32>
    %gt3A_6 = arith.cmpf ogt, %add3A, %gt3A_5 : vector<1000x1xf32>
    %rsqrt3A = math.rsqrt %add3A : vector<1000x1xf32>
    %jit3A = arith.constant 0.000000e+00 : f32
    %broadcast_in_dim3A = vector.broadcast %jit3A : f32 to vector<1000x1xf32>
    %select_n3A = arith.select %gt3A_6, %rsqrt3A, %broadcast_in_dim3A : vector<1000x1xi1>, vector<1000x1xf32>
    %get3A_7 = arith.constant 0 : index
    %get3A_8 = arith.constant 0 : index
    %get3A_9 = arith.constant 0 : index
    %get3A_10 = vector.load %arg2[%get3A_7, %get3A_8, %get3A_9] : memref<2x1000x32xf32, #tpu.memory_space<vmem>>, vector<1x1000x32xf32>
    %get3A_11 = vector.shape_cast %get3A_10 : vector<1x1000x32xf32> to vector<1000x32xf32>
    %get3A_12 = arith.constant 1 : index
    %get3A_13 = arith.constant 0 : index
    %get3A_14 = arith.constant 0 : index
    %get3A_15 = vector.load %arg2[%get3A_12, %get3A_13, %get3A_14] : memref<2x1000x32xf32, #tpu.memory_space<vmem>>, vector<1x1000x32xf32>
    %get3A_16 = vector.shape_cast %get3A_15 : vector<1x1000x32xf32> to vector<1000x32xf32>
    %add3A_17 = arith.addf %get3A_11, %get3A_16 : vector<1000x32xf32>
    %mul3A = vector.broadcast %select_n3A : vector<1000x1xf32> to vector<1000x32xf32>
    %mul3A_18 = arith.mulf %add3A_17, %mul3A : vector<1000x32xf32>
    %slice3A_19 = vector.extract_strided_slice %mul3A_18 {offsets = [0, 0], sizes = [1000, 16], strides = [1, 1]} : vector<1000x32xf32> to vector<1000x16xf32>
    %max3A = arith.constant 0.000000e+00 : f32
    %max3A_20 = vector.broadcast %max3A : f32 to vector<1000x16xf32>
    %max3A_21 = arith.maximumf %slice3A_19, %max3A_20 : vector<1000x16xf32>
    %slice3A_22 = vector.extract_strided_slice %mul3A_18 {offsets = [0, 16], sizes = [1000, 16], strides = [1, 1]} : vector<1000x32xf32> to vector<1000x16xf32>
    %max3A_23 = arith.constant 0.000000e+00 : f32
    %max3A_24 = vector.broadcast %max3A_23 : f32 to vector<1000x16xf32>
    %max3A_25 = arith.maximumf %slice3A_22, %max3A_24 : vector<1000x16xf32>
    %get3A_26 = arith.constant 0 : index
    %get3A_27 = arith.constant 0 : index
    %get3A_28 = vector.load %arg3[%get3A_26, %get3A_27] : memref<1000x16xf32, #tpu.memory_space<vmem>>, vector<1000x16xf32>
    %exp3A = math.exp %max3A_25 : vector<1000x16xf32>
    %mul3A_29 = arith.mulf %get3A_28, %exp3A : vector<1000x16xf32>
    %add3A_30 = arith.addf %mul3A_29, %max3A_21 : vector<1000x16xf32>
    %swap3A = arith.constant 0 : index
    %swap3A_31 = arith.constant 0 : index
    %swap3A_32 = vector.load %arg4[%swap3A, %swap3A_31] : memref<1000x16xf32, #tpu.memory_space<vmem>>, vector<1000x16xf32>
    tpu.vector_store %arg4[%swap3A, %swap3A_31], %add3A_30 {strides = array<i32>} : memref<1000x16xf32, #tpu.memory_space<vmem>>, vector<1000x16xf32>,
    return
  }
  func.func @transform_0(%arg0: i32) -> (i32, i32, i32) {
    %c0_i32 = arith.constant 0 : i32
    %c0_i32_0 = arith.constant 0 : i32
    %c0_i32_1 = arith.constant 0 : i32
    return %c0_i32, %arg0, %c0_i32_0 : i32, i32, i32
  }
  func.func @transform_1(%arg0: i32) -> (i32, i32, i32) {
    %c0_i32 = arith.constant 0 : i32
    %c0_i32_0 = arith.constant 0 : i32
    %c0_i32_1 = arith.constant 0 : i32
    return %c0_i32, %arg0, %c0_i32_0 : i32, i32, i32
  }
  func.func @transform_2(%arg0: i32) -> (i32, i32) {
    %c0_i32 = arith.constant 0 : i32
    %c0_i32_0 = arith.constant 0 : i32
    return %arg0, %c0_i32 : i32, i32
  }
  func.func @transform_3(%arg0: i32) -> (i32, i32) {
    %c0_i32 = arith.constant 0 : i32
    %c0_i32_0 = arith.constant 0 : i32
    return %arg0, %c0_i32 : i32, i32
  }
}

module attributes {stable_mosaic.version = 14 : i64} {
  func.func @body(%arg0: i32, %arg1: memref<400x16xf32, #tpu.memory_space<vmem>>, %arg2: memref<10000x16xf32, #tpu.memory_space<vmem>>, %arg3: memref<400x10000xf32, #tpu.memory_space<vmem>>) attributes {dimension_semantics = [#tpu.dimension_semantics<arbitrary>], iteration_bounds = array<i64: 25>, scalar_prefetch = 0 : i64, scratch_operands = 0 : i64, tpu.core_type = #tpu.core_type<tc>, window_params = [{transform_indices = @transform_0, window_bounds = array<i64: 400, 16>}, {pipeline_mode = #tpu.pipeline_mode<synchronous>, transform_indices = @transform_1, window_bounds = array<i64: 10000, 16>}, {transform_indices = @transform_2, window_bounds = array<i64: 400, 10000>}]} {
    %get3A = arith.constant 0 : index
    %get3A_0 = arith.constant 0 : index
    %get3A_1 = vector.load %arg1[%get3A, %get3A_0] : memref<400x16xf32, #tpu.memory_space<vmem>>, vector<400x16xf32>
    %get3A_2 = arith.constant 0 : index
    %get3A_3 = arith.constant 0 : index
    %get3A_4 = vector.load %arg2[%get3A_2, %get3A_3] : memref<10000x16xf32, #tpu.memory_space<vmem>>, vector<10000x16xf32>
    %dot_general3A = arith.constant dense<0.000000e+00> : vector<400x10000xf32>
    %dot_general3A_5 = tpu.matmul %get3A_1, %get3A_4, %dot_general3A {dimension_numbers = #tpu.dot_dimension_numbers<[1], [1], [0], [0], [0, 0, 1, 0], [], []>, transpose_lhs_hint = false} : vector<400x16xf32>, vector<10000x16xf32>, vector<400x10000xf32> -> vector<400x10000xf32>
    %swap3A = arith.constant 0 : index
    %swap3A_6 = arith.constant 0 : index
    %swap3A_7 = vector.load %arg3[%swap3A, %swap3A_6] : memref<400x10000xf32, #tpu.memory_space<vmem>>, vector<400x10000xf32>
    tpu.vector_store %arg3[%swap3A, %swap3A_6], %dot_general3A_5 {strides = array<i32>} : memref<400x10000xf32, #tpu.memory_space<vmem>>, vector<400x10000xf32>,
    return
  }
  func.func @transform_0(%arg0: i32) -> (i32, i32) {
    %c0_i32 = arith.constant 0 : i32
    %c0_i32_0 = arith.constant 0 : i32
    return %arg0, %c0_i32 : i32, i32
  }
  func.func @transform_1(%arg0: i32) -> (i32, i32) {
    %c0_i32 = arith.constant 0 : i32
    %c0_i32_0 = arith.constant 0 : i32
    %c0_i32_1 = arith.constant 0 : i32
    return %c0_i32, %c0_i32_0 : i32, i32
  }
  func.func @transform_2(%arg0: i32) -> (i32, i32) {
    %c0_i32 = arith.constant 0 : i32
    %c0_i32_0 = arith.constant 0 : i32
    return %arg0, %c0_i32 : i32, i32
  }
}

</mosaic_0001>

<sc_bundles>
// kernel: kernel.12.cloned.1.call-start
scs
__scs_entry_jumppad:
0x0: {  	(pc) =	sbr.rel $0x88, $3  }
0x1: {  	(tag) =	ssettag $0x0;
	lr =	simm.s32 $0x1  }
0x2: {  	[smem:$0x3F9C] =	sst lr;
	_ =	strace $0xD0000000  }
0x3: {  	_ = 	snop  }
0x4: {  	_ = 	snop  }
0x5: {  	_ = 	snop  }
0x6: {  	_ = 	snop  }
0x7: {  	_ = 	snop  }
__scs_overlays_trampoline_lowered:
0x8: {  	[smem:$0x3FAB] =	sst s0  }
0x9: {  	[smem:$0x3FAC] =	sst s1  }
0xa: {  	[smem:$0x3FAD] =	sst s2  }
0xb: {  	[smem:$0x3FAE] =	sst s3  }
0xc: {  	[smem:$0x3FAF] =	sst s4  }
0xd: {  	[smem:$0x3FB0] =	sst s5  }
0xe: {  	[smem:$0x3FB1] =	sst s6  }
0xf: {  	[smem:$0x3FB2] =	sst s7  }
0x10: {  	[smem:$0x3FB3] =	sst s8  }
0x11: {  	[smem:$0x3FB4] =	sst s9;
	s0 =	simm.s32 @!p0 $0x0  }
0x12: {  	s1 =	sld [smem:$0x3F9A];
	s0 =	simm.s32 @p0 $0x1  }
0x13: {  	[smem:$0x3FB5] =	sst s0;
	s0 =	simm.s32 @!p1 $0x0  }
0x14: {  	s2 =	sld [smem:$0x3F99];
	s0 =	simm.s32 @p1 $0x1  }
0x15: {  	[smem:$0x3FB6] =	sst s0;
	s0 =	simm.s32 @!p2 $0x0  }
0x16: {  	s3 =	sld [smem:$0x3FDB];
	s0 =	simm.s32 @p2 $0x1  }
0x17: {  	s4 =	simm.s32 $0x1BF5;
	[smem:$0x3FB8] =	sst s0  }
0x18: {  	s0 =	sld [smem:$0x3F9B];
	_ =	swait.ge [sflag:s4], $0x0  }
0x19: {  	s7 =	sld [smem:$0x3F9C]  }
0x1a: {  	s8 =	sadd.s32 $0xFFFFE003, lr  }
0x1b: {  	s9 =	sadd.s32 $0xFFFFFEF7, lr;
	s5 =	simm.s32 $0xFFFFFFFF;
	p2 =	slt.u32 s8, $0xFFFFF086  }
0x1c: {  	p1 =	slt.u32 s9, $0xF7A;
	s5 =	simm.s32 @!p2 $0x0  }
0x1d: {  	s5 =	simm.s32 @p1 $0x1;
	p0 =	seq.s32 s7, s2  }
0x1e: {  	s7 =	smul.u32 @!p0 $0xF7A, s2;
	p2 =	seq.s32 @!p0 s5, $0x0  }
0x1f: {  	s9 =	smul.u32 $0xF7A, s1;
	s8 =	simm.s32 @!p0 $0x1BF5;
	p2 =	por !p2, p0  }
0x20: {  	[sflag:s8] =	ssyncset.s32 @!p0 $0xFFFFF086;
	s6 =	sadd.s32 @!p0 s3, s7;
	s7 =	simm.s32 @!p0 $0x108  }
0x21: {  	s3 =	sadd.s32 s3, s9;
	s6 =	sadd.s32 @!p0 $0x88, s6;
	s7 =	simm.s32 @p2 $0x1082  }
0x22: {  	[simem:s7], [sflag:s8] =	dma.local @!p0 [hbm:s6], $0xF7A  }
0x23: {  	s9 =	sor.u32 $0xD0000000, s2;
	s6 =	simm.s32 $0x108;
	_ =	swait.ge @!p0 [sflag:s8], $0x0  }
0x24: {  	s3 =	sadd.s32 $0x88, s3;
	s6 =	simm.s32 @!p1 $0x1082;
	[sflag:s4] =	ssyncset.s32 $0xFFFFF086  }
0x25: {  	[simem:s6], [sflag:s4] =	dma.local [hbm:s3], $0xF7A  }
0x26: {  	[smem:$0x3F9C] =	sst s1;
	(tag) =	ssettag s2;
	_ =	strace s9  }
0x27: {  	s1 =	sld [smem:$0x3FAC]  }
0x28: {  	s2 =	sld [smem:$0x3FAD]  }
0x29: {  	s4 =	sld [smem:$0x3FAF]  }
0x2a: {  	p0 =	seq.s32 s5, $0x0;
	s5 =	sld [smem:$0x3FB0]  }
0x2b: {  	s6 =	sld [smem:$0x3FB1]  }
0x2c: {  	s7 =	sld [smem:$0x3FB2]  }
0x2d: {  	s3 =	simm.s32 $0x108;
	s8 =	sld [smem:$0x3FB3]  }
0x2e: {  	s3 =	simm.s32 @!p0 $0x1082;
	s9 =	sld [smem:$0x3FB4]  }
0x2f: {  	lr =	sadd.s32 s0, s3;
	s0 =	sld [smem:$0x3FAB]  }
0x30: {  	s3 =	sld [smem:$0x3FAE]  }
0x31: {  	[smem:$0x3FB7] =	sst s10  }
0x32: {  	s10 =	sld [smem:$0x3FB5];
	_ =	sdelay $0x3  }
0x33: {  	p0 =	seq.s32 s10, $0x1;
	s10 =	sld [smem:$0x3FB7];
	_ =	sdelay $0x3  }
0x34: {  	[smem:$0x3FB7] =	sst s10  }
0x35: {  	s10 =	sld [smem:$0x3FB6];
	_ =	sdelay $0x3  }
0x36: {  	p1 =	seq.s32 s10, $0x1;
	s10 =	sld [smem:$0x3FB7];
	_ =	sdelay $0x3  }
0x37: {  	[smem:$0x3FB7] =	sst s10  }
0x38: {  	s10 =	sld [smem:$0x3FB8]  }
0x39: {  	_ = 	snop;
	(pc) =	sbr.ind lr, $3  }
0x3a: {  	_ = 	snop  }
0x3b: {  	_ = 	snop  }
0x3c: {  	p2 =	seq.s32 s10, $0x1;
	s10 =	sld [smem:$0x3FB7]  }
0x3d: {  	_ =	shalt  }
0x3e: {  	_ =	shalt  }
0x3f: {  	_ =	shalt  }
0x40: {  	_ =	shalt  }
0x41: {  	_ =	shalt  }
0x42: {  	_ =	shalt  }
0x43: {  	_ =	shalt  }
0x44: {  	_ =	shalt  }
0x45: {  	_ =	shalt  }
0x46: {  	_ =	shalt  }
0x47: {  	_ =	shalt  }
0x48: {  	_ =	shalt  }
0x49: {  	_ =	shalt  }
0x4a: {  	_ =	shalt  }
0x4b: {  	_ =	shalt  }
0x4c: {  	_ =	shalt  }
0x4d: {  	_ =	shalt  }
0x4e: {  	_ =	shalt  }
0x4f: {  	_ =	shalt  }
0x50: {  	_ =	shalt  }
0x51: {  	_ =	shalt  }
0x52: {  	_ =	shalt  }
0x53: {  	_ =	shalt  }
0x54: {  	_ =	shalt  }
0x55: {  	_ =	shalt  }
0x56: {  	_ =	shalt  }
0x57: {  	_ =	shalt  }
0x58: {  	_ =	shalt  }
0x59: {  	_ =	shalt  }
0x5a: {  	_ =	shalt  }
0x5b: {  	_ =	shalt  }
0x5c: {  	_ =	shalt  }
0x5d: {  	_ =	shalt  }
0x5e: {  	_ =	shalt  }
0x5f: {  	_ =	shalt  }
0x60: {  	_ =	shalt  }
0x61: {  	_ =	shalt  }
0x62: {  	_ =	shalt  }
0x63: {  	_ =	shalt  }
0x64: {  	_ =	shalt  }
0x65: {  	_ =	shalt  }
0x66: {  	_ =	shalt  }
0x67: {  	_ =	shalt  }
0x68: {  	_ =	shalt  }
0x69: {  	_ =	shalt  }
0x6a: {  	_ =	shalt  }
0x6b: {  	_ =	shalt  }
0x6c: {  	_ =	shalt  }
0x6d: {  	_ =	shalt  }
0x6e: {  	_ =	shalt  }
0x6f: {  	_ =	shalt  }
0x70: {  	_ =	shalt  }
0x71: {  	_ =	shalt  }
0x72: {  	_ =	shalt  }
0x73: {  	_ =	shalt  }
0x74: {  	_ =	shalt  }
0x75: {  	_ =	shalt  }
0x76: {  	_ =	shalt  }
0x77: {  	_ =	shalt  }
0x78: {  	_ =	shalt  }
0x79: {  	_ =	shalt  }
0x7a: {  	_ =	shalt  }
0x7b: {  	_ =	shalt  }
0x7c: {  	_ =	shalt  }
0x7d: {  	_ =	shalt  }
0x7e: {  	_ =	shalt  }
0x7f: {  	_ =	shalt  }
0x80: {  	_ =	shalt  }
0x81: {  	_ =	shalt  }
0x82: {  	_ =	shalt  }
0x83: {  	_ =	shalt  }
0x84: {  	_ =	shalt  }
0x85: {  	_ =	shalt  }
0x86: {  	_ =	shalt  }
0x87: {  	_ =	shalt  }
.Lfunc_end0:
.L_simem_size_0:
called_computation.1_lowered:
.L_overlay_start_0:
0x88: {  	s2 =	sld [smem:$0x3FD9]  }
0x89: {  	s3 =	sld [smem:$0x3FFE];
	_ =	sdelay $0x1  }
0x8a: {  	s1 =	srdreg.scid  }
0x8b: {  	s0 =	sand.u32 $0x1, s1  }
0x8c: {  	s17 =	sshll.u32 s0, $0xA;
	s2 =	sadd.s32 s3, s2  }
0x8d: {  	s2 =	sadd.s32 s2, s17  }
0x8e: {  	[smem:$0x3FC3] =	sst s2  }
0x8f: {  	_ = 	snop  }
0x90: {  	s2 =	sld [smem:$0x3FD0];
	(tm) =	ssettm $0x1  }
0x91: {  	s18 =	sld [smem:$0x3FFB];
	_ =	sdelay $0x3  }
0x92: {  	_ =	strace s18  }
0x93: {  	s3 =	sld [smem:$0x3FFC];
	_ =	sdelay $0x3  }
0x94: {  	_ =	strace s3  }
0x95: {  	s3 =	sld [smem:$0x3FFD];
	_ =	sdelay $0x3  }
0x96: {  	_ =	strace s3  }
0x97: {  	_ =	strace $0x8FFFFFFF  }
0x98: {  	s19 =	sld [smem:$0x3FDB];
	_ =	sdelay $0x1  }
0x99: {  	s4 =	simm.s32 $_scs_section_size  }
0x9a: {  	s5 =	simm.s32 $_size__tile_overlayer_lowered;
	s6 =	simm.s32 $_tile_overlayer_lowered  }
0x9b: {  	s22 =	simm.s32 $0x1BFF;
	s21 =	sshll.u32 s6, $0x1;
	s3 =	sadd.s32 s4, s19  }
0x9c: {  	s7 =	simm.s32 $0x0;
	s20 =	sshll.u32 s5, $0x1;
	s5 =	sadd.s32 s21, s3  }
0x9d: {  	[timem:s7], [sflag:s22] =	dma.local [hbm:s5], s20  }
0x9e: {  	_ =	swait.ge [sflag:s22], s20  }
0x9f: {  	s4 =	ssub.s32 $0x0, s20;
	[sflag:s22] =	ssyncset.done $0x0  }
0xa0: {  	[sflag:s22] =	ssyncadd.s32 s4;
	_ =	sdelay $0x1  }
0xa1: {  	s23 =	simm.s32 $0x1B8B  }
0xa2: {  	_ =	swait.ge [sflag:s23], $0x1  }
0xa3: {  	[sflag:s23] =	ssyncset.done $0x0  }
0xa4: {  	s25 =	simm.s32 $0x1B8E;
	s24 =	sld [smem:$0x3FFE];
	[sflag:s23] =	ssyncadd.s32 $0xFFFFFFFF  }
0xa5: {  	s26 =	simm.s32 $execute0_lowered;
	[smem:$0x3FD2] =	sst s25  }
0xa6: {  	s5 =	sshll.u32 s26, $0x1;
	_ =	strace $0x80000049;
	[dreg:$0x1] =	wrdreg $0xFFFFFFFF  }
0xa7: {  	s28 =	simm.s32 $_size_execute0_lowered;
	s3 =	sadd.s32 s3, s5;
	[dreg:$0x0] =	wrdreg $0x0  }
0xa8: {  	s5 =	sshll.u32 s28, $0x1;
	[dreg:$0x2] =	wrdreg s3  }
0xa9: {  	[dreg:$0x3] =	wrdreg s5  }
0xaa: {  	[dreg:$0x4] =	wrdreg $0xC0  }
0xab: {  	_ =	task [dreg:s7], $0x5FFFF  }
0xac: {  	[dreg:$0x1] =	wrdreg $0xFFFFFFFF  }
0xad: {  	[dreg:$0x0] =	wrdreg $0x60  }
0xae: {  	[dreg:$0x2] =	wrdreg s24  }
0xaf: {  	[dreg:$0x3] =	wrdreg s2  }
0xb0: {  	[dreg:$0x4] =	wrdreg $0x76200  }
0xb1: {  	[dreg:$0x5] =	wrdreg $0xC4400  }
0xb2: {  	[dreg:$0x6] =	wrdreg $0x9  }
0xb3: {  	_ =	task.clear_ibuf [dreg:s7], $0x7FFFF;
	_ =	strace $0x90000049  }
0xb4: {  	s29 =	simm.s32 $0x9;
	_ =	strace $0x8000004B  }
0xb5: {  	_ =	swait.ge [sflag:s29], $0x1  }
0xb6: {  	[sflag:s29] =	ssyncadd.s32 $0xFFFFFFFF  }
0xb7: {  	_ =	strace $0x9000004B  }
0xb8: {  	_ =	sfence  }
0xb9: {  	s30 =	sld [smem:$0x0];
	_ =	sdelay $0x2  }
0xba: {  	s31 =	sshll.u32 s1, $0xD;
	s1 =	sshrl.u32 s1, $0x2  }
0xbb: {  	s3 =	sand.u32 $0x4000, s31;
	s1 =	sadd.s32 s1, s30  }
0xbc: {  	s0 =	sor.u32 s3, s0;
	s1 =	sshll.u32 s1, $0x11  }
0xbd: {  	s0 =	sor.u32 s1, s0  }
0xbe: {  	s0 =	sadd.s32 $0x8F2B, s0  }
0xbf: {  	[sflag:s0] =	ssyncadd.remote.s32 $0x1  }
0xc0: {  	_ =	sfence.sel $0xFFFF  }
0xc1: {  	[dreg:$0x0] =	wrdreg $0xFFFFFFFF;
	(pc) =	sbr.abs _section_cstart, $3  }
0xc2: {  	[dreg:$0x1] =	wrdreg $0xFFFFFFFF  }
0xc3: {  	_ =	task.clear_ibuf [dreg:s7], $0x2FFFF;
	_ =	strace $0x9FFFFFFF  }
0xc4: {  	(tm) =	ssettm $0x7FFFFFFF  }
0xc5: {  	_ =	shalt  }
tec
execute0_lowered:
.L_overlay_start_1:
0x0: {  	(tag) =	ssettag $0x1  }
0x1: {  	s0 =	rddreg [dreg:$0x0]  }
0x2: {  	s1 =	rddreg [dreg:$0x1]  }
0x3: {  	s2 =	rddreg [dreg:$0x2];
	s4 =	srdreg.scid  }
0x4: {  	s3 =	rddreg [dreg:$0x3];
	s10 =	stileid.u32  }
0x5: {  	s13 =	simm.s32 $0x9;
	s15 =	simm.s32 $0x2710;
	s16 =	simm.s32 $0x50  }
0x6: {  	s17 =	simm.s32 $0x4E20;
	s18 =	simm.s32 $0x5820;
	s20 =	simm.s32 $0x6220  }
0x7: {  	s21 =	simm.s32 $0x1;
	s28 =	simm.s32 $0x6;
	s29 =	simm.s32 $0x4  }
0x8: {  	s30 =	simm.s32 $0x7;
	s31 =	simm.s32 $0x8;
	s5 =	sand.u32 $0x1, s4  }
0x9: {  	s7 =	smul.u32 $0x4E20, s10;
	s4 =	simm.s32 $0x0;
	s26 =	sshll.u32 s10, $0x6  }
0xa: {  	s6 =	sshll.u32 s5, $0x4;
	s8 =	smul.u32 $0x4E200, s5;
	[smem:$0x7FF] =	sst s4  }
0xb: {  	s24 =	ssub.s32 $0x2, s5;
	s5 =	sadd.s32 $0x15000, s0;
	s6 =	sor.u32 s10, s6  }
0xc: {  	_ =	strace $0x8000004A;
	s25 =	sshrl.u32 s24, $0x1;
	s12 =	sadd.s32 s7, s2  }
0xd: {  	s14 =	sadd.s32 s7, s3;
	s6 =	smul.u32 $0x4E2, s6;
	s8 =	sadd.s32 s7, s8  }
0xe: {  	s11 =	ssub.s32 s24, s25;
	s7 =	sshrl.u32 s7, $0x3;
	s12 =	sshrl.u32 s12, $0x3  }
0xf: {  	s14 =	sshrl.u32 s14, $0x3;
	s24 =	simm.s32 $0x2;
	s25 =	simm.s32 $0x5  }
0x10: {  	s23 =	sshrl.u32 s8, $0x3;
	s7 =	sadd.s32 s1, s7;
	s11 =	smax.u32 s11, $0x1  }
0x11: {  	s1 =	simm.s32 $0x0;
	s9 =	sadd.s32 s6, s0;
	s0 =	sadd.s32 s23, s0  }
0x12: {  	s6 =	sor.u32 $0x1C09, s26;
	s23 =	simm.s32 $0x6C20;
	s26 =	simm.s32 $0x3  }
0x13: {  	s8 =	sadd.s32 $0x1400, s9;
	s9 =	sadd.s32 $0xB200, s9;
	s10 =	sadd.s32 $0x15A00, s0  }
.LBB2_1:
0x14: {  	[spmem:s12], [sflag:s6] =	dma.local [hbm:s5], $0x9C4  }
0x15: {  	_ =	swait.ge [sflag:s13], $0x9C4  }
0x16: {  	[sflag:s13] =	ssyncset.done $0x0  }
0x17: {  	[sflag:s13] =	ssyncadd.s32 $0xFFFFF63C  }
0x18: {  	[spmem:s14], [sflag:s6] =	dma.local [hbm:s7], $0x9C4  }
0x19: {  	_ =	swait.ge [sflag:s13], $0x9C4  }
0x1a: {  	[sflag:s13] =	ssyncset.done $0x0  }
0x1b: {  	[sflag:s13] =	ssyncadd.s32 $0xFFFFF63C  }
0x1c: {  	[tilespmem:s4], [sflag:$0x9] =	stream.linear.gather [hbm4b:s8+s4], $0x2710, $0x38;
	[tilespmem:$0x11260] =	vst v63  }
0x1d: {  	_ =	swait.ge [sflag:s13], $0x2710  }
0x1e: {  	[sflag:s13] =	ssyncset.done $0x0  }
0x1f: {  	[sflag:s13] =	ssyncadd.s32 $0xFFFFD8F0  }
0x20: {  	[tilespmem:s15], [sflag:$0x9] =	stream.linear.gather [hbm4b:s9+s4], $0x2710, $0x38;
	[tilespmem:$0x11260] =	vst v63  }
0x21: {  	_ =	swait.ge [sflag:s13], $0x2710  }
0x22: {  	[sflag:s13] =	ssyncset.done $0x0  }
0x23: {  	[sflag:s13] =	ssyncadd.s32 $0xFFFFD8F0  }
0x24: {  	[bflag:$0x0] =	sbarrier.arrive $0xFFFF  }
0x25: {  	[tilespmem:s17], [sflag:$0x1] =	stream.indirect.gather [spmem:s3], $0x20, s4, s16, $0xb8;
	[tilespmem:$0x11260] =	vst v63  }
0x26: {  	_ = 	snop  }
0x27: {  	[tilespmem:s18], [sflag:$0x2] =	stream.indirect.gather [spmem:s3], $0x20, s16, s16, $0xb8;
	[tilespmem:$0x11260] =	vst v63  }
0x28: {  	s0 =	simm.s32 $0xA0  }
0x29: {  	[tilespmem:s20], [sflag:$0x3] =	stream.indirect.gather [spmem:s3], $0x20, s0, s16, $0xb8;
	[tilespmem:$0x11260] =	vst v63  }
0x2a: {  	_ =	swait.ge [sflag:s21], $0xA00  }
0x2b: {  	[sflag:s21] =	ssyncset.done $0x0  }
0x2c: {  	[sflag:s21] =	ssyncadd.s32 $0xFFFFF600  }
0x2d: {  	[spmem:s2] =	stream.indirect.scatter.add.f32 [tilespmem:s17], [sflag:$0x5], $0x20, s15, s16, $0xb8;
	[tilespmem:$0x11260] =	vst v63  }
0x2e: {  	s22 =	simm.s32 $0xF0  }
0x2f: {  	[tilespmem:s23], [sflag:$0x4] =	stream.indirect.gather [spmem:s3], $0x20, s22, s16, $0xb8;
	[tilespmem:$0x11260] =	vst v63  }
0x30: {  	_ =	swait.ge [sflag:s24], $0xA00  }
0x31: {  	[sflag:s24] =	ssyncset.done $0x0  }
0x32: {  	s19 =	simm.s32 $0x2760;
	[sflag:s24] =	ssyncadd.s32 $0xFFFFF600  }
0x33: {  	[spmem:s2] =	stream.indirect.scatter.add.f32 [tilespmem:s18], [sflag:$0x6], $0x20, s19, s16, $0xb8;
	[tilespmem:$0x11260] =	vst v63  }
0x34: {  	_ =	swait.ge [sflag:s25], $0xA00  }
0x35: {  	[sflag:s25] =	ssyncset.done $0x0  }
0x36: {  	s0 =	simm.s32 $0x140;
	[sflag:s25] =	ssyncadd.s32 $0xFFFFF600  }
0x37: {  	[tilespmem:s17], [sflag:$0x1] =	stream.indirect.gather [spmem:s3], $0x20, s0, s16, $0xb8;
	[tilespmem:$0x11260] =	vst v63  }
0x38: {  	_ =	swait.ge [sflag:s26], $0xA00  }
0x39: {  	[sflag:s26] =	ssyncset.done $0x0  }
0x3a: {  	s22 =	simm.s32 $0x27B0;
	[sflag:s26] =	ssyncadd.s32 $0xFFFFF600  }
0x3b: {  	[spmem:s2] =	stream.indirect.scatter.add.f32 [tilespmem:s20], [sflag:$0x7], $0x20, s22, s16, $0xb8;
	[tilespmem:$0x11260] =	vst v63  }
0x3c: {  	_ =	swait.ge [sflag:s28], $0xA00  }
0x3d: {  	[sflag:s28] =	ssyncset.done $0x0  }
0x3e: {  	s0 =	simm.s32 $0x190;
	[sflag:s28] =	ssyncadd.s32 $0xFFFFF600  }
0x3f: {  	[tilespmem:s18], [sflag:$0x2] =	stream.indirect.gather [spmem:s3], $0x20, s0, s16, $0xb8;
	[tilespmem:$0x11260] =	vst v63  }
0x40: {  	_ =	swait.ge [sflag:s29], $0xA00  }
0x41: {  	[sflag:s29] =	ssyncset.done $0x0  }
0x42: {  	s22 =	simm.s32 $0x2800;
	[sflag:s29] =	ssyncadd.s32 $0xFFFFF600  }
0x43: {  	[spmem:s2] =	stream.indirect.scatter.add.f32 [tilespmem:s23], [sflag:$0x8], $0x20, s22, s16, $0xb8;
	[tilespmem:$0x11260] =	vst v63  }
0x44: {  	_ =	swait.ge [sflag:s30], $0xA00  }
0x45: {  	[sflag:s30] =	ssyncset.done $0x0  }
0x46: {  	s0 =	simm.s32 $0x1E0;
	[sflag:s30] =	ssyncadd.s32 $0xFFFFF600  }
0x47: {  	[tilespmem:s20], [sflag:$0x3] =	stream.indirect.gather [spmem:s3], $0x20, s0, s16, $0xb8;
	[tilespmem:$0x11260] =	vst v63  }
0x48: {  	_ =	swait.ge [sflag:s21], $0xA00  }
0x49: {  	[sflag:s21] =	ssyncset.done $0x0  }
0x4a: {  	s22 =	simm.s32 $0x2850;
	[sflag:s21] =	ssyncadd.s32 $0xFFFFF600  }
0x4b: {  	[spmem:s2] =	stream.indirect.scatter.add.f32 [tilespmem:s17], [sflag:$0x5], $0x20, s22, s16, $0xb8;
	[tilespmem:$0x11260] =	vst v63  }
0x4c: {  	_ =	swait.ge [sflag:s31], $0xA00  }
0x4d: {  	[sflag:s31] =	ssyncset.done $0x0  }
0x4e: {  	s19 =	simm.s32 $0x500;
	s22 =	simm.s32 $0x230;
	[sflag:s31] =	ssyncadd.s32 $0xFFFFF600  }
.LBB2_2:
0x4f: {  	[tilespmem:s23], [sflag:$0x4] =	stream.indirect.gather [spmem:s3], $0x20, s22, s16, $0xb8;
	[tilespmem:$0x11260] =	vst v63  }
0x50: {  	s22 =	smov.u32 s19  }
0x51: {  	p0 =	sne.s32 s19, $0x9100;
	s19 =	sadd.s32 $0x500, s19;
	_ =	swait.ge [sflag:s24], $0xA00  }
0x52: {  	s22 =	sshra.s32 s22, $0x2;
	[sflag:s24] =	ssyncset.done $0x0  }
0x53: {  	s0 =	sadd.s32 $0x2760, s22;
	[sflag:s24] =	ssyncadd.s32 $0xFFFFF600  }
0x54: {  	[spmem:s2] =	stream.indirect.scatter.add.f32 [tilespmem:s18], [sflag:$0x6], $0x20, s0, s16, $0xb8;
	[tilespmem:$0x11260] =	vst v63  }
0x55: {  	_ =	swait.ge [sflag:s25], $0xA00  }
0x56: {  	[sflag:s25] =	ssyncset.done $0x0  }
0x57: {  	s0 =	sadd.s32 $0x140, s22;
	[sflag:s25] =	ssyncadd.s32 $0xFFFFF600  }
0x58: {  	[tilespmem:s17], [sflag:$0x1] =	stream.indirect.gather [spmem:s3], $0x20, s0, s16, $0xb8;
	[tilespmem:$0x11260] =	vst v63  }
0x59: {  	_ =	swait.ge [sflag:s26], $0xA00  }
0x5a: {  	[sflag:s26] =	ssyncset.done $0x0  }
0x5b: {  	s0 =	sadd.s32 $0x27B0, s22;
	[sflag:s26] =	ssyncadd.s32 $0xFFFFF600  }
0x5c: {  	[spmem:s2] =	stream.indirect.scatter.add.f32 [tilespmem:s20], [sflag:$0x7], $0x20, s0, s16, $0xb8;
	[tilespmem:$0x11260] =	vst v63  }
0x5d: {  	_ =	swait.ge [sflag:s28], $0xA00  }
0x5e: {  	[sflag:s28] =	ssyncset.done $0x0  }
0x5f: {  	s0 =	sadd.s32 $0x190, s22;
	[sflag:s28] =	ssyncadd.s32 $0xFFFFF600  }
0x60: {  	[tilespmem:s18], [sflag:$0x2] =	stream.indirect.gather [spmem:s3], $0x20, s0, s16, $0xb8;
	[tilespmem:$0x11260] =	vst v63  }
0x61: {  	_ =	swait.ge [sflag:s29], $0xA00  }
0x62: {  	[sflag:s29] =	ssyncset.done $0x0  }
0x63: {  	s0 =	sadd.s32 $0x2800, s22;
	[sflag:s29] =	ssyncadd.s32 $0xFFFFF600  }
0x64: {  	[spmem:s2] =	stream.indirect.scatter.add.f32 [tilespmem:s23], [sflag:$0x8], $0x20, s0, s16, $0xb8;
	[tilespmem:$0x11260] =	vst v63  }
0x65: {  	_ =	swait.ge [sflag:s30], $0xA00  }
0x66: {  	[sflag:s30] =	ssyncset.done $0x0  }
0x67: {  	s0 =	sadd.s32 $0x1E0, s22;
	[sflag:s30] =	ssyncadd.s32 $0xFFFFF600  }
0x68: {  	[tilespmem:s20], [sflag:$0x3] =	stream.indirect.gather [spmem:s3], $0x20, s0, s16, $0xb8;
	[tilespmem:$0x11260] =	vst v63  }
0x69: {  	_ =	swait.ge [sflag:s21], $0xA00  }
0x6a: {  	[sflag:s21] =	ssyncset.done $0x0  }
.Ltmp0:
0x6b: {  	s0 =	sadd.s32 $0x2850, s22;
	[sflag:s21] =	ssyncadd.s32 $0xFFFFF600;
	(pc) =	sbr.rel @p0 .LBB2_2-.Ltmp0, $4  }
0x6c: {  	[spmem:s2] =	stream.indirect.scatter.add.f32 [tilespmem:s17], [sflag:$0x5], $0x20, s0, s16, $0xb8;
	[tilespmem:$0x11260] =	vst v63  }
0x6d: {  	_ =	swait.ge [sflag:s31], $0xA00  }
0x6e: {  	[sflag:s31] =	ssyncset.done $0x0  }
0x6f: {  	s22 =	sadd.s32 $0x230, s22;
	[sflag:s31] =	ssyncadd.s32 $0xFFFFF600  }
0x70: {  	[tilespmem:s23], [sflag:$0x4] =	stream.indirect.gather [spmem:s3], $0x20, s22, s16, $0xb8;
	[tilespmem:$0x11260] =	vst v63  }
0x71: {  	_ =	swait.ge [sflag:s24], $0xA00  }
0x72: {  	[sflag:s24] =	ssyncset.done $0x0  }
0x73: {  	s0 =	simm.s32 $0x4CE0;
	[sflag:s24] =	ssyncadd.s32 $0xFFFFF600  }
0x74: {  	[spmem:s2] =	stream.indirect.scatter.add.f32 [tilespmem:s18], [sflag:$0x6], $0x20, s0, s16, $0xb8;
	[tilespmem:$0x11260] =	vst v63  }
0x75: {  	_ =	swait.ge [sflag:s25], $0xA00  }
0x76: {  	[sflag:s25] =	ssyncset.done $0x0  }
0x77: {  	s19 =	simm.s32 $0x26C0;
	[sflag:s25] =	ssyncadd.s32 $0xFFFFF600  }
0x78: {  	[tilespmem:s17], [sflag:$0x1] =	stream.indirect.gather [spmem:s3], $0x20, s19, s16, $0xb8;
	[tilespmem:$0x11260] =	vst v63  }
0x79: {  	_ =	swait.ge [sflag:s26], $0xA00  }
0x7a: {  	[sflag:s26] =	ssyncset.done $0x0  }
0x7b: {  	s22 =	simm.s32 $0x4D30;
	[sflag:s26] =	ssyncadd.s32 $0xFFFFF600  }
0x7c: {  	[spmem:s2] =	stream.indirect.scatter.add.f32 [tilespmem:s20], [sflag:$0x7], $0x20, s22, s16, $0xb8;
	[tilespmem:$0x11260] =	vst v63  }
0x7d: {  	_ =	swait.ge [sflag:s28], $0xA00  }
0x7e: {  	[sflag:s28] =	ssyncset.done $0x0  }
0x7f: {  	[sflag:s28] =	ssyncadd.s32 $0xFFFFF600  }
0x80: {  	_ =	swait.ge [sflag:s29], $0xA00  }
0x81: {  	[sflag:s29] =	ssyncset.done $0x0  }
0x82: {  	s19 =	simm.s32 $0x4D80;
	[sflag:s29] =	ssyncadd.s32 $0xFFFFF600  }
0x83: {  	[spmem:s2] =	stream.indirect.scatter.add.f32 [tilespmem:s23], [sflag:$0x8], $0x20, s19, s16, $0xb8;
	[tilespmem:$0x11260] =	vst v63  }
0x84: {  	_ =	swait.ge [sflag:s30], $0xA00  }
0x85: {  	[sflag:s30] =	ssyncset.done $0x0  }
0x86: {  	[sflag:s30] =	ssyncadd.s32 $0xFFFFF600  }
0x87: {  	_ =	swait.ge [sflag:s21], $0xA00  }
0x88: {  	[sflag:s21] =	ssyncset.done $0x0  }
0x89: {  	s22 =	simm.s32 $0x4DD0;
	[sflag:s21] =	ssyncadd.s32 $0xFFFFF600  }
0x8a: {  	[spmem:s2] =	stream.indirect.scatter.add.f32 [tilespmem:s17], [sflag:$0x5], $0x20, s22, s16, $0xb8;
	[tilespmem:$0x11260] =	vst v63  }
0x8b: {  	_ =	swait.ge [sflag:s31], $0xA00  }
0x8c: {  	[sflag:s31] =	ssyncset.done $0x0  }
0x8d: {  	[sflag:s31] =	ssyncadd.s32 $0xFFFFF600  }
0x8e: {  	_ =	swait.ge [sflag:s25], $0xA00  }
0x8f: {  	s1 =	sadd.s32 $0x1, s1;
	[sflag:s25] =	ssyncset.done $0x0  }
0x90: {  	p0 =	sne.s32 s1, s11;
	[sflag:s25] =	ssyncadd.s32 $0xFFFFF600  }
.Ltmp1:
0x91: {  	[bflag:$0x0] =	sbarrier.arrive $0xFFFF;
	(pc) =	sbr.rel @p0 .LBB2_1-.Ltmp1, $4  }
0x92: {  	[hbm:s10], [sflag:s6] =	dma.local [spmem:s12], $0x9C4  }
0x93: {  	_ =	swait.ge [sflag:s13], $0x9C4  }
0x94: {  	[sflag:s13] =	ssyncset.done $0x0  }
0x95: {  	[sflag:s13] =	ssyncadd.s32 $0xFFFFF63C  }
0x96: {  	_ =	sfence.sel $0x180000  }
0x97: {  	[bflag:$0x0] =	sbarrier.arrive $0xFFFF  }
0x98: {  	_ =	strace $0x9000004A  }
0x99: {  	s0 =	stileid.u32;
	[bflag:$0x2] =	sbarrier.arrive $0xFFFF  }
0x9a: {  	p0 =	sne.s32 s0, $0x0;
	s0 =	rddreg [dreg:$0x4]  }
0x9b: {  	s0 =	sadd.s32 @!p0 $0x100000, s0  }
0x9c: {  	[sflag:s0] =	ssyncadd.tile.s32 @!p0 $0x1;
	_ =	shalt  }
.Lfunc_end2:
_tile_overlayer_lowered:
.L_overlay_start_2:
0x9d: {  	(tag) =	ssettag $0x2  }
0x9e: {  	s0 =	rddreg [dreg:$0x0];
	s2 =	stileid.u32  }
0x9f: {  	s1 =	rddreg [dreg:$0x1];
	p0 =	sne.s32 s2, $0x0  }
0xa0: {  	s3 =	rddreg [dreg:$0x2];
	[bflag:$0x3] =	sbarrier.arrive $0xFFFF;
	s2 =	simm.s32 @!p0 $0x1C09  }
0xa1: {  	[timem:s3], [sflag:s2] =	dma.local @!p0 [hbm:s0], s1  }
0xa2: {  	s0 =	simm.s32 @!p0 $0x9  }
0xa3: {  	_ =	swait.ge @!p0 [sflag:s0], s1  }
0xa4: {  	s1 =	ssub.s32 @!p0 $0x0, s1;
	[sflag:s0] =	ssyncset.done @!p0 $0x0  }
0xa5: {  	[sflag:s0] =	ssyncadd.s32 @!p0 s1  }
0xa6: {  	[bflag:$0x3] =	sbarrier.arrive $0xFFFF  }
0xa7: {  	_ =	shalt  }

// kernel: kernel.15.cloned.1.call-start
scs
__scs_entry_jumppad:
0x0: {  	(pc) =	sbr.rel $0x88, $3  }
0x1: {  	(tag) =	ssettag $0x0;
	lr =	simm.s32 $0x1  }
0x2: {  	[smem:$0x3F9C] =	sst lr;
	_ =	strace $0xD0000000  }
0x3: {  	_ = 	snop  }
0x4: {  	_ = 	snop  }
0x5: {  	_ = 	snop  }
0x6: {  	_ = 	snop  }
0x7: {  	_ = 	snop  }
__scs_overlays_trampoline_lowered:
0x8: {  	[smem:$0x3FAB] =	sst s0  }
0x9: {  	[smem:$0x3FAC] =	sst s1  }
0xa: {  	[smem:$0x3FAD] =	sst s2  }
0xb: {  	[smem:$0x3FAE] =	sst s3  }
0xc: {  	[smem:$0x3FAF] =	sst s4  }
0xd: {  	[smem:$0x3FB0] =	sst s5  }
0xe: {  	[smem:$0x3FB1] =	sst s6  }
0xf: {  	[smem:$0x3FB2] =	sst s7  }
0x10: {  	[smem:$0x3FB3] =	sst s8  }
0x11: {  	[smem:$0x3FB4] =	sst s9;
	s0 =	simm.s32 @!p0 $0x0  }
0x12: {  	s1 =	sld [smem:$0x3F9A];
	s0 =	simm.s32 @p0 $0x1  }
0x13: {  	[smem:$0x3FB5] =	sst s0;
	s0 =	simm.s32 @!p1 $0x0  }
0x14: {  	s2 =	sld [smem:$0x3F99];
	s0 =	simm.s32 @p1 $0x1  }
0x15: {  	[smem:$0x3FB6] =	sst s0;
	s0 =	simm.s32 @!p2 $0x0  }
0x16: {  	s3 =	sld [smem:$0x3FDB];
	s0 =	simm.s32 @p2 $0x1  }
0x17: {  	s4 =	simm.s32 $0x1BF5;
	[smem:$0x3FB8] =	sst s0  }
0x18: {  	s0 =	sld [smem:$0x3F9B];
	_ =	swait.ge [sflag:s4], $0x0  }
0x19: {  	s7 =	sld [smem:$0x3F9C]  }
0x1a: {  	s8 =	sadd.s32 $0xFFFFE003, lr  }
0x1b: {  	s9 =	sadd.s32 $0xFFFFFEF7, lr;
	s5 =	simm.s32 $0xFFFFFFFF;
	p2 =	slt.u32 s8, $0xFFFFF086  }
0x1c: {  	p1 =	slt.u32 s9, $0xF7A;
	s5 =	simm.s32 @!p2 $0x0  }
0x1d: {  	s5 =	simm.s32 @p1 $0x1;
	p0 =	seq.s32 s7, s2  }
0x1e: {  	s7 =	smul.u32 @!p0 $0xF7A, s2;
	p2 =	seq.s32 @!p0 s5, $0x0  }
0x1f: {  	s9 =	smul.u32 $0xF7A, s1;
	s8 =	simm.s32 @!p0 $0x1BF5;
	p2 =	por !p2, p0  }
0x20: {  	[sflag:s8] =	ssyncset.s32 @!p0 $0xFFFFF086;
	s6 =	sadd.s32 @!p0 s3, s7;
	s7 =	simm.s32 @!p0 $0x108  }
0x21: {  	s3 =	sadd.s32 s3, s9;
	s6 =	sadd.s32 @!p0 $0x88, s6;
	s7 =	simm.s32 @p2 $0x1082  }
0x22: {  	[simem:s7], [sflag:s8] =	dma.local @!p0 [hbm:s6], $0xF7A  }
0x23: {  	s9 =	sor.u32 $0xD0000000, s2;
	s6 =	simm.s32 $0x108;
	_ =	swait.ge @!p0 [sflag:s8], $0x0  }
0x24: {  	s3 =	sadd.s32 $0x88, s3;
	s6 =	simm.s32 @!p1 $0x1082;
	[sflag:s4] =	ssyncset.s32 $0xFFFFF086  }
0x25: {  	[simem:s6], [sflag:s4] =	dma.local [hbm:s3], $0xF7A  }
0x26: {  	[smem:$0x3F9C] =	sst s1;
	(tag) =	ssettag s2;
	_ =	strace s9  }
0x27: {  	s1 =	sld [smem:$0x3FAC]  }
0x28: {  	s2 =	sld [smem:$0x3FAD]  }
0x29: {  	s4 =	sld [smem:$0x3FAF]  }
0x2a: {  	p0 =	seq.s32 s5, $0x0;
	s5 =	sld [smem:$0x3FB0]  }
0x2b: {  	s6 =	sld [smem:$0x3FB1]  }
0x2c: {  	s7 =	sld [smem:$0x3FB2]  }
0x2d: {  	s3 =	simm.s32 $0x108;
	s8 =	sld [smem:$0x3FB3]  }
0x2e: {  	s3 =	simm.s32 @!p0 $0x1082;
	s9 =	sld [smem:$0x3FB4]  }
0x2f: {  	lr =	sadd.s32 s0, s3;
	s0 =	sld [smem:$0x3FAB]  }
0x30: {  	s3 =	sld [smem:$0x3FAE]  }
0x31: {  	[smem:$0x3FB7] =	sst s10  }
0x32: {  	s10 =	sld [smem:$0x3FB5];
	_ =	sdelay $0x3  }
0x33: {  	p0 =	seq.s32 s10, $0x1;
	s10 =	sld [smem:$0x3FB7];
	_ =	sdelay $0x3  }
0x34: {  	[smem:$0x3FB7] =	sst s10  }
0x35: {  	s10 =	sld [smem:$0x3FB6];
	_ =	sdelay $0x3  }
0x36: {  	p1 =	seq.s32 s10, $0x1;
	s10 =	sld [smem:$0x3FB7];
	_ =	sdelay $0x3  }
0x37: {  	[smem:$0x3FB7] =	sst s10  }
0x38: {  	s10 =	sld [smem:$0x3FB8]  }
0x39: {  	_ = 	snop;
	(pc) =	sbr.ind lr, $3  }
0x3a: {  	_ = 	snop  }
0x3b: {  	_ = 	snop  }
0x3c: {  	p2 =	seq.s32 s10, $0x1;
	s10 =	sld [smem:$0x3FB7]  }
0x3d: {  	_ =	shalt  }
0x3e: {  	_ =	shalt  }
0x3f: {  	_ =	shalt  }
0x40: {  	_ =	shalt  }
0x41: {  	_ =	shalt  }
0x42: {  	_ =	shalt  }
0x43: {  	_ =	shalt  }
0x44: {  	_ =	shalt  }
0x45: {  	_ =	shalt  }
0x46: {  	_ =	shalt  }
0x47: {  	_ =	shalt  }
0x48: {  	_ =	shalt  }
0x49: {  	_ =	shalt  }
0x4a: {  	_ =	shalt  }
0x4b: {  	_ =	shalt  }
0x4c: {  	_ =	shalt  }
0x4d: {  	_ =	shalt  }
0x4e: {  	_ =	shalt  }
0x4f: {  	_ =	shalt  }
0x50: {  	_ =	shalt  }
0x51: {  	_ =	shalt  }
0x52: {  	_ =	shalt  }
0x53: {  	_ =	shalt  }
0x54: {  	_ =	shalt  }
0x55: {  	_ =	shalt  }
0x56: {  	_ =	shalt  }
0x57: {  	_ =	shalt  }
0x58: {  	_ =	shalt  }
0x59: {  	_ =	shalt  }
0x5a: {  	_ =	shalt  }
0x5b: {  	_ =	shalt  }
0x5c: {  	_ =	shalt  }
0x5d: {  	_ =	shalt  }
0x5e: {  	_ =	shalt  }
0x5f: {  	_ =	shalt  }
0x60: {  	_ =	shalt  }
0x61: {  	_ =	shalt  }
0x62: {  	_ =	shalt  }
0x63: {  	_ =	shalt  }
0x64: {  	_ =	shalt  }
0x65: {  	_ =	shalt  }
0x66: {  	_ =	shalt  }
0x67: {  	_ =	shalt  }
0x68: {  	_ =	shalt  }
0x69: {  	_ =	shalt  }
0x6a: {  	_ =	shalt  }
0x6b: {  	_ =	shalt  }
0x6c: {  	_ =	shalt  }
0x6d: {  	_ =	shalt  }
0x6e: {  	_ =	shalt  }
0x6f: {  	_ =	shalt  }
0x70: {  	_ =	shalt  }
0x71: {  	_ =	shalt  }
0x72: {  	_ =	shalt  }
0x73: {  	_ =	shalt  }
0x74: {  	_ =	shalt  }
0x75: {  	_ =	shalt  }
0x76: {  	_ =	shalt  }
0x77: {  	_ =	shalt  }
0x78: {  	_ =	shalt  }
0x79: {  	_ =	shalt  }
0x7a: {  	_ =	shalt  }
0x7b: {  	_ =	shalt  }
0x7c: {  	_ =	shalt  }
0x7d: {  	_ =	shalt  }
0x7e: {  	_ =	shalt  }
0x7f: {  	_ =	shalt  }
0x80: {  	_ =	shalt  }
0x81: {  	_ =	shalt  }
0x82: {  	_ =	shalt  }
0x83: {  	_ =	shalt  }
0x84: {  	_ =	shalt  }
0x85: {  	_ =	shalt  }
0x86: {  	_ =	shalt  }
0x87: {  	_ =	shalt  }
.Lfunc_end0:
.L_simem_size_0:
called_computation.2_lowered:
.L_overlay_start_0:
0x88: {  	s2 =	sld [smem:$0x3FD9]  }
0x89: {  	s3 =	sld [smem:$0x3FFE];
	_ =	sdelay $0x1  }
0x8a: {  	s1 =	srdreg.scid  }
0x8b: {  	s0 =	sand.u32 $0x1, s1  }
0x8c: {  	s17 =	sshll.u32 s0, $0xA;
	s2 =	sadd.s32 s3, s2  }
0x8d: {  	s2 =	sadd.s32 s2, s17  }
0x8e: {  	[smem:$0x3FC3] =	sst s2  }
0x8f: {  	_ = 	snop  }
0x90: {  	s2 =	sld [smem:$0x3FD0];
	(tm) =	ssettm $0x1  }
0x91: {  	s18 =	sld [smem:$0x3FFB];
	_ =	sdelay $0x3  }
0x92: {  	_ =	strace s18  }
0x93: {  	s3 =	sld [smem:$0x3FFC];
	_ =	sdelay $0x3  }
0x94: {  	_ =	strace s3  }
0x95: {  	s3 =	sld [smem:$0x3FFD];
	_ =	sdelay $0x3  }
0x96: {  	_ =	strace s3  }
0x97: {  	_ =	strace $0x8FFFFFFF  }
0x98: {  	s19 =	sld [smem:$0x3FDB];
	_ =	sdelay $0x1  }
0x99: {  	s4 =	simm.s32 $_scs_section_size  }
0x9a: {  	s5 =	simm.s32 $_size__tile_overlayer_lowered;
	s6 =	simm.s32 $_tile_overlayer_lowered  }
0x9b: {  	s22 =	simm.s32 $0x1BFF;
	s21 =	sshll.u32 s6, $0x1;
	s3 =	sadd.s32 s4, s19  }
0x9c: {  	s7 =	simm.s32 $0x0;
	s20 =	sshll.u32 s5, $0x1;
	s5 =	sadd.s32 s21, s3  }
0x9d: {  	[timem:s7], [sflag:s22] =	dma.local [hbm:s5], s20  }
0x9e: {  	_ =	swait.ge [sflag:s22], s20  }
0x9f: {  	s4 =	ssub.s32 $0x0, s20;
	[sflag:s22] =	ssyncset.done $0x0  }
0xa0: {  	[sflag:s22] =	ssyncadd.s32 s4;
	_ =	sdelay $0x1  }
0xa1: {  	s23 =	simm.s32 $0x1B8B  }
0xa2: {  	_ =	swait.ge [sflag:s23], $0x1  }
0xa3: {  	[sflag:s23] =	ssyncset.done $0x0  }
0xa4: {  	s25 =	simm.s32 $0x1B8E;
	s24 =	sld [smem:$0x3FFE];
	[sflag:s23] =	ssyncadd.s32 $0xFFFFFFFF  }
0xa5: {  	s26 =	simm.s32 $execute0_lowered;
	[smem:$0x3FD2] =	sst s25  }
0xa6: {  	s5 =	sshll.u32 s26, $0x1;
	_ =	strace $0x8000004C;
	[dreg:$0x1] =	wrdreg $0xFFFFFFFF  }
0xa7: {  	s28 =	simm.s32 $_size_execute0_lowered;
	s3 =	sadd.s32 s3, s5;
	[dreg:$0x0] =	wrdreg $0x0  }
0xa8: {  	s5 =	sshll.u32 s28, $0x1;
	[dreg:$0x2] =	wrdreg s3  }
0xa9: {  	[dreg:$0x3] =	wrdreg s5  }
0xaa: {  	[dreg:$0x4] =	wrdreg $0xC0  }
0xab: {  	_ =	task [dreg:s7], $0x5FFFF  }
0xac: {  	[dreg:$0x1] =	wrdreg $0xFFFFFFFF  }
0xad: {  	[dreg:$0x0] =	wrdreg $0x60  }
0xae: {  	[dreg:$0x2] =	wrdreg s24  }
0xaf: {  	[dreg:$0x3] =	wrdreg s2  }
0xb0: {  	[dreg:$0x4] =	wrdreg $0x76200  }
0xb1: {  	[dreg:$0x5] =	wrdreg $0xC4400  }
0xb2: {  	[dreg:$0x6] =	wrdreg $0x9  }
0xb3: {  	_ =	task.clear_ibuf [dreg:s7], $0x7FFFF;
	_ =	strace $0x9000004C  }
0xb4: {  	s29 =	simm.s32 $0x9;
	_ =	strace $0x8000004E  }
0xb5: {  	_ =	swait.ge [sflag:s29], $0x1  }
0xb6: {  	[sflag:s29] =	ssyncadd.s32 $0xFFFFFFFF  }
0xb7: {  	_ =	strace $0x9000004E  }
0xb8: {  	_ =	sfence  }
0xb9: {  	s30 =	sld [smem:$0x0];
	_ =	sdelay $0x2  }
0xba: {  	s31 =	sshll.u32 s1, $0xD;
	s1 =	sshrl.u32 s1, $0x2  }
0xbb: {  	s3 =	sand.u32 $0x4000, s31;
	s1 =	sadd.s32 s1, s30  }
0xbc: {  	s0 =	sor.u32 s3, s0;
	s1 =	sshll.u32 s1, $0x11  }
0xbd: {  	s0 =	sor.u32 s1, s0  }
0xbe: {  	s0 =	sadd.s32 $0x8F2B, s0  }
0xbf: {  	[sflag:s0] =	ssyncadd.remote.s32 $0x1  }
0xc0: {  	_ =	sfence.sel $0xFFFF  }
0xc1: {  	[dreg:$0x0] =	wrdreg $0xFFFFFFFF;
	(pc) =	sbr.abs _section_cstart, $3  }
0xc2: {  	[dreg:$0x1] =	wrdreg $0xFFFFFFFF  }
0xc3: {  	_ =	task.clear_ibuf [dreg:s7], $0x2FFFF;
	_ =	strace $0x9FFFFFFF  }
0xc4: {  	(tm) =	ssettm $0x7FFFFFFF  }
0xc5: {  	_ =	shalt  }
tec
execute0_lowered:
.L_overlay_start_1:
0x0: {  	(tag) =	ssettag $0x1  }
0x1: {  	s0 =	rddreg [dreg:$0x0]  }
0x2: {  	s1 =	rddreg [dreg:$0x1]  }
0x3: {  	s2 =	rddreg [dreg:$0x2];
	s4 =	srdreg.scid  }
0x4: {  	s3 =	rddreg [dreg:$0x3];
	s10 =	stileid.u32  }
0x5: {  	s13 =	simm.s32 $0x9;
	s15 =	simm.s32 $0x2710;
	s16 =	simm.s32 $0x50  }
0x6: {  	s17 =	simm.s32 $0x4E20;
	s18 =	simm.s32 $0x5820;
	s20 =	simm.s32 $0x6220  }
0x7: {  	s21 =	simm.s32 $0x1;
	s28 =	simm.s32 $0x6;
	s29 =	simm.s32 $0x4  }
0x8: {  	s30 =	simm.s32 $0x7;
	s31 =	simm.s32 $0x8;
	s5 =	sand.u32 $0x1, s4  }
0x9: {  	s7 =	smul.u32 $0x4E20, s10;
	s4 =	simm.s32 $0x0;
	s26 =	sshll.u32 s10, $0x6  }
0xa: {  	s6 =	sshll.u32 s5, $0x4;
	s8 =	smul.u32 $0x4E200, s5;
	[smem:$0x7FF] =	sst s4  }
0xb: {  	s24 =	ssub.s32 $0x2, s5;
	s5 =	sadd.s32 $0x15000, s0;
	s6 =	sor.u32 s10, s6  }
0xc: {  	_ =	strace $0x8000004D;
	s25 =	sshrl.u32 s24, $0x1;
	s12 =	sadd.s32 s7, s2  }
0xd: {  	s14 =	sadd.s32 s7, s3;
	s6 =	smul.u32 $0x4E2, s6;
	s8 =	sadd.s32 s7, s8  }
0xe: {  	s11 =	ssub.s32 s24, s25;
	s7 =	sshrl.u32 s7, $0x3;
	s12 =	sshrl.u32 s12, $0x3  }
0xf: {  	s14 =	sshrl.u32 s14, $0x3;
	s24 =	simm.s32 $0x2;
	s25 =	simm.s32 $0x5  }
0x10: {  	s23 =	sshrl.u32 s8, $0x3;
	s7 =	sadd.s32 s1, s7;
	s11 =	smax.u32 s11, $0x1  }
0x11: {  	s1 =	simm.s32 $0x0;
	s9 =	sadd.s32 s6, s0;
	s0 =	sadd.s32 s23, s0  }
0x12: {  	s6 =	sor.u32 $0x1C09, s26;
	s23 =	simm.s32 $0x6C20;
	s26 =	simm.s32 $0x3  }
0x13: {  	s8 =	sadd.s32 $0x1400, s9;
	s9 =	sadd.s32 $0xB200, s9;
	s10 =	sadd.s32 $0x15A00, s0  }
.LBB2_1:
0x14: {  	[spmem:s12], [sflag:s6] =	dma.local [hbm:s5], $0x9C4  }
0x15: {  	_ =	swait.ge [sflag:s13], $0x9C4  }
0x16: {  	[sflag:s13] =	ssyncset.done $0x0  }
0x17: {  	[sflag:s13] =	ssyncadd.s32 $0xFFFFF63C  }
0x18: {  	[spmem:s14], [sflag:s6] =	dma.local [hbm:s7], $0x9C4  }
0x19: {  	_ =	swait.ge [sflag:s13], $0x9C4  }
0x1a: {  	[sflag:s13] =	ssyncset.done $0x0  }
0x1b: {  	[sflag:s13] =	ssyncadd.s32 $0xFFFFF63C  }
0x1c: {  	[tilespmem:s4], [sflag:$0x9] =	stream.linear.gather [hbm4b:s8+s4], $0x2710, $0x38;
	[tilespmem:$0x11260] =	vst v63  }
0x1d: {  	_ =	swait.ge [sflag:s13], $0x2710  }
0x1e: {  	[sflag:s13] =	ssyncset.done $0x0  }
0x1f: {  	[sflag:s13] =	ssyncadd.s32 $0xFFFFD8F0  }
0x20: {  	[tilespmem:s15], [sflag:$0x9] =	stream.linear.gather [hbm4b:s9+s4], $0x2710, $0x38;
	[tilespmem:$0x11260] =	vst v63  }
0x21: {  	_ =	swait.ge [sflag:s13], $0x2710  }
0x22: {  	[sflag:s13] =	ssyncset.done $0x0  }
0x23: {  	[sflag:s13] =	ssyncadd.s32 $0xFFFFD8F0  }
0x24: {  	[bflag:$0x0] =	sbarrier.arrive $0xFFFF  }
0x25: {  	[tilespmem:s17], [sflag:$0x1] =	stream.indirect.gather [spmem:s3], $0x20, s4, s16, $0xb8;
	[tilespmem:$0x11260] =	vst v63  }
0x26: {  	_ = 	snop  }
0x27: {  	[tilespmem:s18], [sflag:$0x2] =	stream.indirect.gather [spmem:s3], $0x20, s16, s16, $0xb8;
	[tilespmem:$0x11260] =	vst v63  }
0x28: {  	s0 =	simm.s32 $0xA0  }
0x29: {  	[tilespmem:s20], [sflag:$0x3] =	stream.indirect.gather [spmem:s3], $0x20, s0, s16, $0xb8;
	[tilespmem:$0x11260] =	vst v63  }
0x2a: {  	_ =	swait.ge [sflag:s21], $0xA00  }
0x2b: {  	[sflag:s21] =	ssyncset.done $0x0  }
0x2c: {  	[sflag:s21] =	ssyncadd.s32 $0xFFFFF600  }
0x2d: {  	[spmem:s2] =	stream.indirect.scatter.add.f32 [tilespmem:s17], [sflag:$0x5], $0x20, s15, s16, $0xb8;
	[tilespmem:$0x11260] =	vst v63  }
0x2e: {  	s22 =	simm.s32 $0xF0  }
0x2f: {  	[tilespmem:s23], [sflag:$0x4] =	stream.indirect.gather [spmem:s3], $0x20, s22, s16, $0xb8;
	[tilespmem:$0x11260] =	vst v63  }
0x30: {  	_ =	swait.ge [sflag:s24], $0xA00  }
0x31: {  	[sflag:s24] =	ssyncset.done $0x0  }
0x32: {  	s19 =	simm.s32 $0x2760;
	[sflag:s24] =	ssyncadd.s32 $0xFFFFF600  }
0x33: {  	[spmem:s2] =	stream.indirect.scatter.add.f32 [tilespmem:s18], [sflag:$0x6], $0x20, s19, s16, $0xb8;
	[tilespmem:$0x11260] =	vst v63  }
0x34: {  	_ =	swait.ge [sflag:s25], $0xA00  }
0x35: {  	[sflag:s25] =	ssyncset.done $0x0  }
0x36: {  	s0 =	simm.s32 $0x140;
	[sflag:s25] =	ssyncadd.s32 $0xFFFFF600  }
0x37: {  	[tilespmem:s17], [sflag:$0x1] =	stream.indirect.gather [spmem:s3], $0x20, s0, s16, $0xb8;
	[tilespmem:$0x11260] =	vst v63  }
0x38: {  	_ =	swait.ge [sflag:s26], $0xA00  }
0x39: {  	[sflag:s26] =	ssyncset.done $0x0  }
0x3a: {  	s22 =	simm.s32 $0x27B0;
	[sflag:s26] =	ssyncadd.s32 $0xFFFFF600  }
0x3b: {  	[spmem:s2] =	stream.indirect.scatter.add.f32 [tilespmem:s20], [sflag:$0x7], $0x20, s22, s16, $0xb8;
	[tilespmem:$0x11260] =	vst v63  }
0x3c: {  	_ =	swait.ge [sflag:s28], $0xA00  }
0x3d: {  	[sflag:s28] =	ssyncset.done $0x0  }
0x3e: {  	s0 =	simm.s32 $0x190;
	[sflag:s28] =	ssyncadd.s32 $0xFFFFF600  }
0x3f: {  	[tilespmem:s18], [sflag:$0x2] =	stream.indirect.gather [spmem:s3], $0x20, s0, s16, $0xb8;
	[tilespmem:$0x11260] =	vst v63  }
0x40: {  	_ =	swait.ge [sflag:s29], $0xA00  }
0x41: {  	[sflag:s29] =	ssyncset.done $0x0  }
0x42: {  	s22 =	simm.s32 $0x2800;
	[sflag:s29] =	ssyncadd.s32 $0xFFFFF600  }
0x43: {  	[spmem:s2] =	stream.indirect.scatter.add.f32 [tilespmem:s23], [sflag:$0x8], $0x20, s22, s16, $0xb8;
	[tilespmem:$0x11260] =	vst v63  }
0x44: {  	_ =	swait.ge [sflag:s30], $0xA00  }
0x45: {  	[sflag:s30] =	ssyncset.done $0x0  }
0x46: {  	s0 =	simm.s32 $0x1E0;
	[sflag:s30] =	ssyncadd.s32 $0xFFFFF600  }
0x47: {  	[tilespmem:s20], [sflag:$0x3] =	stream.indirect.gather [spmem:s3], $0x20, s0, s16, $0xb8;
	[tilespmem:$0x11260] =	vst v63  }
0x48: {  	_ =	swait.ge [sflag:s21], $0xA00  }
0x49: {  	[sflag:s21] =	ssyncset.done $0x0  }
0x4a: {  	s22 =	simm.s32 $0x2850;
	[sflag:s21] =	ssyncadd.s32 $0xFFFFF600  }
0x4b: {  	[spmem:s2] =	stream.indirect.scatter.add.f32 [tilespmem:s17], [sflag:$0x5], $0x20, s22, s16, $0xb8;
	[tilespmem:$0x11260] =	vst v63  }
0x4c: {  	_ =	swait.ge [sflag:s31], $0xA00  }
0x4d: {  	[sflag:s31] =	ssyncset.done $0x0  }
0x4e: {  	s19 =	simm.s32 $0x500;
	s22 =	simm.s32 $0x230;
	[sflag:s31] =	ssyncadd.s32 $0xFFFFF600  }
.LBB2_2:
0x4f: {  	[tilespmem:s23], [sflag:$0x4] =	stream.indirect.gather [spmem:s3], $0x20, s22, s16, $0xb8;
	[tilespmem:$0x11260] =	vst v63  }
0x50: {  	s22 =	smov.u32 s19  }
0x51: {  	p0 =	sne.s32 s19, $0x9100;
	s19 =	sadd.s32 $0x500, s19;
	_ =	swait.ge [sflag:s24], $0xA00  }
0x52: {  	s22 =	sshra.s32 s22, $0x2;
	[sflag:s24] =	ssyncset.done $0x0  }
0x53: {  	s0 =	sadd.s32 $0x2760, s22;
	[sflag:s24] =	ssyncadd.s32 $0xFFFFF600  }
0x54: {  	[spmem:s2] =	stream.indirect.scatter.add.f32 [tilespmem:s18], [sflag:$0x6], $0x20, s0, s16, $0xb8;
	[tilespmem:$0x11260] =	vst v63  }
0x55: {  	_ =	swait.ge [sflag:s25], $0xA00  }
0x56: {  	[sflag:s25] =	ssyncset.done $0x0  }
0x57: {  	s0 =	sadd.s32 $0x140, s22;
	[sflag:s25] =	ssyncadd.s32 $0xFFFFF600  }
0x58: {  	[tilespmem:s17], [sflag:$0x1] =	stream.indirect.gather [spmem:s3], $0x20, s0, s16, $0xb8;
	[tilespmem:$0x11260] =	vst v63  }
0x59: {  	_ =	swait.ge [sflag:s26], $0xA00  }
0x5a: {  	[sflag:s26] =	ssyncset.done $0x0  }
0x5b: {  	s0 =	sadd.s32 $0x27B0, s22;
	[sflag:s26] =	ssyncadd.s32 $0xFFFFF600  }
0x5c: {  	[spmem:s2] =	stream.indirect.scatter.add.f32 [tilespmem:s20], [sflag:$0x7], $0x20, s0, s16, $0xb8;
	[tilespmem:$0x11260] =	vst v63  }
0x5d: {  	_ =	swait.ge [sflag:s28], $0xA00  }
0x5e: {  	[sflag:s28] =	ssyncset.done $0x0  }
0x5f: {  	s0 =	sadd.s32 $0x190, s22;
	[sflag:s28] =	ssyncadd.s32 $0xFFFFF600  }
0x60: {  	[tilespmem:s18], [sflag:$0x2] =	stream.indirect.gather [spmem:s3], $0x20, s0, s16, $0xb8;
	[tilespmem:$0x11260] =	vst v63  }
0x61: {  	_ =	swait.ge [sflag:s29], $0xA00  }
0x62: {  	[sflag:s29] =	ssyncset.done $0x0  }
0x63: {  	s0 =	sadd.s32 $0x2800, s22;
	[sflag:s29] =	ssyncadd.s32 $0xFFFFF600  }
0x64: {  	[spmem:s2] =	stream.indirect.scatter.add.f32 [tilespmem:s23], [sflag:$0x8], $0x20, s0, s16, $0xb8;
	[tilespmem:$0x11260] =	vst v63  }
0x65: {  	_ =	swait.ge [sflag:s30], $0xA00  }
0x66: {  	[sflag:s30] =	ssyncset.done $0x0  }
0x67: {  	s0 =	sadd.s32 $0x1E0, s22;
	[sflag:s30] =	ssyncadd.s32 $0xFFFFF600  }
0x68: {  	[tilespmem:s20], [sflag:$0x3] =	stream.indirect.gather [spmem:s3], $0x20, s0, s16, $0xb8;
	[tilespmem:$0x11260] =	vst v63  }
0x69: {  	_ =	swait.ge [sflag:s21], $0xA00  }
0x6a: {  	[sflag:s21] =	ssyncset.done $0x0  }
.Ltmp0:
0x6b: {  	s0 =	sadd.s32 $0x2850, s22;
	[sflag:s21] =	ssyncadd.s32 $0xFFFFF600;
	(pc) =	sbr.rel @p0 .LBB2_2-.Ltmp0, $4  }
0x6c: {  	[spmem:s2] =	stream.indirect.scatter.add.f32 [tilespmem:s17], [sflag:$0x5], $0x20, s0, s16, $0xb8;
	[tilespmem:$0x11260] =	vst v63  }
0x6d: {  	_ =	swait.ge [sflag:s31], $0xA00  }
0x6e: {  	[sflag:s31] =	ssyncset.done $0x0  }
0x6f: {  	s22 =	sadd.s32 $0x230, s22;
	[sflag:s31] =	ssyncadd.s32 $0xFFFFF600  }
0x70: {  	[tilespmem:s23], [sflag:$0x4] =	stream.indirect.gather [spmem:s3], $0x20, s22, s16, $0xb8;
	[tilespmem:$0x11260] =	vst v63  }
0x71: {  	_ =	swait.ge [sflag:s24], $0xA00  }
0x72: {  	[sflag:s24] =	ssyncset.done $0x0  }
0x73: {  	s0 =	simm.s32 $0x4CE0;
	[sflag:s24] =	ssyncadd.s32 $0xFFFFF600  }
0x74: {  	[spmem:s2] =	stream.indirect.scatter.add.f32 [tilespmem:s18], [sflag:$0x6], $0x20, s0, s16, $0xb8;
	[tilespmem:$0x11260] =	vst v63  }
0x75: {  	_ =	swait.ge [sflag:s25], $0xA00  }
0x76: {  	[sflag:s25] =	ssyncset.done $0x0  }
0x77: {  	s19 =	simm.s32 $0x26C0;
	[sflag:s25] =	ssyncadd.s32 $0xFFFFF600  }
0x78: {  	[tilespmem:s17], [sflag:$0x1] =	stream.indirect.gather [spmem:s3], $0x20, s19, s16, $0xb8;
	[tilespmem:$0x11260] =	vst v63  }
0x79: {  	_ =	swait.ge [sflag:s26], $0xA00  }
0x7a: {  	[sflag:s26] =	ssyncset.done $0x0  }
0x7b: {  	s22 =	simm.s32 $0x4D30;
	[sflag:s26] =	ssyncadd.s32 $0xFFFFF600  }
0x7c: {  	[spmem:s2] =	stream.indirect.scatter.add.f32 [tilespmem:s20], [sflag:$0x7], $0x20, s22, s16, $0xb8;
	[tilespmem:$0x11260] =	vst v63  }
0x7d: {  	_ =	swait.ge [sflag:s28], $0xA00  }
0x7e: {  	[sflag:s28] =	ssyncset.done $0x0  }
0x7f: {  	[sflag:s28] =	ssyncadd.s32 $0xFFFFF600  }
0x80: {  	_ =	swait.ge [sflag:s29], $0xA00  }
0x81: {  	[sflag:s29] =	ssyncset.done $0x0  }
0x82: {  	s19 =	simm.s32 $0x4D80;
	[sflag:s29] =	ssyncadd.s32 $0xFFFFF600  }
0x83: {  	[spmem:s2] =	stream.indirect.scatter.add.f32 [tilespmem:s23], [sflag:$0x8], $0x20, s19, s16, $0xb8;
	[tilespmem:$0x11260] =	vst v63  }
0x84: {  	_ =	swait.ge [sflag:s30], $0xA00  }
0x85: {  	[sflag:s30] =	ssyncset.done $0x0  }
0x86: {  	[sflag:s30] =	ssyncadd.s32 $0xFFFFF600  }
0x87: {  	_ =	swait.ge [sflag:s21], $0xA00  }
0x88: {  	[sflag:s21] =	ssyncset.done $0x0  }
0x89: {  	s22 =	simm.s32 $0x4DD0;
	[sflag:s21] =	ssyncadd.s32 $0xFFFFF600  }
0x8a: {  	[spmem:s2] =	stream.indirect.scatter.add.f32 [tilespmem:s17], [sflag:$0x5], $0x20, s22, s16, $0xb8;
	[tilespmem:$0x11260] =	vst v63  }
0x8b: {  	_ =	swait.ge [sflag:s31], $0xA00  }
0x8c: {  	[sflag:s31] =	ssyncset.done $0x0  }
0x8d: {  	[sflag:s31] =	ssyncadd.s32 $0xFFFFF600  }
0x8e: {  	_ =	swait.ge [sflag:s25], $0xA00  }
0x8f: {  	s1 =	sadd.s32 $0x1, s1;
	[sflag:s25] =	ssyncset.done $0x0  }
0x90: {  	p0 =	sne.s32 s1, s11;
	[sflag:s25] =	ssyncadd.s32 $0xFFFFF600  }
.Ltmp1:
0x91: {  	[bflag:$0x0] =	sbarrier.arrive $0xFFFF;
	(pc) =	sbr.rel @p0 .LBB2_1-.Ltmp1, $4  }
0x92: {  	[hbm:s10], [sflag:s6] =	dma.local [spmem:s12], $0x9C4  }
0x93: {  	_ =	swait.ge [sflag:s13], $0x9C4  }
0x94: {  	[sflag:s13] =	ssyncset.done $0x0  }
0x95: {  	[sflag:s13] =	ssyncadd.s32 $0xFFFFF63C  }
0x96: {  	_ =	sfence.sel $0x180000  }
0x97: {  	[bflag:$0x0] =	sbarrier.arrive $0xFFFF  }
0x98: {  	_ =	strace $0x9000004D  }
0x99: {  	s0 =	stileid.u32;
	[bflag:$0x2] =	sbarrier.arrive $0xFFFF  }
0x9a: {  	p0 =	sne.s32 s0, $0x0;
	s0 =	rddreg [dreg:$0x4]  }
0x9b: {  	s0 =	sadd.s32 @!p0 $0x100000, s0  }
0x9c: {  	[sflag:s0] =	ssyncadd.tile.s32 @!p0 $0x1;
	_ =	shalt  }
.Lfunc_end2:
_tile_overlayer_lowered:
.L_overlay_start_2:
0x9d: {  	(tag) =	ssettag $0x2  }
0x9e: {  	s0 =	rddreg [dreg:$0x0];
	s2 =	stileid.u32  }
0x9f: {  	s1 =	rddreg [dreg:$0x1];
	p0 =	sne.s32 s2, $0x0  }
0xa0: {  	s3 =	rddreg [dreg:$0x2];
	[bflag:$0x3] =	sbarrier.arrive $0xFFFF;
	s2 =	simm.s32 @!p0 $0x1C09  }
0xa1: {  	[timem:s3], [sflag:s2] =	dma.local @!p0 [hbm:s0], s1  }
0xa2: {  	s0 =	simm.s32 @!p0 $0x9  }
0xa3: {  	_ =	swait.ge @!p0 [sflag:s0], s1  }
0xa4: {  	s1 =	ssub.s32 @!p0 $0x0, s1;
	[sflag:s0] =	ssyncset.done @!p0 $0x0  }
0xa5: {  	[sflag:s0] =	ssyncadd.s32 @!p0 s1  }
0xa6: {  	[bflag:$0x3] =	sbarrier.arrive $0xFFFF  }
0xa7: {  	_ =	shalt  }

// kernel: kernel.9.cloned.1.call-start
scs
__scs_entry_jumppad:
0x0: {  	(pc) =	sbr.rel $0x88, $3  }
0x1: {  	(tag) =	ssettag $0x0;
	lr =	simm.s32 $0x1  }
0x2: {  	[smem:$0x3F9C] =	sst lr;
	_ =	strace $0xD0000000  }
0x3: {  	_ = 	snop  }
0x4: {  	_ = 	snop  }
0x5: {  	_ = 	snop  }
0x6: {  	_ = 	snop  }
0x7: {  	_ = 	snop  }
__scs_overlays_trampoline_lowered:
0x8: {  	[smem:$0x3FAB] =	sst s0  }
0x9: {  	[smem:$0x3FAC] =	sst s1  }
0xa: {  	[smem:$0x3FAD] =	sst s2  }
0xb: {  	[smem:$0x3FAE] =	sst s3  }
0xc: {  	[smem:$0x3FAF] =	sst s4  }
0xd: {  	[smem:$0x3FB0] =	sst s5  }
0xe: {  	[smem:$0x3FB1] =	sst s6  }
0xf: {  	[smem:$0x3FB2] =	sst s7  }
0x10: {  	[smem:$0x3FB3] =	sst s8  }
0x11: {  	[smem:$0x3FB4] =	sst s9;
	s0 =	simm.s32 @!p0 $0x0  }
0x12: {  	s1 =	sld [smem:$0x3F9A];
	s0 =	simm.s32 @p0 $0x1  }
0x13: {  	[smem:$0x3FB5] =	sst s0;
	s0 =	simm.s32 @!p1 $0x0  }
0x14: {  	s2 =	sld [smem:$0x3F99];
	s0 =	simm.s32 @p1 $0x1  }
0x15: {  	[smem:$0x3FB6] =	sst s0;
	s0 =	simm.s32 @!p2 $0x0  }
0x16: {  	s3 =	sld [smem:$0x3FDB];
	s0 =	simm.s32 @p2 $0x1  }
0x17: {  	s4 =	simm.s32 $0x1BF5;
	[smem:$0x3FB8] =	sst s0  }
0x18: {  	s0 =	sld [smem:$0x3F9B];
	_ =	swait.ge [sflag:s4], $0x0  }
0x19: {  	s7 =	sld [smem:$0x3F9C]  }
0x1a: {  	s8 =	sadd.s32 $0xFFFFE003, lr  }
0x1b: {  	s9 =	sadd.s32 $0xFFFFFEF7, lr;
	s5 =	simm.s32 $0xFFFFFFFF;
	p2 =	slt.u32 s8, $0xFFFFF086  }
0x1c: {  	p1 =	slt.u32 s9, $0xF7A;
	s5 =	simm.s32 @!p2 $0x0  }
0x1d: {  	s5 =	simm.s32 @p1 $0x1;
	p0 =	seq.s32 s7, s2  }
0x1e: {  	s7 =	smul.u32 @!p0 $0xF7A, s2;
	p2 =	seq.s32 @!p0 s5, $0x0  }
0x1f: {  	s9 =	smul.u32 $0xF7A, s1;
	s8 =	simm.s32 @!p0 $0x1BF5;
	p2 =	por !p2, p0  }
0x20: {  	[sflag:s8] =	ssyncset.s32 @!p0 $0xFFFFF086;
	s6 =	sadd.s32 @!p0 s3, s7;
	s7 =	simm.s32 @!p0 $0x108  }
0x21: {  	s3 =	sadd.s32 s3, s9;
	s6 =	sadd.s32 @!p0 $0x88, s6;
	s7 =	simm.s32 @p2 $0x1082  }
0x22: {  	[simem:s7], [sflag:s8] =	dma.local @!p0 [hbm:s6], $0xF7A  }
0x23: {  	s9 =	sor.u32 $0xD0000000, s2;
	s6 =	simm.s32 $0x108;
	_ =	swait.ge @!p0 [sflag:s8], $0x0  }
0x24: {  	s3 =	sadd.s32 $0x88, s3;
	s6 =	simm.s32 @!p1 $0x1082;
	[sflag:s4] =	ssyncset.s32 $0xFFFFF086  }
0x25: {  	[simem:s6], [sflag:s4] =	dma.local [hbm:s3], $0xF7A  }
0x26: {  	[smem:$0x3F9C] =	sst s1;
	(tag) =	ssettag s2;
	_ =	strace s9  }
0x27: {  	s1 =	sld [smem:$0x3FAC]  }
0x28: {  	s2 =	sld [smem:$0x3FAD]  }
0x29: {  	s4 =	sld [smem:$0x3FAF]  }
0x2a: {  	p0 =	seq.s32 s5, $0x0;
	s5 =	sld [smem:$0x3FB0]  }
0x2b: {  	s6 =	sld [smem:$0x3FB1]  }
0x2c: {  	s7 =	sld [smem:$0x3FB2]  }
0x2d: {  	s3 =	simm.s32 $0x108;
	s8 =	sld [smem:$0x3FB3]  }
0x2e: {  	s3 =	simm.s32 @!p0 $0x1082;
	s9 =	sld [smem:$0x3FB4]  }
0x2f: {  	lr =	sadd.s32 s0, s3;
	s0 =	sld [smem:$0x3FAB]  }
0x30: {  	s3 =	sld [smem:$0x3FAE]  }
0x31: {  	[smem:$0x3FB7] =	sst s10  }
0x32: {  	s10 =	sld [smem:$0x3FB5];
	_ =	sdelay $0x3  }
0x33: {  	p0 =	seq.s32 s10, $0x1;
	s10 =	sld [smem:$0x3FB7];
	_ =	sdelay $0x3  }
0x34: {  	[smem:$0x3FB7] =	sst s10  }
0x35: {  	s10 =	sld [smem:$0x3FB6];
	_ =	sdelay $0x3  }
0x36: {  	p1 =	seq.s32 s10, $0x1;
	s10 =	sld [smem:$0x3FB7];
	_ =	sdelay $0x3  }
0x37: {  	[smem:$0x3FB7] =	sst s10  }
0x38: {  	s10 =	sld [smem:$0x3FB8]  }
0x39: {  	_ = 	snop;
	(pc) =	sbr.ind lr, $3  }
0x3a: {  	_ = 	snop  }
0x3b: {  	_ = 	snop  }
0x3c: {  	p2 =	seq.s32 s10, $0x1;
	s10 =	sld [smem:$0x3FB7]  }
0x3d: {  	_ =	shalt  }
0x3e: {  	_ =	shalt  }
0x3f: {  	_ =	shalt  }
0x40: {  	_ =	shalt  }
0x41: {  	_ =	shalt  }
0x42: {  	_ =	shalt  }
0x43: {  	_ =	shalt  }
0x44: {  	_ =	shalt  }
0x45: {  	_ =	shalt  }
0x46: {  	_ =	shalt  }
0x47: {  	_ =	shalt  }
0x48: {  	_ =	shalt  }
0x49: {  	_ =	shalt  }
0x4a: {  	_ =	shalt  }
0x4b: {  	_ =	shalt  }
0x4c: {  	_ =	shalt  }
0x4d: {  	_ =	shalt  }
0x4e: {  	_ =	shalt  }
0x4f: {  	_ =	shalt  }
0x50: {  	_ =	shalt  }
0x51: {  	_ =	shalt  }
0x52: {  	_ =	shalt  }
0x53: {  	_ =	shalt  }
0x54: {  	_ =	shalt  }
0x55: {  	_ =	shalt  }
0x56: {  	_ =	shalt  }
0x57: {  	_ =	shalt  }
0x58: {  	_ =	shalt  }
0x59: {  	_ =	shalt  }
0x5a: {  	_ =	shalt  }
0x5b: {  	_ =	shalt  }
0x5c: {  	_ =	shalt  }
0x5d: {  	_ =	shalt  }
0x5e: {  	_ =	shalt  }
0x5f: {  	_ =	shalt  }
0x60: {  	_ =	shalt  }
0x61: {  	_ =	shalt  }
0x62: {  	_ =	shalt  }
0x63: {  	_ =	shalt  }
0x64: {  	_ =	shalt  }
0x65: {  	_ =	shalt  }
0x66: {  	_ =	shalt  }
0x67: {  	_ =	shalt  }
0x68: {  	_ =	shalt  }
0x69: {  	_ =	shalt  }
0x6a: {  	_ =	shalt  }
0x6b: {  	_ =	shalt  }
0x6c: {  	_ =	shalt  }
0x6d: {  	_ =	shalt  }
0x6e: {  	_ =	shalt  }
0x6f: {  	_ =	shalt  }
0x70: {  	_ =	shalt  }
0x71: {  	_ =	shalt  }
0x72: {  	_ =	shalt  }
0x73: {  	_ =	shalt  }
0x74: {  	_ =	shalt  }
0x75: {  	_ =	shalt  }
0x76: {  	_ =	shalt  }
0x77: {  	_ =	shalt  }
0x78: {  	_ =	shalt  }
0x79: {  	_ =	shalt  }
0x7a: {  	_ =	shalt  }
0x7b: {  	_ =	shalt  }
0x7c: {  	_ =	shalt  }
0x7d: {  	_ =	shalt  }
0x7e: {  	_ =	shalt  }
0x7f: {  	_ =	shalt  }
0x80: {  	_ =	shalt  }
0x81: {  	_ =	shalt  }
0x82: {  	_ =	shalt  }
0x83: {  	_ =	shalt  }
0x84: {  	_ =	shalt  }
0x85: {  	_ =	shalt  }
0x86: {  	_ =	shalt  }
0x87: {  	_ =	shalt  }
.Lfunc_end0:
.L_simem_size_0:
called_computation_lowered:
.L_overlay_start_0:
0x88: {  	s2 =	sld [smem:$0x3FD9]  }
0x89: {  	s3 =	sld [smem:$0x3FFE];
	_ =	sdelay $0x1  }
0x8a: {  	s1 =	srdreg.scid  }
0x8b: {  	s0 =	sand.u32 $0x1, s1  }
0x8c: {  	s17 =	sshll.u32 s0, $0xA;
	s2 =	sadd.s32 s3, s2  }
0x8d: {  	s2 =	sadd.s32 s2, s17  }
0x8e: {  	[smem:$0x3FC3] =	sst s2  }
0x8f: {  	_ = 	snop  }
0x90: {  	s2 =	sld [smem:$0x3FD0];
	(tm) =	ssettm $0x1  }
0x91: {  	s18 =	sld [smem:$0x3FFB];
	_ =	sdelay $0x3  }
0x92: {  	_ =	strace s18  }
0x93: {  	s3 =	sld [smem:$0x3FFC];
	_ =	sdelay $0x3  }
0x94: {  	_ =	strace s3  }
0x95: {  	s3 =	sld [smem:$0x3FFD];
	_ =	sdelay $0x3  }
0x96: {  	_ =	strace s3  }
0x97: {  	_ =	strace $0x8FFFFFFF  }
0x98: {  	s19 =	sld [smem:$0x3FDB];
	_ =	sdelay $0x1  }
0x99: {  	s4 =	simm.s32 $_scs_section_size  }
0x9a: {  	s5 =	simm.s32 $_size__tile_overlayer_lowered;
	s6 =	simm.s32 $_tile_overlayer_lowered  }
0x9b: {  	s22 =	simm.s32 $0x1BFF;
	s21 =	sshll.u32 s6, $0x1;
	s3 =	sadd.s32 s4, s19  }
0x9c: {  	s7 =	simm.s32 $0x0;
	s20 =	sshll.u32 s5, $0x1;
	s5 =	sadd.s32 s21, s3  }
0x9d: {  	[timem:s7], [sflag:s22] =	dma.local [hbm:s5], s20  }
0x9e: {  	_ =	swait.ge [sflag:s22], s20  }
0x9f: {  	s4 =	ssub.s32 $0x0, s20;
	[sflag:s22] =	ssyncset.done $0x0  }
0xa0: {  	[sflag:s22] =	ssyncadd.s32 s4;
	_ =	sdelay $0x1  }
0xa1: {  	s23 =	simm.s32 $0x1B8B  }
0xa2: {  	_ =	swait.ge [sflag:s23], $0x1  }
0xa3: {  	[sflag:s23] =	ssyncset.done $0x0  }
0xa4: {  	s25 =	simm.s32 $0x1B8E;
	s24 =	sld [smem:$0x3FFE];
	[sflag:s23] =	ssyncadd.s32 $0xFFFFFFFF  }
0xa5: {  	s26 =	simm.s32 $execute0_lowered;
	[smem:$0x3FD2] =	sst s25  }
0xa6: {  	s5 =	sshll.u32 s26, $0x1;
	_ =	strace $0x80000046;
	[dreg:$0x1] =	wrdreg $0xFFFFFFFF  }
0xa7: {  	s28 =	simm.s32 $_size_execute0_lowered;
	s3 =	sadd.s32 s3, s5;
	[dreg:$0x0] =	wrdreg $0x0  }
0xa8: {  	s5 =	sshll.u32 s28, $0x1;
	[dreg:$0x2] =	wrdreg s3  }
0xa9: {  	[dreg:$0x3] =	wrdreg s5  }
0xaa: {  	[dreg:$0x4] =	wrdreg $0xC0  }
0xab: {  	_ =	task [dreg:s7], $0x5FFFF  }
0xac: {  	[dreg:$0x1] =	wrdreg $0xFFFFFFFF  }
0xad: {  	[dreg:$0x0] =	wrdreg $0x60  }
0xae: {  	[dreg:$0x2] =	wrdreg s24  }
0xaf: {  	[dreg:$0x3] =	wrdreg s2  }
0xb0: {  	[dreg:$0x4] =	wrdreg $0x2C100  }
0xb1: {  	[dreg:$0x5] =	wrdreg $0x9  }
0xb2: {  	_ =	task.clear_ibuf [dreg:s7], $0x6FFFF;
	_ =	strace $0x90000046  }
0xb3: {  	s29 =	simm.s32 $0x9;
	_ =	strace $0x80000048  }
0xb4: {  	_ =	swait.ge [sflag:s29], $0x1  }
0xb5: {  	[sflag:s29] =	ssyncadd.s32 $0xFFFFFFFF  }
0xb6: {  	_ =	strace $0x90000048  }
0xb7: {  	_ =	sfence  }
0xb8: {  	s30 =	sld [smem:$0x0];
	_ =	sdelay $0x2  }
0xb9: {  	s31 =	sshll.u32 s1, $0xD;
	s1 =	sshrl.u32 s1, $0x2  }
0xba: {  	s3 =	sand.u32 $0x4000, s31;
	s1 =	sadd.s32 s1, s30  }
0xbb: {  	s0 =	sor.u32 s3, s0;
	s1 =	sshll.u32 s1, $0x11  }
0xbc: {  	s0 =	sor.u32 s1, s0  }
0xbd: {  	s0 =	sadd.s32 $0x8F2B, s0  }
0xbe: {  	[sflag:s0] =	ssyncadd.remote.s32 $0x1  }
0xbf: {  	_ =	sfence.sel $0xFFFF  }
0xc0: {  	[dreg:$0x0] =	wrdreg $0xFFFFFFFF;
	(pc) =	sbr.abs _section_cstart, $3  }
0xc1: {  	[dreg:$0x1] =	wrdreg $0xFFFFFFFF  }
0xc2: {  	_ =	task.clear_ibuf [dreg:s7], $0x2FFFF;
	_ =	strace $0x9FFFFFFF  }
0xc3: {  	(tm) =	ssettm $0x7FFFFFFF  }
tec
execute0_lowered:
.L_overlay_start_1:
0x0: {  	(tag) =	ssettag $0x1  }
0x1: {  	s5 =	rddreg [dreg:$0x0]  }
0x2: {  	s0 =	srdreg.scid;
	s7 =	rddreg [dreg:$0x1]  }
0x3: {  	s2 =	rddreg [dreg:$0x2];
	s3 =	simm.s32 $0x0;
	s13 =	simm.s32 $0xA0  }
0x4: {  	s14 =	simm.s32 $0xF0;
	s15 =	simm.s32 $0x1;
	s16 =	simm.s32 $0x2  }
0x5: {  	s17 =	simm.s32 $0x3;
	s4 =	sand.u32 $0x1, s0;
	s0 =	stileid.u32  }
0x6: {  	s18 =	simm.s32 $0x4;
	s19 =	simm.s32 $0x26C0;
	s8 =	smul.u32 $0x9C40, s0  }
0x7: {  	s20 =	simm.s32 $0x0;
	[smem:$0x7FF] =	sst s3;
	s10 =	smul.u32 $0x27100, s4  }
0x8: {  	s1 =	sshll.u32 s4, $0x4;
	s9 =	ssub.s32 $0x2, s4;
	s12 =	smul.u32 $0x2710, s0  }
0x9: {  	s4 =	sadd.s32 $0x15000, s5;
	s29 =	sshll.u32 s0, $0x6;
	s1 =	sor.u32 s0, s1  }
0xa: {  	s11 =	sshrl.u32 s9, $0x1;
	s6 =	smul.u32 $0x4E2, s1;
	s1 =	rddreg [dreg:$0x3]  }
0xb: {  	_ =	strace $0x80000047;
	s9 =	ssub.s32 s9, s11;
	s28 =	sshrl.u32 s8, $0x2  }
0xc: {  	s10 =	sadd.s32 s12, s10;
	s11 =	simm.s32 $0x50;
	s12 =	simm.s32 $0x2710  }
0xd: {  	s30 =	sadd.s32 s28, s2;
	s31 =	sshrl.u32 s10, $0x3;
	s8 =	smax.u32 s9, $0x1  }
0xe: {  	s10 =	simm.s32 $0x5;
	s6 =	sadd.s32 s6, s5;
	s5 =	sor.u32 $0x1C05, s29  }
0xf: {  	v0 =	vimm.f32 $1.000000000e+00;
	s7 =	sadd.s32 s7, s31;
	s9 =	sshrl.u32 s30, $0x3;
	s6 =	sadd.s32 $0xB200, s6  }
.LBB2_1:
0x10: {  	[spmem:s9], [sflag:s5] =	dma.local [hbm:s4], $0x4E2  }
0x11: {  	_ =	swait.ge [sflag:s10], $0x4E2  }
0x12: {  	[sflag:s10] =	ssyncset.done $0x0  }
0x13: {  	[sflag:s10] =	ssyncadd.s32 $0xFFFFFB1E  }
0x14: {  	[tilespmem:s3], [sflag:$0x5] =	stream.linear.gather [hbm4b:s6+s3], $0x2710, $0x38;
	[tilespmem:$0x5320] =	vst v63  }
0x15: {  	_ =	swait.ge [sflag:s10], $0x2710  }
0x16: {  	[sflag:s10] =	ssyncset.done $0x0  }
0x17: {  	s21 =	simm.s32 $0x40;
	s22 =	simm.s32 $0x0;
	[sflag:s10] =	ssyncadd.s32 $0xFFFFD8F0  }
.LBB2_2:
0x18: {  	p0 =	sne.s32 s21, $0x13C0;
	[tilespmem:s22+$0x2710] =	vst v0;
	s22 =	smov.u32 s21;
	s21 =	sadd.s32 $0x40, s21  }
.Ltmp0:
0x19: {  	(pc) =	sbr.rel @p0 .LBB2_2-.Ltmp0, $2  }
0x1a: {  	_ =	sdelay $0x2  }
0x1b: {  	s22 =	sshra.s32 s22, $0x2  }
0x1c: {  	[tilespmem:s22+$0x2710] =	vst v0  }
0x1d: {  	[bflag:$0x0] =	sbarrier.arrive $0xFFFF  }
0x1e: {  	[spmem:s2] =	stream.indirect.scatter.add.f32 [tilespmem:s12], [sflag:$0x1], $0x10, s3, s11, $0xb8;
	[tilespmem:$0x5320] =	vst v63  }
0x1f: {  	_ = 	snop  }
0x20: {  	[spmem:s2] =	stream.indirect.scatter.add.f32 [tilespmem:s12], [sflag:$0x2], $0x10, s11, s11, $0xb8;
	[tilespmem:$0x5320] =	vst v63  }
0x21: {  	_ = 	snop  }
0x22: {  	[spmem:s2] =	stream.indirect.scatter.add.f32 [tilespmem:s12], [sflag:$0x3], $0x10, s13, s11, $0xb8;
	[tilespmem:$0x5320] =	vst v63  }
0x23: {  	_ = 	snop  }
0x24: {  	[spmem:s2] =	stream.indirect.scatter.add.f32 [tilespmem:s12], [sflag:$0x4], $0x10, s14, s11, $0xb8;
	[tilespmem:$0x5320] =	vst v63  }
0x25: {  	_ =	swait.ge [sflag:s15], $0x500  }
0x26: {  	[sflag:s15] =	ssyncset.done $0x0  }
0x27: {  	s21 =	simm.s32 $0x140;
	[sflag:s15] =	ssyncadd.s32 $0xFFFFFB00  }
0x28: {  	[spmem:s2] =	stream.indirect.scatter.add.f32 [tilespmem:s12], [sflag:$0x1], $0x10, s21, s11, $0xb8;
	[tilespmem:$0x5320] =	vst v63  }
0x29: {  	_ =	swait.ge [sflag:s16], $0x500  }
0x2a: {  	[sflag:s16] =	ssyncset.done $0x0  }
0x2b: {  	s30 =	simm.s32 $0x190;
	[sflag:s16] =	ssyncadd.s32 $0xFFFFFB00  }
0x2c: {  	[spmem:s2] =	stream.indirect.scatter.add.f32 [tilespmem:s12], [sflag:$0x2], $0x10, s30, s11, $0xb8;
	[tilespmem:$0x5320] =	vst v63  }
0x2d: {  	_ =	swait.ge [sflag:s17], $0x500  }
0x2e: {  	[sflag:s17] =	ssyncset.done $0x0  }
0x2f: {  	s31 =	simm.s32 $0x1E0;
	[sflag:s17] =	ssyncadd.s32 $0xFFFFFB00  }
0x30: {  	[spmem:s2] =	stream.indirect.scatter.add.f32 [tilespmem:s12], [sflag:$0x3], $0x10, s31, s11, $0xb8;
	[tilespmem:$0x5320] =	vst v63  }
0x31: {  	_ =	swait.ge [sflag:s18], $0x500  }
0x32: {  	[sflag:s18] =	ssyncset.done $0x0  }
0x33: {  	s22 =	simm.s32 $0x230;
	s21 =	simm.s32 $0xFFFF6F00;
	[sflag:s18] =	ssyncadd.s32 $0xFFFFFB00  }
.LBB2_4:
0x34: {  	[spmem:s2] =	stream.indirect.scatter.add.f32 [tilespmem:s12], [sflag:$0x4], $0x10, s22, s11, $0xb8;
	[tilespmem:$0x5320] =	vst v63  }
0x35: {  	s22 =	smov.u32 s21  }
0x36: {  	p0 =	sne.s32 s21, $0xFFFFFB00;
	s21 =	sadd.s32 $0x500, s21;
	_ =	swait.ge [sflag:s15], $0x500  }
0x37: {  	s22 =	sshra.s32 s22, $0x2;
	[sflag:s15] =	ssyncset.done $0x0  }
0x38: {  	s23 =	sadd.s32 $0x26C0, s22;
	[sflag:s15] =	ssyncadd.s32 $0xFFFFFB00  }
0x39: {  	[spmem:s2] =	stream.indirect.scatter.add.f32 [tilespmem:s12], [sflag:$0x1], $0x10, s23, s11, $0xb8;
	[tilespmem:$0x5320] =	vst v63  }
0x3a: {  	_ =	swait.ge [sflag:s16], $0x500  }
0x3b: {  	[sflag:s16] =	ssyncset.done $0x0  }
0x3c: {  	s23 =	sadd.s32 $0x2710, s22;
	[sflag:s16] =	ssyncadd.s32 $0xFFFFFB00  }
0x3d: {  	[spmem:s2] =	stream.indirect.scatter.add.f32 [tilespmem:s12], [sflag:$0x2], $0x10, s23, s11, $0xb8;
	[tilespmem:$0x5320] =	vst v63  }
0x3e: {  	_ =	swait.ge [sflag:s17], $0x500  }
0x3f: {  	[sflag:s17] =	ssyncset.done $0x0  }
.Ltmp1:
0x40: {  	s23 =	sadd.s32 $0x2760, s22;
	[sflag:s17] =	ssyncadd.s32 $0xFFFFFB00;
	(pc) =	sbr.rel @p0 .LBB2_4-.Ltmp1, $4  }
0x41: {  	[spmem:s2] =	stream.indirect.scatter.add.f32 [tilespmem:s12], [sflag:$0x3], $0x10, s23, s11, $0xb8;
	[tilespmem:$0x5320] =	vst v63  }
0x42: {  	_ =	swait.ge [sflag:s18], $0x500  }
0x43: {  	[sflag:s18] =	ssyncset.done $0x0  }
0x44: {  	s22 =	sadd.s32 $0x27B0, s22;
	[sflag:s18] =	ssyncadd.s32 $0xFFFFFB00  }
0x45: {  	[spmem:s2] =	stream.indirect.scatter.add.f32 [tilespmem:s12], [sflag:$0x4], $0x10, s22, s11, $0xb8;
	[tilespmem:$0x5320] =	vst v63  }
0x46: {  	_ =	swait.ge [sflag:s15], $0x500  }
0x47: {  	[sflag:s15] =	ssyncset.done $0x0  }
0x48: {  	[sflag:s15] =	ssyncadd.s32 $0xFFFFFB00  }
0x49: {  	[spmem:s2] =	stream.indirect.scatter.add.f32 [tilespmem:s12], [sflag:$0x1], $0x10, s19, s11, $0xb8;
	[tilespmem:$0x5320] =	vst v63  }
0x4a: {  	_ =	swait.ge [sflag:s16], $0x500  }
0x4b: {  	[sflag:s16] =	ssyncset.done $0x0  }
0x4c: {  	[sflag:s16] =	ssyncadd.s32 $0xFFFFFB00  }
0x4d: {  	_ =	swait.ge [sflag:s17], $0x500  }
0x4e: {  	[sflag:s17] =	ssyncset.done $0x0  }
0x4f: {  	[sflag:s17] =	ssyncadd.s32 $0xFFFFFB00  }
0x50: {  	_ =	swait.ge [sflag:s18], $0x500  }
0x51: {  	[sflag:s18] =	ssyncset.done $0x0  }
0x52: {  	[sflag:s18] =	ssyncadd.s32 $0xFFFFFB00  }
0x53: {  	_ =	swait.ge [sflag:s15], $0x500  }
0x54: {  	s20 =	sadd.s32 $0x1, s20;
	[sflag:s15] =	ssyncset.done $0x0  }
0x55: {  	p0 =	sne.s32 s20, s8;
	[sflag:s15] =	ssyncadd.s32 $0xFFFFFB00  }
.Ltmp2:
0x56: {  	[bflag:$0x0] =	sbarrier.arrive $0xFFFF;
	(pc) =	sbr.rel @p0 .LBB2_1-.Ltmp2, $4  }
0x57: {  	[hbm:s7], [sflag:s5] =	dma.local [spmem:s9], $0x4E2  }
0x58: {  	_ =	swait.ge [sflag:s10], $0x4E2  }
0x59: {  	[sflag:s10] =	ssyncset.done $0x0  }
0x5a: {  	[sflag:s10] =	ssyncadd.s32 $0xFFFFFB1E  }
0x5b: {  	_ =	sfence.sel $0x180000  }
0x5c: {  	[bflag:$0x0] =	sbarrier.arrive $0xFFFF  }
0x5d: {  	p0 =	sne.s32 s0, $0x0;
	_ =	strace $0x90000047  }
0x5e: {  	s0 =	sadd.s32 @!p0 $0x100000, s1;
	[bflag:$0x2] =	sbarrier.arrive $0xFFFF  }
0x5f: {  	[sflag:s0] =	ssyncadd.tile.s32 @!p0 $0x1;
	_ =	shalt  }
.Lfunc_end2:
_tile_overlayer_lowered:
.L_overlay_start_2:
0x60: {  	(tag) =	ssettag $0x2  }
0x61: {  	s0 =	rddreg [dreg:$0x0];
	s2 =	stileid.u32  }
0x62: {  	s1 =	rddreg [dreg:$0x1];
	p0 =	sne.s32 s2, $0x0  }
0x63: {  	s3 =	rddreg [dreg:$0x2];
	[bflag:$0x3] =	sbarrier.arrive $0xFFFF;
	s2 =	simm.s32 @!p0 $0x1C05  }
0x64: {  	[timem:s3], [sflag:s2] =	dma.local @!p0 [hbm:s0], s1  }
0x65: {  	s0 =	simm.s32 @!p0 $0x5  }
0x66: {  	_ =	swait.ge @!p0 [sflag:s0], s1  }
0x67: {  	s1 =	ssub.s32 @!p0 $0x0, s1;
	[sflag:s0] =	ssyncset.done @!p0 $0x0  }
0x68: {  	[sflag:s0] =	ssyncadd.s32 @!p0 s1  }
0x69: {  	[bflag:$0x3] =	sbarrier.arrive $0xFFFF  }
0x6a: {  	_ =	shalt  }

</sc_bundles>
